<compile_context>
chip_gen: v7x
topology: tpu7x:2x2x1
jax: 0.10.2.dev20260603
libtpu: 0.0.44.dev20260713+nightly
codegen_flags: <defaults>
</compile_context>

<pallas_src>
import dataclasses

import jax
import jax.numpy as jnp
from jax import lax
from jax.experimental import pallas as pl
from jax.experimental.pallas import tpu as pltpu
from jax.experimental.pallas import tpu_sc as plsc

_B, _N, _C, _K = 2, 4096, 64, 32
_NSUB = 16
_QPS = _N // _NSUB
_NCH = _N // 16
_G = 8
_NGRP = _QPS // _G

_mesh = plsc.VectorSubcoreMesh(core_axis_name="c", subcore_axis_name="s",
                               num_cores=2, num_subcores=_NSUB)

_cp = pltpu.CompilerParams()
if "needs_layout_passes" in pltpu.CompilerParams.__dataclass_fields__:
    _cp = dataclasses.replace(_cp, needs_layout_passes=False)
if "use_tc_tiling_on_sc" in pltpu.CompilerParams.__dataclass_fields__:
    _cp = dataclasses.replace(_cp, use_tc_tiling_on_sc=False)


_OUT_TYPE = jax.ShapeDtypeStruct((_B, 2 * _C, _N, _K), jnp.float32)
_SCRATCH = [
    pltpu.VMEM((_N,), jnp.float32),
    pltpu.VMEM((_N,), jnp.float32),
    pltpu.VMEM((_N,), jnp.float32),
    pltpu.VMEM((_N,), jnp.float32),
    pltpu.VMEM((_N + 16,), jnp.float32),
    pltpu.VMEM((32,), jnp.float32),
    pltpu.VMEM((_N + 144,), jnp.int32),
    pltpu.VMEM((2, 128), jnp.int32),
    pltpu.VMEM((16,), jnp.int32),
    pltpu.VMEM((2 * _G, 16), jnp.int32),
    pltpu.VMEM((_G * _K, 2 * _C), jnp.float32),
    pltpu.VMEM((16, 2 * _C), jnp.float32),
    pltpu.VMEM((2 * _C, _G, _K), jnp.float32),
    pltpu.SemaphoreType.DMA,
    pltpu.SemaphoreType.DMA,
]


def _qag_body(xyzt_hbm, feat_hbm, out_hbm,
              n2, xb, yb, zb, dist, dbuf, ibuf, gidx, gidx_own, selbuf,
              gbuf, gown, obuf, sem_g, sem_o):
    b = lax.axis_index("c")
    sid = lax.axis_index("s")
    q0 = sid * _QPS

    pltpu.sync_copy(xyzt_hbm.at[pl.ds((b * 3 + 0) * _N, _N)], xb)
    pltpu.sync_copy(xyzt_hbm.at[pl.ds((b * 3 + 1) * _N, _N)], yb)
    pltpu.sync_copy(xyzt_hbm.at[pl.ds((b * 3 + 2) * _N, _N)], zb)

    lane = lax.iota(jnp.int32, 16)
    inf16 = jnp.full((16,), jnp.inf, jnp.float32)
    big16 = jnp.full((16,), jnp.int32(2**31 - 1))
    n16 = jnp.full((16,), jnp.int32(_N))
    dist[pl.ds(_N, 16)] = inf16

    def _round_bf16(v):
        u = plsc.bitcast(v, jnp.int32)
        odd = lax.shift_right_logical(u, 16) & 1
        r = (u + 0x7FFF + odd) & jnp.int32(-65536)
        return plsc.bitcast(r, jnp.float32)

    @pl.loop(0, _N, step=16)
    def _(j):
        sl = pl.ds(j, 16)
        xv, yv, zv = xb[sl], yb[sl], zb[sl]
        n2[sl] = (xv * xv + yv * yv) + zv * zv
        xb[sl] = _round_bf16(xv)
        yb[sl] = _round_bf16(yv)
        zb[sl] = _round_bf16(zv)

    def select_query(m, g):
        mv = jnp.full((16,), m, jnp.int32)
        qxv = plsc.load_gather(xb, [mv])
        qyv = plsc.load_gather(yb, [mv])
        qzv = plsc.load_gather(zb, [mv])
        qn2v = plsc.load_gather(n2, [mv])

        def dchunk(j, carry):
            m1, m2 = carry
            sl = pl.ds(j * 16, 16)
            t = xb[sl] * qxv + yb[sl] * qyv + zb[sl] * qzv
            d = (qn2v + n2[sl]) - 2.0 * t
            dist[sl] = d
            m2 = jnp.minimum(m2, jnp.maximum(m1, d))
            m1 = jnp.minimum(m1, d)
            return m1, m2

        _, m2 = lax.fori_loop(0, _NCH, dchunk, (inf16, inf16), unroll=8)
        thrv = jnp.full((16,), jnp.max(m2), jnp.float32)

        def cchunk(j, off):
            sl = pl.ds(j * 16, 16)
            msk = dist[sl] <= thrv
            iv = lane + j * 16
            plsc.store_compressed(ibuf.at[pl.ds(off, 16)], iv, mask=msk)
            return off + plsc.all_reduce_population_count(msk)[0]

        cnt = lax.fori_loop(0, _NCH, cchunk, jnp.int32(0), unroll=8)
        for t in range(8):
            ibuf[pl.ds(cnt + 16 * t, 16)] = n16

        def lexcmp(ak, av, bk, bv):
            cond = (ak < bk) | ((ak == bk) & (av < bv))
            return (jnp.where(cond, ak, bk), jnp.where(cond, av, bv),
                    jnp.where(cond, bk, ak), jnp.where(cond, bv, av))

        def merge2(a, bk, bv):
            ak, av = a
            bk = lax.rev(bk, (0,))
            bv = lax.rev(bv, (0,))
            lk, lv, hk, hv = lexcmp(ak, av, bk, bv)
            lk, lv = plsc.sort_key_val(lk, lv)
            hk, hv = plsc.sort_key_val(hk, hv)
            return lk, lv, hk, hv

        def merge32_keep32(A, B):
            a0, a0v, a1, a1v = A
            b0, b0v, b1, b1v = B
            rb0, rb0v = lax.rev(b1, (0,)), lax.rev(b1v, (0,))
            rb1, rb1v = lax.rev(b0, (0,)), lax.rev(b0v, (0,))
            l0, l0v, _, _ = lexcmp(a0, a0v, rb0, rb0v)
            l1, l1v, _, _ = lexcmp(a1, a1v, rb1, rb1v)
            m0, m0v, m1, m1v = lexcmp(l0, l0v, l1, l1v)
            s0, s0v = plsc.sort_key_val(m0, m0v)
            s1, s1v = plsc.sort_key_val(m1, m1v)
            return s0, s0v, s1, s1v

        @pl.when(cnt <= 128)
        def _():
            sk = []
            for t in range(8):
                iv = ibuf[pl.ds(16 * t, 16)]
                k, v = plsc.sort_key_val(plsc.load_gather(dist, [iv]), iv)
                sk.append((k, v))
            A = merge2(sk[0], *sk[1])
            B = merge2(sk[2], *sk[3])
            Cm = merge2(sk[4], *sk[5])
            D = merge2(sk[6], *sk[7])
            F = merge32_keep32(merge32_keep32(A, B), merge32_keep32(Cm, D))
            dbuf[pl.ds(0, 16)] = F[0]
            ibuf[pl.ds(0, 16)] = F[1]
            dbuf[pl.ds(16, 16)] = F[2]
            ibuf[pl.ds(16, 16)] = F[3]
            for p in range(4):
                if p % 2 == 0:
                    ia = 2 * lane
                    ib = 2 * lane + 1
                else:
                    ia = jnp.minimum(2 * lane + 1, 31)
                    ib = jnp.minimum(2 * lane + 2, 31)
                ak = plsc.load_gather(dbuf, [ia])
                av = plsc.load_gather(ibuf, [ia])
                bk = plsc.load_gather(dbuf, [ib])
                bv = plsc.load_gather(ibuf, [ib])
                lk, lv, hk, hv = lexcmp(ak, av, bk, bv)
                plsc.store_scatter(dbuf, [ia], lk)
                plsc.store_scatter(ibuf, [ia], lv)
                plsc.store_scatter(dbuf, [ib], hk)
                plsc.store_scatter(ibuf, [ib], hv)

        @pl.when(cnt > 128)
        def _():
            nch = (cnt + 15) // 16

            def extract(k, carry):
                sel_lo, sel_hi = carry

                def fchunk(j, c2):
                    bd, bi = c2
                    sl = pl.ds(j * 16, 16)
                    i = ibuf[sl]
                    d = plsc.load_gather(dist, [i])
                    better = (d < bd) | ((d == bd) & (i < bi))
                    return jnp.where(better, d, bd), jnp.where(better, i, bi)

                bd, bi = lax.fori_loop(0, nch, fchunk, (inf16, big16))
                dmin = jnp.min(bd)
                imin = jnp.min(jnp.where(bd == dmin, bi, big16))

                def inval(j, z):
                    sl = pl.ds(j * 16, 16)
                    i = ibuf[sl]
                    d = plsc.load_gather(dist, [i])
                    hit = (d == dmin) & (i == imin)
                    ibuf[sl] = jnp.where(hit, n16, i)
                    return z

                lax.fori_loop(0, nch, inval, jnp.int32(0))
                iminv = jnp.full((16,), imin, jnp.int32)
                sel_lo = jnp.where(lane == k, iminv, sel_lo)
                sel_hi = jnp.where(lane == k - 16, iminv, sel_hi)
                return sel_lo, sel_hi

            zero16 = jnp.zeros((16,), jnp.int32)
            sel_lo, sel_hi = lax.fori_loop(0, _K, extract, (zero16, zero16))
            ibuf[pl.ds(0, 16)] = sel_lo
            ibuf[pl.ds(16, 16)] = sel_hi

        sel_lo = ibuf[pl.ds(0, 16)]
        sel_hi = ibuf[pl.ds(16, 16)]
        selbuf[2 * g] = sel_lo
        selbuf[2 * g + 1] = sel_hi
        r = lax.shift_right_logical(g, 2)
        col = (g & 3) * _K
        gidx[r, pl.ds(col, 16)] = lax.shift_right_logical(sel_lo + b * _N, 1)
        gidx[r, pl.ds(col + 16, 16)] = lax.shift_right_logical(sel_hi + b * _N, 1)

    def transpose_group(m0):
        @pl.loop(0, _G)
        def _(g):
            sel_lo = selbuf[2 * g]
            sel_hi = selbuf[2 * g + 1]
            off_lo = (sel_lo & 1) * _C
            off_hi = (sel_hi & 1) * _C
            klo = lane + g * _K
            khi = lane + g * _K + 16
            rowv = jnp.full((16,), lax.shift_right_logical(g, 1), jnp.int32)
            foff = (g & 1) * _C

            @pl.loop(0, _C)
            def _(c):
                cc = jnp.full((16,), c, jnp.int32)
                fmv = plsc.load_gather(gown, [rowv, cc + foff])
                v0 = plsc.load_gather(gbuf, [klo, cc + off_lo])
                v1 = plsc.load_gather(gbuf, [khi, cc + off_hi])
                obuf[c, g, pl.ds(0, 16)] = v0 - fmv
                obuf[c, g, pl.ds(16, 16)] = v1 - fmv
                obuf[_C + c, g, pl.ds(0, 16)] = v0
                obuf[_C + c, g, pl.ds(16, 16)] = v1

    @pl.loop(0, _NGRP)
    def _(grp):
        m0 = grp * _G

        @pl.loop(0, _G)
        def _(g):
            select_query(q0 + m0 + g, g)

        gidx_own[...] = (lane & 3) + (b * _N + q0 + m0) // 2

        h0 = pltpu.async_copy(feat_hbm.at[gidx.at[0]],
                              gbuf.at[pl.ds(0, 128)], sem_g)
        h1 = pltpu.async_copy(feat_hbm.at[gidx.at[1]],
                              gbuf.at[pl.ds(128, 128)], sem_g)
        h2 = pltpu.async_copy(feat_hbm.at[gidx_own], gown, sem_g)

        @pl.when(grp >= 1)
        def _():
            pltpu.make_async_copy(
                obuf,
                out_hbm.at[b, :, pl.ds(pl.multiple_of(q0, 8), _G)],
                sem_o).wait()

        h0.wait()
        h1.wait()
        h2.wait()
        transpose_group(m0)
        pltpu.async_copy(
            obuf,
            out_hbm.at[b, :, pl.ds(pl.multiple_of(q0 + m0, 8), _G)],
            sem_o)

    pltpu.make_async_copy(
        obuf, out_hbm.at[b, :, pl.ds(pl.multiple_of(q0, 8), _G)],
        sem_o).wait()


_qag = pl.kernel(_qag_body, out_type=_OUT_TYPE, mesh=_mesh,
                 compiler_params=_cp, scratch_types=_SCRATCH)


def kernel(xyz, features):
    xyzt = jnp.transpose(xyz, (0, 2, 1)).reshape(_B * 3 * _N)
    feat_t = jnp.transpose(features, (0, 2, 1)).reshape(_B * _N // 2, 2 * _C)
    return _qag(xyzt, feat_t)

# --- scband reference (transcript-rebuilt; emitter-appended) ---
"""Pipeline reference for scband-query-and-group-feature-87101936763059 (READ-ONLY COPY).

The authoritative reference and input builder live on the scoring server;
editing this copy changes nothing except your own understanding.
"""

import jax, jax.numpy as jnp
import numpy as np

B, N, C, K = 2, 4096, 64, 32


def setup_inputs(seed: int = 0) -> dict:
    key = jax.random.key(seed)
    k1, k2 = jax.random.split(key)
    xyz = jax.random.normal(k1, (B, N, 3), dtype=jnp.float32)
    features = jax.random.normal(k2, (B, C, N), dtype=jnp.float32)
    return {"xyz": xyz, "features": features}


def _knn_idx(xyz, new_xyz, k):
    # squared pairwise distances (b, m, n) via ||x||^2 + ||y||^2 - 2<x,y>
    x2 = jnp.sum(new_xyz * new_xyz, axis=-1)[:, :, None]
    y2 = jnp.sum(xyz * xyz, axis=-1)[:, None, :]
    inner = jnp.einsum('bmd,bnd->bmn', new_xyz, xyz)
    d2 = x2 + y2 - 2.0 * inner
    _, idx = jax.lax.top_k(-d2, k)  # k nearest refs for each query -> (b, m, k)
    return idx


def _grouping_operation(features, idx):
    # features: (b, c, n), idx: (b, m, k) -> (b, c, m, k)
    return jax.vmap(lambda f, i: f[:, i])(features, idx)


def reference(xyz, features):
    # new_xyz is None in the torch module -> new_xyz = xyz
    new_xyz = xyz
    # radius is None -> KNN path with k = nsample
    idx = _knn_idx(xyz, new_xyz, K)
    grouped_features = _grouping_operation(features, idx)  # (b, c, m, k)
    grouped_features_diff = grouped_features - features[..., None]  # m == n
    # use_feature=True -> concat along channel dim
    new_features = jnp.concatenate([grouped_features_diff, grouped_features], axis=1)
    # return_idx=False -> only new_features
    return new_features

if __name__ == "__main__":
    import jax
    _d = setup_inputs()
    print(jax.jit(kernel)(*tuple(_d.values())))

</pallas_src>

<mosaic_0001>
#map = affine_map<(d0, d1) -> (0)>
#map1 = affine_map<(d0, d1) -> (0, 0)>
#map2 = affine_map<(d0, d1) -> (0, 0, 0, 0)>
module attributes {stable_mosaic.version = 14 : i64} {
  func.func @_qag_body(%arg0: i32, %arg1: i32, %arg2: memref<24576xf32, #tpu.memory_space<hbm>>, %arg3: memref<4096x128xf32, #tpu.memory_space<hbm>>, %arg4: memref<2x128x4096x32xf32, #tpu.memory_space<hbm>>, %arg5: memref<4096xf32, #tpu.memory_space<vmem>>, %arg6: memref<4096xf32, #tpu.memory_space<vmem>>, %arg7: memref<4096xf32, #tpu.memory_space<vmem>>, %arg8: memref<4096xf32, #tpu.memory_space<vmem>>, %arg9: memref<4112xf32, #tpu.memory_space<vmem>>, %arg10: memref<32xf32, #tpu.memory_space<vmem>>, %arg11: memref<4240xi32, #tpu.memory_space<vmem>>, %arg12: memref<2x128xi32, #tpu.memory_space<vmem>>, %arg13: memref<16xi32, #tpu.memory_space<vmem>>, %arg14: memref<16x16xi32, #tpu.memory_space<vmem>>, %arg15: memref<256x128xf32, #tpu.memory_space<vmem>>, %arg16: memref<16x128xf32, #tpu.memory_space<vmem>>, %arg17: memref<128x8x32xf32, #tpu.memory_space<vmem>>, %arg18: memref<!tpu.dma_semaphore, #tpu.memory_space<semaphore_mem>>, %arg19: memref<!tpu.dma_semaphore, #tpu.memory_space<semaphore_mem>>) attributes {dimension_semantics = [#tpu.dimension_semantics<core_parallel>, #tpu.dimension_semantics<subcore_parallel>], iteration_bounds = array<i64: 2, 16>, scalar_prefetch = 0 : i64, scratch_operands = 15 : i64, tpu.core_type = #tpu.core_type<sc_vector_subcore>, window_params = [{transform_indices = #map}, {transform_indices = #map1}, {transform_indices = #map2}]} {
    %mul3A = arith.constant 256 : i32
    %mul3A_0 = arith.muli %arg1, %mul3A : i32
    %mul3A_1 = arith.constant 3 : i32
    %mul3A_2 = arith.muli %arg0, %mul3A_1 : i32
    %add3A = arith.constant 0 : i32
    %add3A_3 = arith.addi %mul3A_2, %add3A : i32
    %mul3A_4 = arith.constant 4096 : i32
    %mul3A_5 = arith.muli %add3A_3, %mul3A_4 : i32
    "tpu.region"() ({
      %run_scoped3A = tpu.sem_alloc : memref<!tpu.dma_semaphore, #tpu.memory_space<semaphore_mem>>
      %dma_start3A = tpu.memref_slice %arg2[%mul3A_5] : memref<24576xf32, #tpu.memory_space<hbm>> -> memref<4096xf32, #tpu.memory_space<hbm>>
      %dma_start3A_40 = tpu.memref_slice %arg2[%mul3A_5] : memref<24576xf32, #tpu.memory_space<hbm>> -> memref<4096xf32, #tpu.memory_space<hbm>>
      tpu.enqueue_dma source(%dma_start3A_40 : memref<4096xf32, #tpu.memory_space<hbm>>) target(%arg6 : memref<4096xf32, #tpu.memory_space<vmem>>) target_semaphore(%run_scoped3A : memref<!tpu.dma_semaphore, #tpu.memory_space<semaphore_mem>>)
      %dma_wait3A_41 = tpu.memref_slice %arg2[%mul3A_5] : memref<24576xf32, #tpu.memory_space<hbm>> -> memref<4096xf32, #tpu.memory_space<hbm>>
      %dma_wait3A_42 = tpu.memref_slice %arg2[%mul3A_5] : memref<24576xf32, #tpu.memory_space<hbm>> -> memref<4096xf32, #tpu.memory_space<hbm>>
      tpu.wait_dma2 semaphore(%run_scoped3A : memref<!tpu.dma_semaphore, #tpu.memory_space<semaphore_mem>>) src(%dma_wait3A_42 : memref<4096xf32, #tpu.memory_space<hbm>>) dst(%arg6 : memref<4096xf32, #tpu.memory_space<vmem>>)
      tpu.yield
    }) : () -> ()
    %mul3A_6 = arith.constant 3 : i32
    %mul3A_7 = arith.muli %arg0, %mul3A_6 : i32
    %add3A_8 = arith.constant 1 : i32
    %add3A_9 = arith.addi %mul3A_7, %add3A_8 : i32
    %mul3A_10 = arith.constant 4096 : i32
    %mul3A_11 = arith.muli %add3A_9, %mul3A_10 : i32
    "tpu.region"() ({
      %run_scoped3A = tpu.sem_alloc : memref<!tpu.dma_semaphore, #tpu.memory_space<semaphore_mem>>
      %dma_start3A = tpu.memref_slice %arg2[%mul3A_11] : memref<24576xf32, #tpu.memory_space<hbm>> -> memref<4096xf32, #tpu.memory_space<hbm>>
      %dma_start3A_40 = tpu.memref_slice %arg2[%mul3A_11] : memref<24576xf32, #tpu.memory_space<hbm>> -> memref<4096xf32, #tpu.memory_space<hbm>>
      tpu.enqueue_dma source(%dma_start3A_40 : memref<4096xf32, #tpu.memory_space<hbm>>) target(%arg7 : memref<4096xf32, #tpu.memory_space<vmem>>) target_semaphore(%run_scoped3A : memref<!tpu.dma_semaphore, #tpu.memory_space<semaphore_mem>>)
      %dma_wait3A_41 = tpu.memref_slice %arg2[%mul3A_11] : memref<24576xf32, #tpu.memory_space<hbm>> -> memref<4096xf32, #tpu.memory_space<hbm>>
      %dma_wait3A_42 = tpu.memref_slice %arg2[%mul3A_11] : memref<24576xf32, #tpu.memory_space<hbm>> -> memref<4096xf32, #tpu.memory_space<hbm>>
      tpu.wait_dma2 semaphore(%run_scoped3A : memref<!tpu.dma_semaphore, #tpu.memory_space<semaphore_mem>>) src(%dma_wait3A_42 : memref<4096xf32, #tpu.memory_space<hbm>>) dst(%arg7 : memref<4096xf32, #tpu.memory_space<vmem>>)
      tpu.yield
    }) : () -> ()
    %mul3A_12 = arith.constant 3 : i32
    %mul3A_13 = arith.muli %arg0, %mul3A_12 : i32
    %add3A_14 = arith.constant 2 : i32
    %add3A_15 = arith.addi %mul3A_13, %add3A_14 : i32
    %mul3A_16 = arith.constant 4096 : i32
    %mul3A_17 = arith.muli %add3A_15, %mul3A_16 : i32
    "tpu.region"() ({
      %run_scoped3A = tpu.sem_alloc : memref<!tpu.dma_semaphore, #tpu.memory_space<semaphore_mem>>
      %dma_start3A = tpu.memref_slice %arg2[%mul3A_17] : memref<24576xf32, #tpu.memory_space<hbm>> -> memref<4096xf32, #tpu.memory_space<hbm>>
      %dma_start3A_40 = tpu.memref_slice %arg2[%mul3A_17] : memref<24576xf32, #tpu.memory_space<hbm>> -> memref<4096xf32, #tpu.memory_space<hbm>>
      tpu.enqueue_dma source(%dma_start3A_40 : memref<4096xf32, #tpu.memory_space<hbm>>) target(%arg8 : memref<4096xf32, #tpu.memory_space<vmem>>) target_semaphore(%run_scoped3A : memref<!tpu.dma_semaphore, #tpu.memory_space<semaphore_mem>>)
      %dma_wait3A_41 = tpu.memref_slice %arg2[%mul3A_17] : memref<24576xf32, #tpu.memory_space<hbm>> -> memref<4096xf32, #tpu.memory_space<hbm>>
      %dma_wait3A_42 = tpu.memref_slice %arg2[%mul3A_17] : memref<24576xf32, #tpu.memory_space<hbm>> -> memref<4096xf32, #tpu.memory_space<hbm>>
      tpu.wait_dma2 semaphore(%run_scoped3A : memref<!tpu.dma_semaphore, #tpu.memory_space<semaphore_mem>>) src(%dma_wait3A_42 : memref<4096xf32, #tpu.memory_space<hbm>>) dst(%arg8 : memref<4096xf32, #tpu.memory_space<vmem>>)
      tpu.yield
    }) : () -> ()
    %iota3A = tpu.iota {dimensions = array<i32: 0>} : vector<16xi32>
    %broadcast_in_dim3A = arith.constant 0x7F800000 : f32
    %broadcast_in_dim3A_18 = vector.broadcast %broadcast_in_dim3A : f32 to vector<16xf32>
    %broadcast_in_dim3A_19 = arith.constant 2147483647 : i32
    %broadcast_in_dim3A_20 = vector.broadcast %broadcast_in_dim3A_19 : i32 to vector<16xi32>
    %broadcast_in_dim3A_21 = arith.constant 4096 : i32
    %broadcast_in_dim3A_22 = vector.broadcast %broadcast_in_dim3A_21 : i32 to vector<16xi32>
    %swap3A = arith.constant 4096 : index
    %swap3A_23 = tpu.vector_load %arg9[%swap3A] {strides = array<i32>} : memref<4112xf32, #tpu.memory_space<vmem>>, vector<16xf32>,
    tpu.vector_store %arg9[%swap3A], %broadcast_in_dim3A_18 {strides = array<i32>} : memref<4112xf32, #tpu.memory_space<vmem>>, vector<16xf32>,
    %scan3A = arith.constant 0 : i32
    %scan3A_24 = arith.constant 256 : i32
    %scan3A_25 = arith.addi %scan3A, %scan3A_24 : i32
    %scan3A_26 = arith.constant 1 : i32
    scf.for %scan3A_40 = %scan3A to %scan3A_25 step %scan3A_26  : i32 {
      %mul3A_41 = arith.constant 16 : i32
      %mul3A_42 = arith.muli %scan3A_40, %mul3A_41 : i32
      %add3A_43 = arith.constant 0 : i32
      %add3A_44 = arith.addi %add3A_43, %mul3A_42 : i32
      %get3A = arith.index_cast %add3A_44 : i32 to index
      %get3A_45 = tpu.vector_load %arg6[%get3A] {strides = array<i32>} : memref<4096xf32, #tpu.memory_space<vmem>>, vector<16xf32>,
      %get3A_46 = arith.index_cast %add3A_44 : i32 to index
      %get3A_47 = tpu.vector_load %arg7[%get3A_46] {strides = array<i32>} : memref<4096xf32, #tpu.memory_space<vmem>>, vector<16xf32>,
      %get3A_48 = arith.index_cast %add3A_44 : i32 to index
      %get3A_49 = tpu.vector_load %arg8[%get3A_48] {strides = array<i32>} : memref<4096xf32, #tpu.memory_space<vmem>>, vector<16xf32>,
      %mul3A_50 = arith.mulf %get3A_45, %get3A_45 : vector<16xf32>
      %mul3A_51 = arith.mulf %get3A_47, %get3A_47 : vector<16xf32>
      %add3A_52 = arith.addf %mul3A_50, %mul3A_51 : vector<16xf32>
      %mul3A_53 = arith.mulf %get3A_49, %get3A_49 : vector<16xf32>
      %add3A_54 = arith.addf %add3A_52, %mul3A_53 : vector<16xf32>
      %swap3A_55 = arith.index_cast %add3A_44 : i32 to index
      %swap3A_56 = tpu.vector_load %arg5[%swap3A_55] {strides = array<i32>} : memref<4096xf32, #tpu.memory_space<vmem>>, vector<16xf32>,
      tpu.vector_store %arg5[%swap3A_55], %add3A_54 {strides = array<i32>} : memref<4096xf32, #tpu.memory_space<vmem>>, vector<16xf32>,
      %bitcast3A = vector.bitcast %get3A_45 : vector<16xf32> to vector<16xi32>
      %shift_right_logical3A = arith.constant 16 : i32
      %shift_right_logical3A_57 = vector.broadcast %shift_right_logical3A : i32 to vector<16xi32>
      %shift_right_logical3A_58 = arith.shrui %bitcast3A, %shift_right_logical3A_57 : vector<16xi32>
      %and3A = arith.constant 1 : i32
      %and3A_59 = vector.broadcast %and3A : i32 to vector<16xi32>
      %and3A_60 = arith.andi %shift_right_logical3A_58, %and3A_59 : vector<16xi32>
      %add3A_61 = arith.constant 32767 : i32
      %add3A_62 = vector.broadcast %add3A_61 : i32 to vector<16xi32>
      %add3A_63 = arith.addi %bitcast3A, %add3A_62 : vector<16xi32>
      %add3A_64 = arith.addi %add3A_63, %and3A_60 : vector<16xi32>
      %and3A_65 = arith.constant -65536 : i32
      %and3A_66 = vector.broadcast %and3A_65 : i32 to vector<16xi32>
      %and3A_67 = arith.andi %add3A_64, %and3A_66 : vector<16xi32>
      %bitcast3A_68 = vector.bitcast %and3A_67 : vector<16xi32> to vector<16xf32>
      %swap3A_69 = arith.index_cast %add3A_44 : i32 to index
      %swap3A_70 = tpu.vector_load %arg6[%swap3A_69] {strides = array<i32>} : memref<4096xf32, #tpu.memory_space<vmem>>, vector<16xf32>,
      tpu.vector_store %arg6[%swap3A_69], %bitcast3A_68 {strides = array<i32>} : memref<4096xf32, #tpu.memory_space<vmem>>, vector<16xf32>,
      %bitcast3A_71 = vector.bitcast %get3A_47 : vector<16xf32> to vector<16xi32>
      %shift_right_logical3A_72 = arith.constant 16 : i32
      %shift_right_logical3A_73 = vector.broadcast %shift_right_logical3A_72 : i32 to vector<16xi32>
      %shift_right_logical3A_74 = arith.shrui %bitcast3A_71, %shift_right_logical3A_73 : vector<16xi32>
      %and3A_75 = arith.constant 1 : i32
      %and3A_76 = vector.broadcast %and3A_75 : i32 to vector<16xi32>
      %and3A_77 = arith.andi %shift_right_logical3A_74, %and3A_76 : vector<16xi32>
      %add3A_78 = arith.constant 32767 : i32
      %add3A_79 = vector.broadcast %add3A_78 : i32 to vector<16xi32>
      %add3A_80 = arith.addi %bitcast3A_71, %add3A_79 : vector<16xi32>
      %add3A_81 = arith.addi %add3A_80, %and3A_77 : vector<16xi32>
      %and3A_82 = arith.constant -65536 : i32
      %and3A_83 = vector.broadcast %and3A_82 : i32 to vector<16xi32>
      %and3A_84 = arith.andi %add3A_81, %and3A_83 : vector<16xi32>
      %bitcast3A_85 = vector.bitcast %and3A_84 : vector<16xi32> to vector<16xf32>
      %swap3A_86 = arith.index_cast %add3A_44 : i32 to index
      %swap3A_87 = tpu.vector_load %arg7[%swap3A_86] {strides = array<i32>} : memref<4096xf32, #tpu.memory_space<vmem>>, vector<16xf32>,
      tpu.vector_store %arg7[%swap3A_86], %bitcast3A_85 {strides = array<i32>} : memref<4096xf32, #tpu.memory_space<vmem>>, vector<16xf32>,
      %bitcast3A_88 = vector.bitcast %get3A_49 : vector<16xf32> to vector<16xi32>
      %shift_right_logical3A_89 = arith.constant 16 : i32
      %shift_right_logical3A_90 = vector.broadcast %shift_right_logical3A_89 : i32 to vector<16xi32>
      %shift_right_logical3A_91 = arith.shrui %bitcast3A_88, %shift_right_logical3A_90 : vector<16xi32>
      %and3A_92 = arith.constant 1 : i32
      %and3A_93 = vector.broadcast %and3A_92 : i32 to vector<16xi32>
      %and3A_94 = arith.andi %shift_right_logical3A_91, %and3A_93 : vector<16xi32>
      %add3A_95 = arith.constant 32767 : i32
      %add3A_96 = vector.broadcast %add3A_95 : i32 to vector<16xi32>
      %add3A_97 = arith.addi %bitcast3A_88, %add3A_96 : vector<16xi32>
      %add3A_98 = arith.addi %add3A_97, %and3A_94 : vector<16xi32>
      %and3A_99 = arith.constant -65536 : i32
      %and3A_100 = vector.broadcast %and3A_99 : i32 to vector<16xi32>
      %and3A_101 = arith.andi %add3A_98, %and3A_100 : vector<16xi32>
      %bitcast3A_102 = vector.bitcast %and3A_101 : vector<16xi32> to vector<16xf32>
      %swap3A_103 = arith.index_cast %add3A_44 : i32 to index
      %swap3A_104 = tpu.vector_load %arg8[%swap3A_103] {strides = array<i32>} : memref<4096xf32, #tpu.memory_space<vmem>>, vector<16xf32>,
      tpu.vector_store %arg8[%swap3A_103], %bitcast3A_102 {strides = array<i32>} : memref<4096xf32, #tpu.memory_space<vmem>>, vector<16xf32>,
    }
    %scan3A_27 = arith.constant 256 : i32
    %scan3A_28 = arith.constant 0 : i32
    %scan3A_29 = arith.constant 32 : i32
    %scan3A_30 = arith.addi %scan3A_28, %scan3A_29 : i32
    %scan3A_31 = arith.constant 1 : i32
    scf.for %scan3A_40 = %scan3A_28 to %scan3A_30 step %scan3A_31  : i32 {
      %mul3A_41 = arith.constant 1 : i32
      %mul3A_42 = arith.muli %scan3A_40, %mul3A_41 : i32
      %add3A_43 = arith.constant 0 : i32
      %add3A_44 = arith.addi %add3A_43, %mul3A_42 : i32
      %mul3A_45 = arith.constant 8 : i32
      %mul3A_46 = arith.muli %add3A_44, %mul3A_45 : i32
      %scan3A_47 = arith.constant 0 : i32
      %scan3A_48 = arith.constant 8 : i32
      %scan3A_49 = arith.addi %scan3A_47, %scan3A_48 : i32
      %scan3A_50 = arith.constant 1 : i32
      scf.for %scan3A_141 = %scan3A_47 to %scan3A_49 step %scan3A_50  : i32 {
        %mul3A_142 = arith.constant 1 : i32
        %mul3A_143 = arith.muli %scan3A_141, %mul3A_142 : i32
        %add3A_144 = arith.constant 0 : i32
        %add3A_145 = arith.addi %add3A_144, %mul3A_143 : i32
        %add3A_146 = arith.addi %mul3A_0, %mul3A_46 : i32
        %add3A_147 = arith.addi %add3A_146, %add3A_145 : i32
        %broadcast_in_dim3A_148 = vector.broadcast %add3A_147 : i32 to vector<16xi32>
        %gather3A = tpu.vector_load_idx %arg6[%broadcast_in_dim3A_148] : memref<4096xf32, #tpu.memory_space<vmem>>[vector<16xi32>], vector<16xf32>,
        %gather3A_149 = tpu.vector_load_idx %arg7[%broadcast_in_dim3A_148] : memref<4096xf32, #tpu.memory_space<vmem>>[vector<16xi32>], vector<16xf32>,
        %gather3A_150 = tpu.vector_load_idx %arg8[%broadcast_in_dim3A_148] : memref<4096xf32, #tpu.memory_space<vmem>>[vector<16xi32>], vector<16xf32>,
        %gather3A_151 = tpu.vector_load_idx %arg5[%broadcast_in_dim3A_148] : memref<4096xf32, #tpu.memory_space<vmem>>[vector<16xi32>], vector<16xf32>,
        %scan3A_152 = arith.constant 0 : i32
        %scan3A_153 = arith.constant 256 : i32
        %scan3A_154 = arith.addi %scan3A_152, %scan3A_153 : i32
        %scan3A_155 = arith.constant 8 : i32
        %scan3A_156:2 = scf.for %scan3A_251 = %scan3A_152 to %scan3A_154 step %scan3A_155 iter_args(%scan3A_252 = %broadcast_in_dim3A_18, %scan3A_253 = %broadcast_in_dim3A_18) -> (vector<16xf32>, vector<16xf32>)  : i32 {
          %mul3A_254 = arith.constant 16 : i32
          %mul3A_255 = arith.muli %scan3A_251, %mul3A_254 : i32
          %get3A_256 = arith.index_cast %mul3A_255 : i32 to index
          %get3A_257 = tpu.vector_load %arg6[%get3A_256] {strides = array<i32>} : memref<4096xf32, #tpu.memory_space<vmem>>, vector<16xf32>,
          %mul3A_258 = arith.mulf %get3A_257, %gather3A : vector<16xf32>
          %get3A_259 = arith.index_cast %mul3A_255 : i32 to index
          %get3A_260 = tpu.vector_load %arg7[%get3A_259] {strides = array<i32>} : memref<4096xf32, #tpu.memory_space<vmem>>, vector<16xf32>,
          %mul3A_261 = arith.mulf %get3A_260, %gather3A_149 : vector<16xf32>
          %add3A_262 = arith.addf %mul3A_258, %mul3A_261 : vector<16xf32>
          %get3A_263 = arith.index_cast %mul3A_255 : i32 to index
          %get3A_264 = tpu.vector_load %arg8[%get3A_263] {strides = array<i32>} : memref<4096xf32, #tpu.memory_space<vmem>>, vector<16xf32>,
          %mul3A_265 = arith.mulf %get3A_264, %gather3A_150 : vector<16xf32>
          %add3A_266 = arith.addf %add3A_262, %mul3A_265 : vector<16xf32>
          %get3A_267 = arith.index_cast %mul3A_255 : i32 to index
          %get3A_268 = tpu.vector_load %arg5[%get3A_267] {strides = array<i32>} : memref<4096xf32, #tpu.memory_space<vmem>>, vector<16xf32>,
          %add3A_269 = arith.addf %gather3A_151, %get3A_268 : vector<16xf32>
          %mul3A_270 = arith.constant 2.000000e+00 : f32
          %mul3A_271 = vector.broadcast %mul3A_270 : f32 to vector<16xf32>
          %mul3A_272 = arith.mulf %mul3A_271, %add3A_266 : vector<16xf32>
          %sub3A_273 = arith.subf %add3A_269, %mul3A_272 : vector<16xf32>
          %swap3A_274 = arith.index_cast %mul3A_255 : i32 to index
          %swap3A_275 = tpu.vector_load %arg9[%swap3A_274] {strides = array<i32>} : memref<4112xf32, #tpu.memory_space<vmem>>, vector<16xf32>,
          tpu.vector_store %arg9[%swap3A_274], %sub3A_273 {strides = array<i32>} : memref<4112xf32, #tpu.memory_space<vmem>>, vector<16xf32>,
          %max3A = arith.maximumf %scan3A_252, %sub3A_273 : vector<16xf32>
          %min3A = arith.minimumf %scan3A_253, %max3A : vector<16xf32>
          %min3A_276 = arith.minimumf %scan3A_252, %sub3A_273 : vector<16xf32>
          %scan3A_277 = arith.constant 1 : i32
          %scan3A_278 = arith.addi %scan3A_251, %scan3A_277 : i32
          %mul3A_279 = arith.constant 16 : i32
          %mul3A_280 = arith.muli %scan3A_278, %mul3A_279 : i32
          %get3A_281 = arith.index_cast %mul3A_280 : i32 to index
          %get3A_282 = tpu.vector_load %arg6[%get3A_281] {strides = array<i32>} : memref<4096xf32, #tpu.memory_space<vmem>>, vector<16xf32>,
          %mul3A_283 = arith.mulf %get3A_282, %gather3A : vector<16xf32>
          %get3A_284 = arith.index_cast %mul3A_280 : i32 to index
          %get3A_285 = tpu.vector_load %arg7[%get3A_284] {strides = array<i32>} : memref<4096xf32, #tpu.memory_space<vmem>>, vector<16xf32>,
          %mul3A_286 = arith.mulf %get3A_285, %gather3A_149 : vector<16xf32>
          %add3A_287 = arith.addf %mul3A_283, %mul3A_286 : vector<16xf32>
          %get3A_288 = arith.index_cast %mul3A_280 : i32 to index
          %get3A_289 = tpu.vector_load %arg8[%get3A_288] {strides = array<i32>} : memref<4096xf32, #tpu.memory_space<vmem>>, vector<16xf32>,
          %mul3A_290 = arith.mulf %get3A_289, %gather3A_150 : vector<16xf32>
          %add3A_291 = arith.addf %add3A_287, %mul3A_290 : vector<16xf32>
          %get3A_292 = arith.index_cast %mul3A_280 : i32 to index
          %get3A_293 = tpu.vector_load %arg5[%get3A_292] {strides = array<i32>} : memref<4096xf32, #tpu.memory_space<vmem>>, vector<16xf32>,
          %add3A_294 = arith.addf %gather3A_151, %get3A_293 : vector<16xf32>
          %mul3A_295 = arith.constant 2.000000e+00 : f32
          %mul3A_296 = vector.broadcast %mul3A_295 : f32 to vector<16xf32>
          %mul3A_297 = arith.mulf %mul3A_296, %add3A_291 : vector<16xf32>
          %sub3A_298 = arith.subf %add3A_294, %mul3A_297 : vector<16xf32>
          %swap3A_299 = arith.index_cast %mul3A_280 : i32 to index
          %swap3A_300 = tpu.vector_load %arg9[%swap3A_299] {strides = array<i32>} : memref<4112xf32, #tpu.memory_space<vmem>>, vector<16xf32>,
          tpu.vector_store %arg9[%swap3A_299], %sub3A_298 {strides = array<i32>} : memref<4112xf32, #tpu.memory_space<vmem>>, vector<16xf32>,
          %max3A_301 = arith.maximumf %min3A_276, %sub3A_298 : vector<16xf32>
          %min3A_302 = arith.minimumf %min3A, %max3A_301 : vector<16xf32>
          %min3A_303 = arith.minimumf %min3A_276, %sub3A_298 : vector<16xf32>
          %scan3A_304 = arith.constant 2 : i32
          %scan3A_305 = arith.addi %scan3A_251, %scan3A_304 : i32
          %mul3A_306 = arith.constant 16 : i32
          %mul3A_307 = arith.muli %scan3A_305, %mul3A_306 : i32
          %get3A_308 = arith.index_cast %mul3A_307 : i32 to index
          %get3A_309 = tpu.vector_load %arg6[%get3A_308] {strides = array<i32>} : memref<4096xf32, #tpu.memory_space<vmem>>, vector<16xf32>,
          %mul3A_310 = arith.mulf %get3A_309, %gather3A : vector<16xf32>
          %get3A_311 = arith.index_cast %mul3A_307 : i32 to index
          %get3A_312 = tpu.vector_load %arg7[%get3A_311] {strides = array<i32>} : memref<4096xf32, #tpu.memory_space<vmem>>, vector<16xf32>,
          %mul3A_313 = arith.mulf %get3A_312, %gather3A_149 : vector<16xf32>
          %add3A_314 = arith.addf %mul3A_310, %mul3A_313 : vector<16xf32>
          %get3A_315 = arith.index_cast %mul3A_307 : i32 to index
          %get3A_316 = tpu.vector_load %arg8[%get3A_315] {strides = array<i32>} : memref<4096xf32, #tpu.memory_space<vmem>>, vector<16xf32>,
          %mul3A_317 = arith.mulf %get3A_316, %gather3A_150 : vector<16xf32>
          %add3A_318 = arith.addf %add3A_314, %mul3A_317 : vector<16xf32>
          %get3A_319 = arith.index_cast %mul3A_307 : i32 to index
          %get3A_320 = tpu.vector_load %arg5[%get3A_319] {strides = array<i32>} : memref<4096xf32, #tpu.memory_space<vmem>>, vector<16xf32>,
          %add3A_321 = arith.addf %gather3A_151, %get3A_320 : vector<16xf32>
          %mul3A_322 = arith.constant 2.000000e+00 : f32
          %mul3A_323 = vector.broadcast %mul3A_322 : f32 to vector<16xf32>
          %mul3A_324 = arith.mulf %mul3A_323, %add3A_318 : vector<16xf32>
          %sub3A_325 = arith.subf %add3A_321, %mul3A_324 : vector<16xf32>
          %swap3A_326 = arith.index_cast %mul3A_307 : i32 to index
          %swap3A_327 = tpu.vector_load %arg9[%swap3A_326] {strides = array<i32>} : memref<4112xf32, #tpu.memory_space<vmem>>, vector<16xf32>,
          tpu.vector_store %arg9[%swap3A_326], %sub3A_325 {strides = array<i32>} : memref<4112xf32, #tpu.memory_space<vmem>>, vector<16xf32>,
          %max3A_328 = arith.maximumf %min3A_303, %sub3A_325 : vector<16xf32>
          %min3A_329 = arith.minimumf %min3A_302, %max3A_328 : vector<16xf32>
          %min3A_330 = arith.minimumf %min3A_303, %sub3A_325 : vector<16xf32>
          %scan3A_331 = arith.constant 3 : i32
          %scan3A_332 = arith.addi %scan3A_251, %scan3A_331 : i32
          %mul3A_333 = arith.constant 16 : i32
          %mul3A_334 = arith.muli %scan3A_332, %mul3A_333 : i32
          %get3A_335 = arith.index_cast %mul3A_334 : i32 to index
          %get3A_336 = tpu.vector_load %arg6[%get3A_335] {strides = array<i32>} : memref<4096xf32, #tpu.memory_space<vmem>>, vector<16xf32>,
          %mul3A_337 = arith.mulf %get3A_336, %gather3A : vector<16xf32>
          %get3A_338 = arith.index_cast %mul3A_334 : i32 to index
          %get3A_339 = tpu.vector_load %arg7[%get3A_338] {strides = array<i32>} : memref<4096xf32, #tpu.memory_space<vmem>>, vector<16xf32>,
          %mul3A_340 = arith.mulf %get3A_339, %gather3A_149 : vector<16xf32>
          %add3A_341 = arith.addf %mul3A_337, %mul3A_340 : vector<16xf32>
          %get3A_342 = arith.index_cast %mul3A_334 : i32 to index
          %get3A_343 = tpu.vector_load %arg8[%get3A_342] {strides = array<i32>} : memref<4096xf32, #tpu.memory_space<vmem>>, vector<16xf32>,
          %mul3A_344 = arith.mulf %get3A_343, %gather3A_150 : vector<16xf32>
          %add3A_345 = arith.addf %add3A_341, %mul3A_344 : vector<16xf32>
          %get3A_346 = arith.index_cast %mul3A_334 : i32 to index
          %get3A_347 = tpu.vector_load %arg5[%get3A_346] {strides = array<i32>} : memref<4096xf32, #tpu.memory_space<vmem>>, vector<16xf32>,
          %add3A_348 = arith.addf %gather3A_151, %get3A_347 : vector<16xf32>
          %mul3A_349 = arith.constant 2.000000e+00 : f32
          %mul3A_350 = vector.broadcast %mul3A_349 : f32 to vector<16xf32>
          %mul3A_351 = arith.mulf %mul3A_350, %add3A_345 : vector<16xf32>
          %sub3A_352 = arith.subf %add3A_348, %mul3A_351 : vector<16xf32>
          %swap3A_353 = arith.index_cast %mul3A_334 : i32 to index
          %swap3A_354 = tpu.vector_load %arg9[%swap3A_353] {strides = array<i32>} : memref<4112xf32, #tpu.memory_space<vmem>>, vector<16xf32>,
          tpu.vector_store %arg9[%swap3A_353], %sub3A_352 {strides = array<i32>} : memref<4112xf32, #tpu.memory_space<vmem>>, vector<16xf32>,
          %max3A_355 = arith.maximumf %min3A_330, %sub3A_352 : vector<16xf32>
          %min3A_356 = arith.minimumf %min3A_329, %max3A_355 : vector<16xf32>
          %min3A_357 = arith.minimumf %min3A_330, %sub3A_352 : vector<16xf32>
          %scan3A_358 = arith.constant 4 : i32
          %scan3A_359 = arith.addi %scan3A_251, %scan3A_358 : i32
          %mul3A_360 = arith.constant 16 : i32
          %mul3A_361 = arith.muli %scan3A_359, %mul3A_360 : i32
          %get3A_362 = arith.index_cast %mul3A_361 : i32 to index
          %get3A_363 = tpu.vector_load %arg6[%get3A_362] {strides = array<i32>} : memref<4096xf32, #tpu.memory_space<vmem>>, vector<16xf32>,
          %mul3A_364 = arith.mulf %get3A_363, %gather3A : vector<16xf32>
          %get3A_365 = arith.index_cast %mul3A_361 : i32 to index
          %get3A_366 = tpu.vector_load %arg7[%get3A_365] {strides = array<i32>} : memref<4096xf32, #tpu.memory_space<vmem>>, vector<16xf32>,
          %mul3A_367 = arith.mulf %get3A_366, %gather3A_149 : vector<16xf32>
          %add3A_368 = arith.addf %mul3A_364, %mul3A_367 : vector<16xf32>
          %get3A_369 = arith.index_cast %mul3A_361 : i32 to index
          %get3A_370 = tpu.vector_load %arg8[%get3A_369] {strides = array<i32>} : memref<4096xf32, #tpu.memory_space<vmem>>, vector<16xf32>,
          %mul3A_371 = arith.mulf %get3A_370, %gather3A_150 : vector<16xf32>
          %add3A_372 = arith.addf %add3A_368, %mul3A_371 : vector<16xf32>
          %get3A_373 = arith.index_cast %mul3A_361 : i32 to index
          %get3A_374 = tpu.vector_load %arg5[%get3A_373] {strides = array<i32>} : memref<4096xf32, #tpu.memory_space<vmem>>, vector<16xf32>,
          %add3A_375 = arith.addf %gather3A_151, %get3A_374 : vector<16xf32>
          %mul3A_376 = arith.constant 2.000000e+00 : f32
          %mul3A_377 = vector.broadcast %mul3A_376 : f32 to vector<16xf32>
          %mul3A_378 = arith.mulf %mul3A_377, %add3A_372 : vector<16xf32>
          %sub3A_379 = arith.subf %add3A_375, %mul3A_378 : vector<16xf32>
          %swap3A_380 = arith.index_cast %mul3A_361 : i32 to index
          %swap3A_381 = tpu.vector_load %arg9[%swap3A_380] {strides = array<i32>} : memref<4112xf32, #tpu.memory_space<vmem>>, vector<16xf32>,
          tpu.vector_store %arg9[%swap3A_380], %sub3A_379 {strides = array<i32>} : memref<4112xf32, #tpu.memory_space<vmem>>, vector<16xf32>,
          %max3A_382 = arith.maximumf %min3A_357, %sub3A_379 : vector<16xf32>
          %min3A_383 = arith.minimumf %min3A_356, %max3A_382 : vector<16xf32>
          %min3A_384 = arith.minimumf %min3A_357, %sub3A_379 : vector<16xf32>
          %scan3A_385 = arith.constant 5 : i32
          %scan3A_386 = arith.addi %scan3A_251, %scan3A_385 : i32
          %mul3A_387 = arith.constant 16 : i32
          %mul3A_388 = arith.muli %scan3A_386, %mul3A_387 : i32
          %get3A_389 = arith.index_cast %mul3A_388 : i32 to index
          %get3A_390 = tpu.vector_load %arg6[%get3A_389] {strides = array<i32>} : memref<4096xf32, #tpu.memory_space<vmem>>, vector<16xf32>,
          %mul3A_391 = arith.mulf %get3A_390, %gather3A : vector<16xf32>
          %get3A_392 = arith.index_cast %mul3A_388 : i32 to index
          %get3A_393 = tpu.vector_load %arg7[%get3A_392] {strides = array<i32>} : memref<4096xf32, #tpu.memory_space<vmem>>, vector<16xf32>,
          %mul3A_394 = arith.mulf %get3A_393, %gather3A_149 : vector<16xf32>
          %add3A_395 = arith.addf %mul3A_391, %mul3A_394 : vector<16xf32>
          %get3A_396 = arith.index_cast %mul3A_388 : i32 to index
          %get3A_397 = tpu.vector_load %arg8[%get3A_396] {strides = array<i32>} : memref<4096xf32, #tpu.memory_space<vmem>>, vector<16xf32>,
          %mul3A_398 = arith.mulf %get3A_397, %gather3A_150 : vector<16xf32>
          %add3A_399 = arith.addf %add3A_395, %mul3A_398 : vector<16xf32>
          %get3A_400 = arith.index_cast %mul3A_388 : i32 to index
          %get3A_401 = tpu.vector_load %arg5[%get3A_400] {strides = array<i32>} : memref<4096xf32, #tpu.memory_space<vmem>>, vector<16xf32>,
          %add3A_402 = arith.addf %gather3A_151, %get3A_401 : vector<16xf32>
          %mul3A_403 = arith.constant 2.000000e+00 : f32
          %mul3A_404 = vector.broadcast %mul3A_403 : f32 to vector<16xf32>
          %mul3A_405 = arith.mulf %mul3A_404, %add3A_399 : vector<16xf32>
          %sub3A_406 = arith.subf %add3A_402, %mul3A_405 : vector<16xf32>
          %swap3A_407 = arith.index_cast %mul3A_388 : i32 to index
          %swap3A_408 = tpu.vector_load %arg9[%swap3A_407] {strides = array<i32>} : memref<4112xf32, #tpu.memory_space<vmem>>, vector<16xf32>,
          tpu.vector_store %arg9[%swap3A_407], %sub3A_406 {strides = array<i32>} : memref<4112xf32, #tpu.memory_space<vmem>>, vector<16xf32>,
          %max3A_409 = arith.maximumf %min3A_384, %sub3A_406 : vector<16xf32>
          %min3A_410 = arith.minimumf %min3A_383, %max3A_409 : vector<16xf32>
          %min3A_411 = arith.minimumf %min3A_384, %sub3A_406 : vector<16xf32>
          %scan3A_412 = arith.constant 6 : i32
          %scan3A_413 = arith.addi %scan3A_251, %scan3A_412 : i32
          %mul3A_414 = arith.constant 16 : i32
          %mul3A_415 = arith.muli %scan3A_413, %mul3A_414 : i32
          %get3A_416 = arith.index_cast %mul3A_415 : i32 to index
          %get3A_417 = tpu.vector_load %arg6[%get3A_416] {strides = array<i32>} : memref<4096xf32, #tpu.memory_space<vmem>>, vector<16xf32>,
          %mul3A_418 = arith.mulf %get3A_417, %gather3A : vector<16xf32>
          %get3A_419 = arith.index_cast %mul3A_415 : i32 to index
          %get3A_420 = tpu.vector_load %arg7[%get3A_419] {strides = array<i32>} : memref<4096xf32, #tpu.memory_space<vmem>>, vector<16xf32>,
          %mul3A_421 = arith.mulf %get3A_420, %gather3A_149 : vector<16xf32>
          %add3A_422 = arith.addf %mul3A_418, %mul3A_421 : vector<16xf32>
          %get3A_423 = arith.index_cast %mul3A_415 : i32 to index
          %get3A_424 = tpu.vector_load %arg8[%get3A_423] {strides = array<i32>} : memref<4096xf32, #tpu.memory_space<vmem>>, vector<16xf32>,
          %mul3A_425 = arith.mulf %get3A_424, %gather3A_150 : vector<16xf32>
          %add3A_426 = arith.addf %add3A_422, %mul3A_425 : vector<16xf32>
          %get3A_427 = arith.index_cast %mul3A_415 : i32 to index
          %get3A_428 = tpu.vector_load %arg5[%get3A_427] {strides = array<i32>} : memref<4096xf32, #tpu.memory_space<vmem>>, vector<16xf32>,
          %add3A_429 = arith.addf %gather3A_151, %get3A_428 : vector<16xf32>
          %mul3A_430 = arith.constant 2.000000e+00 : f32
          %mul3A_431 = vector.broadcast %mul3A_430 : f32 to vector<16xf32>
          %mul3A_432 = arith.mulf %mul3A_431, %add3A_426 : vector<16xf32>
          %sub3A_433 = arith.subf %add3A_429, %mul3A_432 : vector<16xf32>
          %swap3A_434 = arith.index_cast %mul3A_415 : i32 to index
          %swap3A_435 = tpu.vector_load %arg9[%swap3A_434] {strides = array<i32>} : memref<4112xf32, #tpu.memory_space<vmem>>, vector<16xf32>,
          tpu.vector_store %arg9[%swap3A_434], %sub3A_433 {strides = array<i32>} : memref<4112xf32, #tpu.memory_space<vmem>>, vector<16xf32>,
          %max3A_436 = arith.maximumf %min3A_411, %sub3A_433 : vector<16xf32>
          %min3A_437 = arith.minimumf %min3A_410, %max3A_436 : vector<16xf32>
          %min3A_438 = arith.minimumf %min3A_411, %sub3A_433 : vector<16xf32>
          %scan3A_439 = arith.constant 7 : i32
          %scan3A_440 = arith.addi %scan3A_251, %scan3A_439 : i32
          %mul3A_441 = arith.constant 16 : i32
          %mul3A_442 = arith.muli %scan3A_440, %mul3A_441 : i32
          %get3A_443 = arith.index_cast %mul3A_442 : i32 to index
          %get3A_444 = tpu.vector_load %arg6[%get3A_443] {strides = array<i32>} : memref<4096xf32, #tpu.memory_space<vmem>>, vector<16xf32>,
          %mul3A_445 = arith.mulf %get3A_444, %gather3A : vector<16xf32>
          %get3A_446 = arith.index_cast %mul3A_442 : i32 to index
          %get3A_447 = tpu.vector_load %arg7[%get3A_446] {strides = array<i32>} : memref<4096xf32, #tpu.memory_space<vmem>>, vector<16xf32>,
          %mul3A_448 = arith.mulf %get3A_447, %gather3A_149 : vector<16xf32>
          %add3A_449 = arith.addf %mul3A_445, %mul3A_448 : vector<16xf32>
          %get3A_450 = arith.index_cast %mul3A_442 : i32 to index
          %get3A_451 = tpu.vector_load %arg8[%get3A_450] {strides = array<i32>} : memref<4096xf32, #tpu.memory_space<vmem>>, vector<16xf32>,
          %mul3A_452 = arith.mulf %get3A_451, %gather3A_150 : vector<16xf32>
          %add3A_453 = arith.addf %add3A_449, %mul3A_452 : vector<16xf32>
          %get3A_454 = arith.index_cast %mul3A_442 : i32 to index
          %get3A_455 = tpu.vector_load %arg5[%get3A_454] {strides = array<i32>} : memref<4096xf32, #tpu.memory_space<vmem>>, vector<16xf32>,
          %add3A_456 = arith.addf %gather3A_151, %get3A_455 : vector<16xf32>
          %mul3A_457 = arith.constant 2.000000e+00 : f32
          %mul3A_458 = vector.broadcast %mul3A_457 : f32 to vector<16xf32>
          %mul3A_459 = arith.mulf %mul3A_458, %add3A_453 : vector<16xf32>
          %sub3A_460 = arith.subf %add3A_456, %mul3A_459 : vector<16xf32>
          %swap3A_461 = arith.index_cast %mul3A_442 : i32 to index
          %swap3A_462 = tpu.vector_load %arg9[%swap3A_461] {strides = array<i32>} : memref<4112xf32, #tpu.memory_space<vmem>>, vector<16xf32>,
          tpu.vector_store %arg9[%swap3A_461], %sub3A_460 {strides = array<i32>} : memref<4112xf32, #tpu.memory_space<vmem>>, vector<16xf32>,
          %max3A_463 = arith.maximumf %min3A_438, %sub3A_460 : vector<16xf32>
          %min3A_464 = arith.minimumf %min3A_437, %max3A_463 : vector<16xf32>
          %min3A_465 = arith.minimumf %min3A_438, %sub3A_460 : vector<16xf32>
          scf.yield %min3A_465, %min3A_464 : vector<16xf32>, vector<16xf32>
        }
        %scan3A_157 = arith.constant 256 : i32
        %reduce_max3A = arith.constant true
        %reduce_max3A_158 = vector.broadcast %reduce_max3A : i1 to vector<16xi1>
        %reduce_max3A_159 = tpu.scan <max>, %scan3A_156#1 masked %reduce_max3A_158 : vector<16xf32>, vector<16xi1> -> vector<16xf32>
        %reduce_max3A_160 = vector.extract %reduce_max3A_159[15] : f32 from vector<16xf32>
        %broadcast_in_dim3A_161 = vector.broadcast %reduce_max3A_160 : f32 to vector<16xf32>
        %scan3A_162 = arith.constant 0 : i32
        %scan3A_163 = arith.constant 0 : i32
        %scan3A_164 = arith.constant 256 : i32
        %scan3A_165 = arith.addi %scan3A_163, %scan3A_164 : i32
        %scan3A_166 = arith.constant 8 : i32
        %scan3A_167 = scf.for %scan3A_251 = %scan3A_163 to %scan3A_165 step %scan3A_166 iter_args(%scan3A_252 = %scan3A_162) -> (i32)  : i32 {
          %mul3A_253 = arith.constant 16 : i32
          %mul3A_254 = arith.muli %scan3A_251, %mul3A_253 : i32
          %get3A_255 = arith.index_cast %mul3A_254 : i32 to index
          %get3A_256 = tpu.vector_load %arg9[%get3A_255] {strides = array<i32>} : memref<4112xf32, #tpu.memory_space<vmem>>, vector<16xf32>,
          %le3A_257 = arith.cmpf ole, %get3A_256, %broadcast_in_dim3A_161 : vector<16xf32>
          %mul3A_258 = arith.constant 16 : i32
          %mul3A_259 = arith.muli %scan3A_251, %mul3A_258 : i32
          %add3A_260 = vector.broadcast %mul3A_259 : i32 to vector<16xi32>
          %add3A_261 = arith.addi %iota3A, %add3A_260 : vector<16xi32>
          %swap3A_262 = arith.index_cast %scan3A_252 : i32 to index
          %swap3A_263 = tpu.vector_load %arg11[%swap3A_262] masked %le3A_257 {strides = array<i32>} : memref<4240xi32, #tpu.memory_space<vmem>>, vector<16xi32>, vector<16xi1>
          tpu.vector_store %arg11[%swap3A_262], %add3A_261 masked %le3A_257 {strides = array<i32>} : memref<4240xi32, #tpu.memory_space<vmem>>, vector<16xi32>, vector<16xi1>
          %all_reduce_population_count3A = tpu.all_reduce %le3A_257 {dim = 0 : i64, kind = #tpu.reduction_kind<sum>} : vector<16xi1> -> vector<16xi32>
          %slice3A = vector.extract_strided_slice %all_reduce_population_count3A {offsets = [0], sizes = [1], strides = [1]} : vector<16xi32> to vector<1xi32>
          %squeeze3A = vector.extract %slice3A[0] : i32 from vector<1xi32>
          %add3A_264 = arith.addi %scan3A_252, %squeeze3A : i32
          %scan3A_265 = arith.constant 1 : i32
          %scan3A_266 = arith.addi %scan3A_251, %scan3A_265 : i32
          %mul3A_267 = arith.constant 16 : i32
          %mul3A_268 = arith.muli %scan3A_266, %mul3A_267 : i32
          %get3A_269 = arith.index_cast %mul3A_268 : i32 to index
          %get3A_270 = tpu.vector_load %arg9[%get3A_269] {strides = array<i32>} : memref<4112xf32, #tpu.memory_space<vmem>>, vector<16xf32>,
          %le3A_271 = arith.cmpf ole, %get3A_270, %broadcast_in_dim3A_161 : vector<16xf32>
          %mul3A_272 = arith.constant 16 : i32
          %mul3A_273 = arith.muli %scan3A_266, %mul3A_272 : i32
          %add3A_274 = vector.broadcast %mul3A_273 : i32 to vector<16xi32>
          %add3A_275 = arith.addi %iota3A, %add3A_274 : vector<16xi32>
          %swap3A_276 = arith.index_cast %add3A_264 : i32 to index
          %swap3A_277 = tpu.vector_load %arg11[%swap3A_276] masked %le3A_271 {strides = array<i32>} : memref<4240xi32, #tpu.memory_space<vmem>>, vector<16xi32>, vector<16xi1>
          tpu.vector_store %arg11[%swap3A_276], %add3A_275 masked %le3A_271 {strides = array<i32>} : memref<4240xi32, #tpu.memory_space<vmem>>, vector<16xi32>, vector<16xi1>
          %all_reduce_population_count3A_278 = tpu.all_reduce %le3A_271 {dim = 0 : i64, kind = #tpu.reduction_kind<sum>} : vector<16xi1> -> vector<16xi32>
          %slice3A_279 = vector.extract_strided_slice %all_reduce_population_count3A_278 {offsets = [0], sizes = [1], strides = [1]} : vector<16xi32> to vector<1xi32>
          %squeeze3A_280 = vector.extract %slice3A_279[0] : i32 from vector<1xi32>
          %add3A_281 = arith.addi %add3A_264, %squeeze3A_280 : i32
          %scan3A_282 = arith.constant 2 : i32
          %scan3A_283 = arith.addi %scan3A_251, %scan3A_282 : i32
          %mul3A_284 = arith.constant 16 : i32
          %mul3A_285 = arith.muli %scan3A_283, %mul3A_284 : i32
          %get3A_286 = arith.index_cast %mul3A_285 : i32 to index
          %get3A_287 = tpu.vector_load %arg9[%get3A_286] {strides = array<i32>} : memref<4112xf32, #tpu.memory_space<vmem>>, vector<16xf32>,
          %le3A_288 = arith.cmpf ole, %get3A_287, %broadcast_in_dim3A_161 : vector<16xf32>
          %mul3A_289 = arith.constant 16 : i32
          %mul3A_290 = arith.muli %scan3A_283, %mul3A_289 : i32
          %add3A_291 = vector.broadcast %mul3A_290 : i32 to vector<16xi32>
          %add3A_292 = arith.addi %iota3A, %add3A_291 : vector<16xi32>
          %swap3A_293 = arith.index_cast %add3A_281 : i32 to index
          %swap3A_294 = tpu.vector_load %arg11[%swap3A_293] masked %le3A_288 {strides = array<i32>} : memref<4240xi32, #tpu.memory_space<vmem>>, vector<16xi32>, vector<16xi1>
          tpu.vector_store %arg11[%swap3A_293], %add3A_292 masked %le3A_288 {strides = array<i32>} : memref<4240xi32, #tpu.memory_space<vmem>>, vector<16xi32>, vector<16xi1>
          %all_reduce_population_count3A_295 = tpu.all_reduce %le3A_288 {dim = 0 : i64, kind = #tpu.reduction_kind<sum>} : vector<16xi1> -> vector<16xi32>
          %slice3A_296 = vector.extract_strided_slice %all_reduce_population_count3A_295 {offsets = [0], sizes = [1], strides = [1]} : vector<16xi32> to vector<1xi32>
          %squeeze3A_297 = vector.extract %slice3A_296[0] : i32 from vector<1xi32>
          %add3A_298 = arith.addi %add3A_281, %squeeze3A_297 : i32
          %scan3A_299 = arith.constant 3 : i32
          %scan3A_300 = arith.addi %scan3A_251, %scan3A_299 : i32
          %mul3A_301 = arith.constant 16 : i32
          %mul3A_302 = arith.muli %scan3A_300, %mul3A_301 : i32
          %get3A_303 = arith.index_cast %mul3A_302 : i32 to index
          %get3A_304 = tpu.vector_load %arg9[%get3A_303] {strides = array<i32>} : memref<4112xf32, #tpu.memory_space<vmem>>, vector<16xf32>,
          %le3A_305 = arith.cmpf ole, %get3A_304, %broadcast_in_dim3A_161 : vector<16xf32>
          %mul3A_306 = arith.constant 16 : i32
          %mul3A_307 = arith.muli %scan3A_300, %mul3A_306 : i32
          %add3A_308 = vector.broadcast %mul3A_307 : i32 to vector<16xi32>
          %add3A_309 = arith.addi %iota3A, %add3A_308 : vector<16xi32>
          %swap3A_310 = arith.index_cast %add3A_298 : i32 to index
          %swap3A_311 = tpu.vector_load %arg11[%swap3A_310] masked %le3A_305 {strides = array<i32>} : memref<4240xi32, #tpu.memory_space<vmem>>, vector<16xi32>, vector<16xi1>
          tpu.vector_store %arg11[%swap3A_310], %add3A_309 masked %le3A_305 {strides = array<i32>} : memref<4240xi32, #tpu.memory_space<vmem>>, vector<16xi32>, vector<16xi1>
          %all_reduce_population_count3A_312 = tpu.all_reduce %le3A_305 {dim = 0 : i64, kind = #tpu.reduction_kind<sum>} : vector<16xi1> -> vector<16xi32>
          %slice3A_313 = vector.extract_strided_slice %all_reduce_population_count3A_312 {offsets = [0], sizes = [1], strides = [1]} : vector<16xi32> to vector<1xi32>
          %squeeze3A_314 = vector.extract %slice3A_313[0] : i32 from vector<1xi32>
          %add3A_315 = arith.addi %add3A_298, %squeeze3A_314 : i32
          %scan3A_316 = arith.constant 4 : i32
          %scan3A_317 = arith.addi %scan3A_251, %scan3A_316 : i32
          %mul3A_318 = arith.constant 16 : i32
          %mul3A_319 = arith.muli %scan3A_317, %mul3A_318 : i32
          %get3A_320 = arith.index_cast %mul3A_319 : i32 to index
          %get3A_321 = tpu.vector_load %arg9[%get3A_320] {strides = array<i32>} : memref<4112xf32, #tpu.memory_space<vmem>>, vector<16xf32>,
          %le3A_322 = arith.cmpf ole, %get3A_321, %broadcast_in_dim3A_161 : vector<16xf32>
          %mul3A_323 = arith.constant 16 : i32
          %mul3A_324 = arith.muli %scan3A_317, %mul3A_323 : i32
          %add3A_325 = vector.broadcast %mul3A_324 : i32 to vector<16xi32>
          %add3A_326 = arith.addi %iota3A, %add3A_325 : vector<16xi32>
          %swap3A_327 = arith.index_cast %add3A_315 : i32 to index
          %swap3A_328 = tpu.vector_load %arg11[%swap3A_327] masked %le3A_322 {strides = array<i32>} : memref<4240xi32, #tpu.memory_space<vmem>>, vector<16xi32>, vector<16xi1>
          tpu.vector_store %arg11[%swap3A_327], %add3A_326 masked %le3A_322 {strides = array<i32>} : memref<4240xi32, #tpu.memory_space<vmem>>, vector<16xi32>, vector<16xi1>
          %all_reduce_population_count3A_329 = tpu.all_reduce %le3A_322 {dim = 0 : i64, kind = #tpu.reduction_kind<sum>} : vector<16xi1> -> vector<16xi32>
          %slice3A_330 = vector.extract_strided_slice %all_reduce_population_count3A_329 {offsets = [0], sizes = [1], strides = [1]} : vector<16xi32> to vector<1xi32>
          %squeeze3A_331 = vector.extract %slice3A_330[0] : i32 from vector<1xi32>
          %add3A_332 = arith.addi %add3A_315, %squeeze3A_331 : i32
          %scan3A_333 = arith.constant 5 : i32
          %scan3A_334 = arith.addi %scan3A_251, %scan3A_333 : i32
          %mul3A_335 = arith.constant 16 : i32
          %mul3A_336 = arith.muli %scan3A_334, %mul3A_335 : i32
          %get3A_337 = arith.index_cast %mul3A_336 : i32 to index
          %get3A_338 = tpu.vector_load %arg9[%get3A_337] {strides = array<i32>} : memref<4112xf32, #tpu.memory_space<vmem>>, vector<16xf32>,
          %le3A_339 = arith.cmpf ole, %get3A_338, %broadcast_in_dim3A_161 : vector<16xf32>
          %mul3A_340 = arith.constant 16 : i32
          %mul3A_341 = arith.muli %scan3A_334, %mul3A_340 : i32
          %add3A_342 = vector.broadcast %mul3A_341 : i32 to vector<16xi32>
          %add3A_343 = arith.addi %iota3A, %add3A_342 : vector<16xi32>
          %swap3A_344 = arith.index_cast %add3A_332 : i32 to index
          %swap3A_345 = tpu.vector_load %arg11[%swap3A_344] masked %le3A_339 {strides = array<i32>} : memref<4240xi32, #tpu.memory_space<vmem>>, vector<16xi32>, vector<16xi1>
          tpu.vector_store %arg11[%swap3A_344], %add3A_343 masked %le3A_339 {strides = array<i32>} : memref<4240xi32, #tpu.memory_space<vmem>>, vector<16xi32>, vector<16xi1>
          %all_reduce_population_count3A_346 = tpu.all_reduce %le3A_339 {dim = 0 : i64, kind = #tpu.reduction_kind<sum>} : vector<16xi1> -> vector<16xi32>
          %slice3A_347 = vector.extract_strided_slice %all_reduce_population_count3A_346 {offsets = [0], sizes = [1], strides = [1]} : vector<16xi32> to vector<1xi32>
          %squeeze3A_348 = vector.extract %slice3A_347[0] : i32 from vector<1xi32>
          %add3A_349 = arith.addi %add3A_332, %squeeze3A_348 : i32
          %scan3A_350 = arith.constant 6 : i32
          %scan3A_351 = arith.addi %scan3A_251, %scan3A_350 : i32
          %mul3A_352 = arith.constant 16 : i32
          %mul3A_353 = arith.muli %scan3A_351, %mul3A_352 : i32
          %get3A_354 = arith.index_cast %mul3A_353 : i32 to index
          %get3A_355 = tpu.vector_load %arg9[%get3A_354] {strides = array<i32>} : memref<4112xf32, #tpu.memory_space<vmem>>, vector<16xf32>,
          %le3A_356 = arith.cmpf ole, %get3A_355, %broadcast_in_dim3A_161 : vector<16xf32>
          %mul3A_357 = arith.constant 16 : i32
          %mul3A_358 = arith.muli %scan3A_351, %mul3A_357 : i32
          %add3A_359 = vector.broadcast %mul3A_358 : i32 to vector<16xi32>
          %add3A_360 = arith.addi %iota3A, %add3A_359 : vector<16xi32>
          %swap3A_361 = arith.index_cast %add3A_349 : i32 to index
          %swap3A_362 = tpu.vector_load %arg11[%swap3A_361] masked %le3A_356 {strides = array<i32>} : memref<4240xi32, #tpu.memory_space<vmem>>, vector<16xi32>, vector<16xi1>
          tpu.vector_store %arg11[%swap3A_361], %add3A_360 masked %le3A_356 {strides = array<i32>} : memref<4240xi32, #tpu.memory_space<vmem>>, vector<16xi32>, vector<16xi1>
          %all_reduce_population_count3A_363 = tpu.all_reduce %le3A_356 {dim = 0 : i64, kind = #tpu.reduction_kind<sum>} : vector<16xi1> -> vector<16xi32>
          %slice3A_364 = vector.extract_strided_slice %all_reduce_population_count3A_363 {offsets = [0], sizes = [1], strides = [1]} : vector<16xi32> to vector<1xi32>
          %squeeze3A_365 = vector.extract %slice3A_364[0] : i32 from vector<1xi32>
          %add3A_366 = arith.addi %add3A_349, %squeeze3A_365 : i32
          %scan3A_367 = arith.constant 7 : i32
          %scan3A_368 = arith.addi %scan3A_251, %scan3A_367 : i32
          %mul3A_369 = arith.constant 16 : i32
          %mul3A_370 = arith.muli %scan3A_368, %mul3A_369 : i32
          %get3A_371 = arith.index_cast %mul3A_370 : i32 to index
          %get3A_372 = tpu.vector_load %arg9[%get3A_371] {strides = array<i32>} : memref<4112xf32, #tpu.memory_space<vmem>>, vector<16xf32>,
          %le3A_373 = arith.cmpf ole, %get3A_372, %broadcast_in_dim3A_161 : vector<16xf32>
          %mul3A_374 = arith.constant 16 : i32
          %mul3A_375 = arith.muli %scan3A_368, %mul3A_374 : i32
          %add3A_376 = vector.broadcast %mul3A_375 : i32 to vector<16xi32>
          %add3A_377 = arith.addi %iota3A, %add3A_376 : vector<16xi32>
          %swap3A_378 = arith.index_cast %add3A_366 : i32 to index
          %swap3A_379 = tpu.vector_load %arg11[%swap3A_378] masked %le3A_373 {strides = array<i32>} : memref<4240xi32, #tpu.memory_space<vmem>>, vector<16xi32>, vector<16xi1>
          tpu.vector_store %arg11[%swap3A_378], %add3A_377 masked %le3A_373 {strides = array<i32>} : memref<4240xi32, #tpu.memory_space<vmem>>, vector<16xi32>, vector<16xi1>
          %all_reduce_population_count3A_380 = tpu.all_reduce %le3A_373 {dim = 0 : i64, kind = #tpu.reduction_kind<sum>} : vector<16xi1> -> vector<16xi32>
          %slice3A_381 = vector.extract_strided_slice %all_reduce_population_count3A_380 {offsets = [0], sizes = [1], strides = [1]} : vector<16xi32> to vector<1xi32>
          %squeeze3A_382 = vector.extract %slice3A_381[0] : i32 from vector<1xi32>
          %add3A_383 = arith.addi %add3A_366, %squeeze3A_382 : i32
          scf.yield %add3A_383 : i32
        }
        %scan3A_168 = arith.constant 256 : i32
        %add3A_169 = arith.constant 0 : i32
        %add3A_170 = arith.addi %scan3A_167, %add3A_169 : i32
        %swap3A_171 = arith.index_cast %add3A_170 : i32 to index
        %swap3A_172 = tpu.vector_load %arg11[%swap3A_171] {strides = array<i32>} : memref<4240xi32, #tpu.memory_space<vmem>>, vector<16xi32>,
        tpu.vector_store %arg11[%swap3A_171], %broadcast_in_dim3A_22 {strides = array<i32>} : memref<4240xi32, #tpu.memory_space<vmem>>, vector<16xi32>,
        %add3A_173 = arith.constant 16 : i32
        %add3A_174 = arith.addi %scan3A_167, %add3A_173 : i32
        %swap3A_175 = arith.index_cast %add3A_174 : i32 to index
        %swap3A_176 = tpu.vector_load %arg11[%swap3A_175] {strides = array<i32>} : memref<4240xi32, #tpu.memory_space<vmem>>, vector<16xi32>,
        tpu.vector_store %arg11[%swap3A_175], %broadcast_in_dim3A_22 {strides = array<i32>} : memref<4240xi32, #tpu.memory_space<vmem>>, vector<16xi32>,
        %add3A_177 = arith.constant 32 : i32
        %add3A_178 = arith.addi %scan3A_167, %add3A_177 : i32
        %swap3A_179 = arith.index_cast %add3A_178 : i32 to index
        %swap3A_180 = tpu.vector_load %arg11[%swap3A_179] {strides = array<i32>} : memref<4240xi32, #tpu.memory_space<vmem>>, vector<16xi32>,
        tpu.vector_store %arg11[%swap3A_179], %broadcast_in_dim3A_22 {strides = array<i32>} : memref<4240xi32, #tpu.memory_space<vmem>>, vector<16xi32>,
        %add3A_181 = arith.constant 48 : i32
        %add3A_182 = arith.addi %scan3A_167, %add3A_181 : i32
        %swap3A_183 = arith.index_cast %add3A_182 : i32 to index
        %swap3A_184 = tpu.vector_load %arg11[%swap3A_183] {strides = array<i32>} : memref<4240xi32, #tpu.memory_space<vmem>>, vector<16xi32>,
        tpu.vector_store %arg11[%swap3A_183], %broadcast_in_dim3A_22 {strides = array<i32>} : memref<4240xi32, #tpu.memory_space<vmem>>, vector<16xi32>,
        %add3A_185 = arith.constant 64 : i32
        %add3A_186 = arith.addi %scan3A_167, %add3A_185 : i32
        %swap3A_187 = arith.index_cast %add3A_186 : i32 to index
        %swap3A_188 = tpu.vector_load %arg11[%swap3A_187] {strides = array<i32>} : memref<4240xi32, #tpu.memory_space<vmem>>, vector<16xi32>,
        tpu.vector_store %arg11[%swap3A_187], %broadcast_in_dim3A_22 {strides = array<i32>} : memref<4240xi32, #tpu.memory_space<vmem>>, vector<16xi32>,
        %add3A_189 = arith.constant 80 : i32
        %add3A_190 = arith.addi %scan3A_167, %add3A_189 : i32
        %swap3A_191 = arith.index_cast %add3A_190 : i32 to index
        %swap3A_192 = tpu.vector_load %arg11[%swap3A_191] {strides = array<i32>} : memref<4240xi32, #tpu.memory_space<vmem>>, vector<16xi32>,
        tpu.vector_store %arg11[%swap3A_191], %broadcast_in_dim3A_22 {strides = array<i32>} : memref<4240xi32, #tpu.memory_space<vmem>>, vector<16xi32>,
        %add3A_193 = arith.constant 96 : i32
        %add3A_194 = arith.addi %scan3A_167, %add3A_193 : i32
        %swap3A_195 = arith.index_cast %add3A_194 : i32 to index
        %swap3A_196 = tpu.vector_load %arg11[%swap3A_195] {strides = array<i32>} : memref<4240xi32, #tpu.memory_space<vmem>>, vector<16xi32>,
        tpu.vector_store %arg11[%swap3A_195], %broadcast_in_dim3A_22 {strides = array<i32>} : memref<4240xi32, #tpu.memory_space<vmem>>, vector<16xi32>,
        %add3A_197 = arith.constant 112 : i32
        %add3A_198 = arith.addi %scan3A_167, %add3A_197 : i32
        %swap3A_199 = arith.index_cast %add3A_198 : i32 to index
        %swap3A_200 = tpu.vector_load %arg11[%swap3A_199] {strides = array<i32>} : memref<4240xi32, #tpu.memory_space<vmem>>, vector<16xi32>,
        tpu.vector_store %arg11[%swap3A_199], %broadcast_in_dim3A_22 {strides = array<i32>} : memref<4240xi32, #tpu.memory_space<vmem>>, vector<16xi32>,
        %le3A = arith.constant 128 : i32
        %le3A_201 = arith.cmpi sle, %scan3A_167, %le3A : i32
        %convert_element_type3A_202 = arith.extui %le3A_201 : i1 to i32
        %cond3A_203 = arith.constant 0 : i32
        %cond3A_204 = arith.cmpi ne, %convert_element_type3A_202, %cond3A_203 : i32
        scf.if %cond3A_204 {
          %get3A_251 = arith.constant 0 : index
          %get3A_252 = tpu.vector_load %arg11[%get3A_251] {strides = array<i32>} : memref<4240xi32, #tpu.memory_space<vmem>>, vector<16xi32>,
          %gather3A_253 = tpu.vector_load_idx %arg9[%get3A_252] : memref<4112xf32, #tpu.memory_space<vmem>>[vector<16xi32>], vector<16xf32>,
          %masked_sort3A = arith.constant dense<true> : vector<16xi1>
          %masked_sort3A_254, %masked_sort3A_255, %masked_sort3A_256 = tpu.sort %gather3A_253, %get3A_252 masked %masked_sort3A : (vector<16xf32>, vector<16xi32>, vector<16xi1>) -> (vector<16xi1>, vector<16xf32>, vector<16xi32>)
          %get3A_257 = arith.constant 16 : index
          %get3A_258 = tpu.vector_load %arg11[%get3A_257] {strides = array<i32>} : memref<4240xi32, #tpu.memory_space<vmem>>, vector<16xi32>,
          %gather3A_259 = tpu.vector_load_idx %arg9[%get3A_258] : memref<4112xf32, #tpu.memory_space<vmem>>[vector<16xi32>], vector<16xf32>,
          %masked_sort3A_260 = arith.constant dense<true> : vector<16xi1>
          %masked_sort3A_261, %masked_sort3A_262, %masked_sort3A_263 = tpu.sort %gather3A_259, %get3A_258 masked %masked_sort3A_260 : (vector<16xf32>, vector<16xi32>, vector<16xi1>) -> (vector<16xi1>, vector<16xf32>, vector<16xi32>)
          %get3A_264 = arith.constant 32 : index
          %get3A_265 = tpu.vector_load %arg11[%get3A_264] {strides = array<i32>} : memref<4240xi32, #tpu.memory_space<vmem>>, vector<16xi32>,
          %gather3A_266 = tpu.vector_load_idx %arg9[%get3A_265] : memref<4112xf32, #tpu.memory_space<vmem>>[vector<16xi32>], vector<16xf32>,
          %masked_sort3A_267 = arith.constant dense<true> : vector<16xi1>
          %masked_sort3A_268, %masked_sort3A_269, %masked_sort3A_270 = tpu.sort %gather3A_266, %get3A_265 masked %masked_sort3A_267 : (vector<16xf32>, vector<16xi32>, vector<16xi1>) -> (vector<16xi1>, vector<16xf32>, vector<16xi32>)
          %get3A_271 = arith.constant 48 : index
          %get3A_272 = tpu.vector_load %arg11[%get3A_271] {strides = array<i32>} : memref<4240xi32, #tpu.memory_space<vmem>>, vector<16xi32>,
          %gather3A_273 = tpu.vector_load_idx %arg9[%get3A_272] : memref<4112xf32, #tpu.memory_space<vmem>>[vector<16xi32>], vector<16xf32>,
          %masked_sort3A_274 = arith.constant dense<true> : vector<16xi1>
          %masked_sort3A_275, %masked_sort3A_276, %masked_sort3A_277 = tpu.sort %gather3A_273, %get3A_272 masked %masked_sort3A_274 : (vector<16xf32>, vector<16xi32>, vector<16xi1>) -> (vector<16xi1>, vector<16xf32>, vector<16xi32>)
          %get3A_278 = arith.constant 64 : index
          %get3A_279 = tpu.vector_load %arg11[%get3A_278] {strides = array<i32>} : memref<4240xi32, #tpu.memory_space<vmem>>, vector<16xi32>,
          %gather3A_280 = tpu.vector_load_idx %arg9[%get3A_279] : memref<4112xf32, #tpu.memory_space<vmem>>[vector<16xi32>], vector<16xf32>,
          %masked_sort3A_281 = arith.constant dense<true> : vector<16xi1>
          %masked_sort3A_282, %masked_sort3A_283, %masked_sort3A_284 = tpu.sort %gather3A_280, %get3A_279 masked %masked_sort3A_281 : (vector<16xf32>, vector<16xi32>, vector<16xi1>) -> (vector<16xi1>, vector<16xf32>, vector<16xi32>)
          %get3A_285 = arith.constant 80 : index
          %get3A_286 = tpu.vector_load %arg11[%get3A_285] {strides = array<i32>} : memref<4240xi32, #tpu.memory_space<vmem>>, vector<16xi32>,
          %gather3A_287 = tpu.vector_load_idx %arg9[%get3A_286] : memref<4112xf32, #tpu.memory_space<vmem>>[vector<16xi32>], vector<16xf32>,
          %masked_sort3A_288 = arith.constant dense<true> : vector<16xi1>
          %masked_sort3A_289, %masked_sort3A_290, %masked_sort3A_291 = tpu.sort %gather3A_287, %get3A_286 masked %masked_sort3A_288 : (vector<16xf32>, vector<16xi32>, vector<16xi1>) -> (vector<16xi1>, vector<16xf32>, vector<16xi32>)
          %get3A_292 = arith.constant 96 : index
          %get3A_293 = tpu.vector_load %arg11[%get3A_292] {strides = array<i32>} : memref<4240xi32, #tpu.memory_space<vmem>>, vector<16xi32>,
          %gather3A_294 = tpu.vector_load_idx %arg9[%get3A_293] : memref<4112xf32, #tpu.memory_space<vmem>>[vector<16xi32>], vector<16xf32>,
          %masked_sort3A_295 = arith.constant dense<true> : vector<16xi1>
          %masked_sort3A_296, %masked_sort3A_297, %masked_sort3A_298 = tpu.sort %gather3A_294, %get3A_293 masked %masked_sort3A_295 : (vector<16xf32>, vector<16xi32>, vector<16xi1>) -> (vector<16xi1>, vector<16xf32>, vector<16xi32>)
          %get3A_299 = arith.constant 112 : index
          %get3A_300 = tpu.vector_load %arg11[%get3A_299] {strides = array<i32>} : memref<4240xi32, #tpu.memory_space<vmem>>, vector<16xi32>,
          %gather3A_301 = tpu.vector_load_idx %arg9[%get3A_300] : memref<4112xf32, #tpu.memory_space<vmem>>[vector<16xi32>], vector<16xf32>,
          %masked_sort3A_302 = arith.constant dense<true> : vector<16xi1>
          %masked_sort3A_303, %masked_sort3A_304, %masked_sort3A_305 = tpu.sort %gather3A_301, %get3A_300 masked %masked_sort3A_302 : (vector<16xf32>, vector<16xi32>, vector<16xi1>) -> (vector<16xi1>, vector<16xf32>, vector<16xi32>)
          %rev3A = arith.constant 15 : i32
          %rev3A_306 = vector.broadcast %rev3A : i32 to vector<16xi32>
          %rev3A_307 = tpu.iota {dimensions = array<i32: 0>} : vector<16xi32>
          %rev3A_308 = arith.subi %rev3A_306, %rev3A_307 : vector<16xi32>
          %rev3A_309 = tpu.dynamic_gather %masked_sort3A_262[%rev3A_308] in [0] : vector<16xf32>, vector<16xi32> -> vector<16xf32>
          %rev3A_310 = arith.constant 15 : i32
          %rev3A_311 = vector.broadcast %rev3A_310 : i32 to vector<16xi32>
          %rev3A_312 = tpu.iota {dimensions = array<i32: 0>} : vector<16xi32>
          %rev3A_313 = arith.subi %rev3A_311, %rev3A_312 : vector<16xi32>
          %rev3A_314 = tpu.dynamic_gather %masked_sort3A_263[%rev3A_313] in [0] : vector<16xi32>, vector<16xi32> -> vector<16xi32>
          %lt3A = arith.cmpf olt, %masked_sort3A_255, %rev3A_309 : vector<16xf32>
          %eq3A = arith.cmpf oeq, %masked_sort3A_255, %rev3A_309 : vector<16xf32>
          %lt3A_315 = arith.cmpi slt, %masked_sort3A_256, %rev3A_314 : vector<16xi32>
          %and3A_316 = arith.andi %eq3A, %lt3A_315 : vector<16xi1>
          %or3A = arith.ori %lt3A, %and3A_316 : vector<16xi1>
          %select_n3A_317 = arith.select %or3A, %masked_sort3A_255, %rev3A_309 : vector<16xi1>, vector<16xf32>
          %select_n3A_318 = arith.select %or3A, %masked_sort3A_256, %rev3A_314 : vector<16xi1>, vector<16xi32>
          %select_n3A_319 = arith.select %or3A, %rev3A_309, %masked_sort3A_255 : vector<16xi1>, vector<16xf32>
          %select_n3A_320 = arith.select %or3A, %rev3A_314, %masked_sort3A_256 : vector<16xi1>, vector<16xi32>
          %masked_sort3A_321 = arith.constant dense<true> : vector<16xi1>
          %masked_sort3A_322, %masked_sort3A_323, %masked_sort3A_324 = tpu.sort %select_n3A_317, %select_n3A_318 masked %masked_sort3A_321 : (vector<16xf32>, vector<16xi32>, vector<16xi1>) -> (vector<16xi1>, vector<16xf32>, vector<16xi32>)
          %masked_sort3A_325 = arith.constant dense<true> : vector<16xi1>
          %masked_sort3A_326, %masked_sort3A_327, %masked_sort3A_328 = tpu.sort %select_n3A_319, %select_n3A_320 masked %masked_sort3A_325 : (vector<16xf32>, vector<16xi32>, vector<16xi1>) -> (vector<16xi1>, vector<16xf32>, vector<16xi32>)
          %rev3A_329 = arith.constant 15 : i32
          %rev3A_330 = vector.broadcast %rev3A_329 : i32 to vector<16xi32>
          %rev3A_331 = tpu.iota {dimensions = array<i32: 0>} : vector<16xi32>
          %rev3A_332 = arith.subi %rev3A_330, %rev3A_331 : vector<16xi32>
          %rev3A_333 = tpu.dynamic_gather %masked_sort3A_276[%rev3A_332] in [0] : vector<16xf32>, vector<16xi32> -> vector<16xf32>
          %rev3A_334 = arith.constant 15 : i32
          %rev3A_335 = vector.broadcast %rev3A_334 : i32 to vector<16xi32>
          %rev3A_336 = tpu.iota {dimensions = array<i32: 0>} : vector<16xi32>
          %rev3A_337 = arith.subi %rev3A_335, %rev3A_336 : vector<16xi32>
          %rev3A_338 = tpu.dynamic_gather %masked_sort3A_277[%rev3A_337] in [0] : vector<16xi32>, vector<16xi32> -> vector<16xi32>
          %lt3A_339 = arith.cmpf olt, %masked_sort3A_269, %rev3A_333 : vector<16xf32>
          %eq3A_340 = arith.cmpf oeq, %masked_sort3A_269, %rev3A_333 : vector<16xf32>
          %lt3A_341 = arith.cmpi slt, %masked_sort3A_270, %rev3A_338 : vector<16xi32>
          %and3A_342 = arith.andi %eq3A_340, %lt3A_341 : vector<16xi1>
          %or3A_343 = arith.ori %lt3A_339, %and3A_342 : vector<16xi1>
          %select_n3A_344 = arith.select %or3A_343, %masked_sort3A_269, %rev3A_333 : vector<16xi1>, vector<16xf32>
          %select_n3A_345 = arith.select %or3A_343, %masked_sort3A_270, %rev3A_338 : vector<16xi1>, vector<16xi32>
          %select_n3A_346 = arith.select %or3A_343, %rev3A_333, %masked_sort3A_269 : vector<16xi1>, vector<16xf32>
          %select_n3A_347 = arith.select %or3A_343, %rev3A_338, %masked_sort3A_270 : vector<16xi1>, vector<16xi32>
          %masked_sort3A_348 = arith.constant dense<true> : vector<16xi1>
          %masked_sort3A_349, %masked_sort3A_350, %masked_sort3A_351 = tpu.sort %select_n3A_344, %select_n3A_345 masked %masked_sort3A_348 : (vector<16xf32>, vector<16xi32>, vector<16xi1>) -> (vector<16xi1>, vector<16xf32>, vector<16xi32>)
          %masked_sort3A_352 = arith.constant dense<true> : vector<16xi1>
          %masked_sort3A_353, %masked_sort3A_354, %masked_sort3A_355 = tpu.sort %select_n3A_346, %select_n3A_347 masked %masked_sort3A_352 : (vector<16xf32>, vector<16xi32>, vector<16xi1>) -> (vector<16xi1>, vector<16xf32>, vector<16xi32>)
          %rev3A_356 = arith.constant 15 : i32
          %rev3A_357 = vector.broadcast %rev3A_356 : i32 to vector<16xi32>
          %rev3A_358 = tpu.iota {dimensions = array<i32: 0>} : vector<16xi32>
          %rev3A_359 = arith.subi %rev3A_357, %rev3A_358 : vector<16xi32>
          %rev3A_360 = tpu.dynamic_gather %masked_sort3A_290[%rev3A_359] in [0] : vector<16xf32>, vector<16xi32> -> vector<16xf32>
          %rev3A_361 = arith.constant 15 : i32
          %rev3A_362 = vector.broadcast %rev3A_361 : i32 to vector<16xi32>
          %rev3A_363 = tpu.iota {dimensions = array<i32: 0>} : vector<16xi32>
          %rev3A_364 = arith.subi %rev3A_362, %rev3A_363 : vector<16xi32>
          %rev3A_365 = tpu.dynamic_gather %masked_sort3A_291[%rev3A_364] in [0] : vector<16xi32>, vector<16xi32> -> vector<16xi32>
          %lt3A_366 = arith.cmpf olt, %masked_sort3A_283, %rev3A_360 : vector<16xf32>
          %eq3A_367 = arith.cmpf oeq, %masked_sort3A_283, %rev3A_360 : vector<16xf32>
          %lt3A_368 = arith.cmpi slt, %masked_sort3A_284, %rev3A_365 : vector<16xi32>
          %and3A_369 = arith.andi %eq3A_367, %lt3A_368 : vector<16xi1>
          %or3A_370 = arith.ori %lt3A_366, %and3A_369 : vector<16xi1>
          %select_n3A_371 = arith.select %or3A_370, %masked_sort3A_283, %rev3A_360 : vector<16xi1>, vector<16xf32>
          %select_n3A_372 = arith.select %or3A_370, %masked_sort3A_284, %rev3A_365 : vector<16xi1>, vector<16xi32>
          %select_n3A_373 = arith.select %or3A_370, %rev3A_360, %masked_sort3A_283 : vector<16xi1>, vector<16xf32>
          %select_n3A_374 = arith.select %or3A_370, %rev3A_365, %masked_sort3A_284 : vector<16xi1>, vector<16xi32>
          %masked_sort3A_375 = arith.constant dense<true> : vector<16xi1>
          %masked_sort3A_376, %masked_sort3A_377, %masked_sort3A_378 = tpu.sort %select_n3A_371, %select_n3A_372 masked %masked_sort3A_375 : (vector<16xf32>, vector<16xi32>, vector<16xi1>) -> (vector<16xi1>, vector<16xf32>, vector<16xi32>)
          %masked_sort3A_379 = arith.constant dense<true> : vector<16xi1>
          %masked_sort3A_380, %masked_sort3A_381, %masked_sort3A_382 = tpu.sort %select_n3A_373, %select_n3A_374 masked %masked_sort3A_379 : (vector<16xf32>, vector<16xi32>, vector<16xi1>) -> (vector<16xi1>, vector<16xf32>, vector<16xi32>)
          %rev3A_383 = arith.constant 15 : i32
          %rev3A_384 = vector.broadcast %rev3A_383 : i32 to vector<16xi32>
          %rev3A_385 = tpu.iota {dimensions = array<i32: 0>} : vector<16xi32>
          %rev3A_386 = arith.subi %rev3A_384, %rev3A_385 : vector<16xi32>
          %rev3A_387 = tpu.dynamic_gather %masked_sort3A_304[%rev3A_386] in [0] : vector<16xf32>, vector<16xi32> -> vector<16xf32>
          %rev3A_388 = arith.constant 15 : i32
          %rev3A_389 = vector.broadcast %rev3A_388 : i32 to vector<16xi32>
          %rev3A_390 = tpu.iota {dimensions = array<i32: 0>} : vector<16xi32>
          %rev3A_391 = arith.subi %rev3A_389, %rev3A_390 : vector<16xi32>
          %rev3A_392 = tpu.dynamic_gather %masked_sort3A_305[%rev3A_391] in [0] : vector<16xi32>, vector<16xi32> -> vector<16xi32>
          %lt3A_393 = arith.cmpf olt, %masked_sort3A_297, %rev3A_387 : vector<16xf32>
          %eq3A_394 = arith.cmpf oeq, %masked_sort3A_297, %rev3A_387 : vector<16xf32>
          %lt3A_395 = arith.cmpi slt, %masked_sort3A_298, %rev3A_392 : vector<16xi32>
          %and3A_396 = arith.andi %eq3A_394, %lt3A_395 : vector<16xi1>
          %or3A_397 = arith.ori %lt3A_393, %and3A_396 : vector<16xi1>
          %select_n3A_398 = arith.select %or3A_397, %masked_sort3A_297, %rev3A_387 : vector<16xi1>, vector<16xf32>
          %select_n3A_399 = arith.select %or3A_397, %masked_sort3A_298, %rev3A_392 : vector<16xi1>, vector<16xi32>
          %select_n3A_400 = arith.select %or3A_397, %rev3A_387, %masked_sort3A_297 : vector<16xi1>, vector<16xf32>
          %select_n3A_401 = arith.select %or3A_397, %rev3A_392, %masked_sort3A_298 : vector<16xi1>, vector<16xi32>
          %masked_sort3A_402 = arith.constant dense<true> : vector<16xi1>
          %masked_sort3A_403, %masked_sort3A_404, %masked_sort3A_405 = tpu.sort %select_n3A_398, %select_n3A_399 masked %masked_sort3A_402 : (vector<16xf32>, vector<16xi32>, vector<16xi1>) -> (vector<16xi1>, vector<16xf32>, vector<16xi32>)
          %masked_sort3A_406 = arith.constant dense<true> : vector<16xi1>
          %masked_sort3A_407, %masked_sort3A_408, %masked_sort3A_409 = tpu.sort %select_n3A_400, %select_n3A_401 masked %masked_sort3A_406 : (vector<16xf32>, vector<16xi32>, vector<16xi1>) -> (vector<16xi1>, vector<16xf32>, vector<16xi32>)
          %rev3A_410 = arith.constant 15 : i32
          %rev3A_411 = vector.broadcast %rev3A_410 : i32 to vector<16xi32>
          %rev3A_412 = tpu.iota {dimensions = array<i32: 0>} : vector<16xi32>
          %rev3A_413 = arith.subi %rev3A_411, %rev3A_412 : vector<16xi32>
          %rev3A_414 = tpu.dynamic_gather %masked_sort3A_354[%rev3A_413] in [0] : vector<16xf32>, vector<16xi32> -> vector<16xf32>
          %rev3A_415 = arith.constant 15 : i32
          %rev3A_416 = vector.broadcast %rev3A_415 : i32 to vector<16xi32>
          %rev3A_417 = tpu.iota {dimensions = array<i32: 0>} : vector<16xi32>
          %rev3A_418 = arith.subi %rev3A_416, %rev3A_417 : vector<16xi32>
          %rev3A_419 = tpu.dynamic_gather %masked_sort3A_355[%rev3A_418] in [0] : vector<16xi32>, vector<16xi32> -> vector<16xi32>
          %rev3A_420 = arith.constant 15 : i32
          %rev3A_421 = vector.broadcast %rev3A_420 : i32 to vector<16xi32>
          %rev3A_422 = tpu.iota {dimensions = array<i32: 0>} : vector<16xi32>
          %rev3A_423 = arith.subi %rev3A_421, %rev3A_422 : vector<16xi32>
          %rev3A_424 = tpu.dynamic_gather %masked_sort3A_350[%rev3A_423] in [0] : vector<16xf32>, vector<16xi32> -> vector<16xf32>
          %rev3A_425 = arith.constant 15 : i32
          %rev3A_426 = vector.broadcast %rev3A_425 : i32 to vector<16xi32>
          %rev3A_427 = tpu.iota {dimensions = array<i32: 0>} : vector<16xi32>
          %rev3A_428 = arith.subi %rev3A_426, %rev3A_427 : vector<16xi32>
          %rev3A_429 = tpu.dynamic_gather %masked_sort3A_351[%rev3A_428] in [0] : vector<16xi32>, vector<16xi32> -> vector<16xi32>
          %lt3A_430 = arith.cmpf olt, %masked_sort3A_323, %rev3A_414 : vector<16xf32>
          %eq3A_431 = arith.cmpf oeq, %masked_sort3A_323, %rev3A_414 : vector<16xf32>
          %lt3A_432 = arith.cmpi slt, %masked_sort3A_324, %rev3A_419 : vector<16xi32>
          %and3A_433 = arith.andi %eq3A_431, %lt3A_432 : vector<16xi1>
          %or3A_434 = arith.ori %lt3A_430, %and3A_433 : vector<16xi1>
          %select_n3A_435 = arith.select %or3A_434, %masked_sort3A_323, %rev3A_414 : vector<16xi1>, vector<16xf32>
          %select_n3A_436 = arith.select %or3A_434, %masked_sort3A_324, %rev3A_419 : vector<16xi1>, vector<16xi32>
          %select_n3A_437 = arith.select %or3A_434, %rev3A_414, %masked_sort3A_323 : vector<16xi1>, vector<16xf32>
          %select_n3A_438 = arith.select %or3A_434, %rev3A_419, %masked_sort3A_324 : vector<16xi1>, vector<16xi32>
          %lt3A_439 = arith.cmpf olt, %masked_sort3A_327, %rev3A_424 : vector<16xf32>
          %eq3A_440 = arith.cmpf oeq, %masked_sort3A_327, %rev3A_424 : vector<16xf32>
          %lt3A_441 = arith.cmpi slt, %masked_sort3A_328, %rev3A_429 : vector<16xi32>
          %and3A_442 = arith.andi %eq3A_440, %lt3A_441 : vector<16xi1>
          %or3A_443 = arith.ori %lt3A_439, %and3A_442 : vector<16xi1>
          %select_n3A_444 = arith.select %or3A_443, %masked_sort3A_327, %rev3A_424 : vector<16xi1>, vector<16xf32>
          %select_n3A_445 = arith.select %or3A_443, %masked_sort3A_328, %rev3A_429 : vector<16xi1>, vector<16xi32>
          %select_n3A_446 = arith.select %or3A_443, %rev3A_424, %masked_sort3A_327 : vector<16xi1>, vector<16xf32>
          %select_n3A_447 = arith.select %or3A_443, %rev3A_429, %masked_sort3A_328 : vector<16xi1>, vector<16xi32>
          %lt3A_448 = arith.cmpf olt, %select_n3A_435, %select_n3A_444 : vector<16xf32>
          %eq3A_449 = arith.cmpf oeq, %select_n3A_435, %select_n3A_444 : vector<16xf32>
          %lt3A_450 = arith.cmpi slt, %select_n3A_436, %select_n3A_445 : vector<16xi32>
          %and3A_451 = arith.andi %eq3A_449, %lt3A_450 : vector<16xi1>
          %or3A_452 = arith.ori %lt3A_448, %and3A_451 : vector<16xi1>
          %select_n3A_453 = arith.select %or3A_452, %select_n3A_435, %select_n3A_444 : vector<16xi1>, vector<16xf32>
          %select_n3A_454 = arith.select %or3A_452, %select_n3A_436, %select_n3A_445 : vector<16xi1>, vector<16xi32>
          %select_n3A_455 = arith.select %or3A_452, %select_n3A_444, %select_n3A_435 : vector<16xi1>, vector<16xf32>
          %select_n3A_456 = arith.select %or3A_452, %select_n3A_445, %select_n3A_436 : vector<16xi1>, vector<16xi32>
          %masked_sort3A_457 = arith.constant dense<true> : vector<16xi1>
          %masked_sort3A_458, %masked_sort3A_459, %masked_sort3A_460 = tpu.sort %select_n3A_453, %select_n3A_454 masked %masked_sort3A_457 : (vector<16xf32>, vector<16xi32>, vector<16xi1>) -> (vector<16xi1>, vector<16xf32>, vector<16xi32>)
          %masked_sort3A_461 = arith.constant dense<true> : vector<16xi1>
          %masked_sort3A_462, %masked_sort3A_463, %masked_sort3A_464 = tpu.sort %select_n3A_455, %select_n3A_456 masked %masked_sort3A_461 : (vector<16xf32>, vector<16xi32>, vector<16xi1>) -> (vector<16xi1>, vector<16xf32>, vector<16xi32>)
          %rev3A_465 = arith.constant 15 : i32
          %rev3A_466 = vector.broadcast %rev3A_465 : i32 to vector<16xi32>
          %rev3A_467 = tpu.iota {dimensions = array<i32: 0>} : vector<16xi32>
          %rev3A_468 = arith.subi %rev3A_466, %rev3A_467 : vector<16xi32>
          %rev3A_469 = tpu.dynamic_gather %masked_sort3A_408[%rev3A_468] in [0] : vector<16xf32>, vector<16xi32> -> vector<16xf32>
          %rev3A_470 = arith.constant 15 : i32
          %rev3A_471 = vector.broadcast %rev3A_470 : i32 to vector<16xi32>
          %rev3A_472 = tpu.iota {dimensions = array<i32: 0>} : vector<16xi32>
          %rev3A_473 = arith.subi %rev3A_471, %rev3A_472 : vector<16xi32>
          %rev3A_474 = tpu.dynamic_gather %masked_sort3A_409[%rev3A_473] in [0] : vector<16xi32>, vector<16xi32> -> vector<16xi32>
          %rev3A_475 = arith.constant 15 : i32
          %rev3A_476 = vector.broadcast %rev3A_475 : i32 to vector<16xi32>
          %rev3A_477 = tpu.iota {dimensions = array<i32: 0>} : vector<16xi32>
          %rev3A_478 = arith.subi %rev3A_476, %rev3A_477 : vector<16xi32>
          %rev3A_479 = tpu.dynamic_gather %masked_sort3A_404[%rev3A_478] in [0] : vector<16xf32>, vector<16xi32> -> vector<16xf32>
          %rev3A_480 = arith.constant 15 : i32
          %rev3A_481 = vector.broadcast %rev3A_480 : i32 to vector<16xi32>
          %rev3A_482 = tpu.iota {dimensions = array<i32: 0>} : vector<16xi32>
          %rev3A_483 = arith.subi %rev3A_481, %rev3A_482 : vector<16xi32>
          %rev3A_484 = tpu.dynamic_gather %masked_sort3A_405[%rev3A_483] in [0] : vector<16xi32>, vector<16xi32> -> vector<16xi32>
          %lt3A_485 = arith.cmpf olt, %masked_sort3A_377, %rev3A_469 : vector<16xf32>
          %eq3A_486 = arith.cmpf oeq, %masked_sort3A_377, %rev3A_469 : vector<16xf32>
          %lt3A_487 = arith.cmpi slt, %masked_sort3A_378, %rev3A_474 : vector<16xi32>
          %and3A_488 = arith.andi %eq3A_486, %lt3A_487 : vector<16xi1>
          %or3A_489 = arith.ori %lt3A_485, %and3A_488 : vector<16xi1>
          %select_n3A_490 = arith.select %or3A_489, %masked_sort3A_377, %rev3A_469 : vector<16xi1>, vector<16xf32>
          %select_n3A_491 = arith.select %or3A_489, %masked_sort3A_378, %rev3A_474 : vector<16xi1>, vector<16xi32>
          %select_n3A_492 = arith.select %or3A_489, %rev3A_469, %masked_sort3A_377 : vector<16xi1>, vector<16xf32>
          %select_n3A_493 = arith.select %or3A_489, %rev3A_474, %masked_sort3A_378 : vector<16xi1>, vector<16xi32>
          %lt3A_494 = arith.cmpf olt, %masked_sort3A_381, %rev3A_479 : vector<16xf32>
          %eq3A_495 = arith.cmpf oeq, %masked_sort3A_381, %rev3A_479 : vector<16xf32>
          %lt3A_496 = arith.cmpi slt, %masked_sort3A_382, %rev3A_484 : vector<16xi32>
          %and3A_497 = arith.andi %eq3A_495, %lt3A_496 : vector<16xi1>
          %or3A_498 = arith.ori %lt3A_494, %and3A_497 : vector<16xi1>
          %select_n3A_499 = arith.select %or3A_498, %masked_sort3A_381, %rev3A_479 : vector<16xi1>, vector<16xf32>
          %select_n3A_500 = arith.select %or3A_498, %masked_sort3A_382, %rev3A_484 : vector<16xi1>, vector<16xi32>
          %select_n3A_501 = arith.select %or3A_498, %rev3A_479, %masked_sort3A_381 : vector<16xi1>, vector<16xf32>
          %select_n3A_502 = arith.select %or3A_498, %rev3A_484, %masked_sort3A_382 : vector<16xi1>, vector<16xi32>
          %lt3A_503 = arith.cmpf olt, %select_n3A_490, %select_n3A_499 : vector<16xf32>
          %eq3A_504 = arith.cmpf oeq, %select_n3A_490, %select_n3A_499 : vector<16xf32>
          %lt3A_505 = arith.cmpi slt, %select_n3A_491, %select_n3A_500 : vector<16xi32>
          %and3A_506 = arith.andi %eq3A_504, %lt3A_505 : vector<16xi1>
          %or3A_507 = arith.ori %lt3A_503, %and3A_506 : vector<16xi1>
          %select_n3A_508 = arith.select %or3A_507, %select_n3A_490, %select_n3A_499 : vector<16xi1>, vector<16xf32>
          %select_n3A_509 = arith.select %or3A_507, %select_n3A_491, %select_n3A_500 : vector<16xi1>, vector<16xi32>
          %select_n3A_510 = arith.select %or3A_507, %select_n3A_499, %select_n3A_490 : vector<16xi1>, vector<16xf32>
          %select_n3A_511 = arith.select %or3A_507, %select_n3A_500, %select_n3A_491 : vector<16xi1>, vector<16xi32>
          %masked_sort3A_512 = arith.constant dense<true> : vector<16xi1>
          %masked_sort3A_513, %masked_sort3A_514, %masked_sort3A_515 = tpu.sort %select_n3A_508, %select_n3A_509 masked %masked_sort3A_512 : (vector<16xf32>, vector<16xi32>, vector<16xi1>) -> (vector<16xi1>, vector<16xf32>, vector<16xi32>)
          %masked_sort3A_516 = arith.constant dense<true> : vector<16xi1>
          %masked_sort3A_517, %masked_sort3A_518, %masked_sort3A_519 = tpu.sort %select_n3A_510, %select_n3A_511 masked %masked_sort3A_516 : (vector<16xf32>, vector<16xi32>, vector<16xi1>) -> (vector<16xi1>, vector<16xf32>, vector<16xi32>)
          %rev3A_520 = arith.constant 15 : i32
          %rev3A_521 = vector.broadcast %rev3A_520 : i32 to vector<16xi32>
          %rev3A_522 = tpu.iota {dimensions = array<i32: 0>} : vector<16xi32>
          %rev3A_523 = arith.subi %rev3A_521, %rev3A_522 : vector<16xi32>
          %rev3A_524 = tpu.dynamic_gather %masked_sort3A_518[%rev3A_523] in [0] : vector<16xf32>, vector<16xi32> -> vector<16xf32>
          %rev3A_525 = arith.constant 15 : i32
          %rev3A_526 = vector.broadcast %rev3A_525 : i32 to vector<16xi32>
          %rev3A_527 = tpu.iota {dimensions = array<i32: 0>} : vector<16xi32>
          %rev3A_528 = arith.subi %rev3A_526, %rev3A_527 : vector<16xi32>
          %rev3A_529 = tpu.dynamic_gather %masked_sort3A_519[%rev3A_528] in [0] : vector<16xi32>, vector<16xi32> -> vector<16xi32>
          %rev3A_530 = arith.constant 15 : i32
          %rev3A_531 = vector.broadcast %rev3A_530 : i32 to vector<16xi32>
          %rev3A_532 = tpu.iota {dimensions = array<i32: 0>} : vector<16xi32>
          %rev3A_533 = arith.subi %rev3A_531, %rev3A_532 : vector<16xi32>
          %rev3A_534 = tpu.dynamic_gather %masked_sort3A_514[%rev3A_533] in [0] : vector<16xf32>, vector<16xi32> -> vector<16xf32>
          %rev3A_535 = arith.constant 15 : i32
          %rev3A_536 = vector.broadcast %rev3A_535 : i32 to vector<16xi32>
          %rev3A_537 = tpu.iota {dimensions = array<i32: 0>} : vector<16xi32>
          %rev3A_538 = arith.subi %rev3A_536, %rev3A_537 : vector<16xi32>
          %rev3A_539 = tpu.dynamic_gather %masked_sort3A_515[%rev3A_538] in [0] : vector<16xi32>, vector<16xi32> -> vector<16xi32>
          %lt3A_540 = arith.cmpf olt, %masked_sort3A_459, %rev3A_524 : vector<16xf32>
          %eq3A_541 = arith.cmpf oeq, %masked_sort3A_459, %rev3A_524 : vector<16xf32>
          %lt3A_542 = arith.cmpi slt, %masked_sort3A_460, %rev3A_529 : vector<16xi32>
          %and3A_543 = arith.andi %eq3A_541, %lt3A_542 : vector<16xi1>
          %or3A_544 = arith.ori %lt3A_540, %and3A_543 : vector<16xi1>
          %select_n3A_545 = arith.select %or3A_544, %masked_sort3A_459, %rev3A_524 : vector<16xi1>, vector<16xf32>
          %select_n3A_546 = arith.select %or3A_544, %masked_sort3A_460, %rev3A_529 : vector<16xi1>, vector<16xi32>
          %select_n3A_547 = arith.select %or3A_544, %rev3A_524, %masked_sort3A_459 : vector<16xi1>, vector<16xf32>
          %select_n3A_548 = arith.select %or3A_544, %rev3A_529, %masked_sort3A_460 : vector<16xi1>, vector<16xi32>
          %lt3A_549 = arith.cmpf olt, %masked_sort3A_463, %rev3A_534 : vector<16xf32>
          %eq3A_550 = arith.cmpf oeq, %masked_sort3A_463, %rev3A_534 : vector<16xf32>
          %lt3A_551 = arith.cmpi slt, %masked_sort3A_464, %rev3A_539 : vector<16xi32>
          %and3A_552 = arith.andi %eq3A_550, %lt3A_551 : vector<16xi1>
          %or3A_553 = arith.ori %lt3A_549, %and3A_552 : vector<16xi1>
          %select_n3A_554 = arith.select %or3A_553, %masked_sort3A_463, %rev3A_534 : vector<16xi1>, vector<16xf32>
          %select_n3A_555 = arith.select %or3A_553, %masked_sort3A_464, %rev3A_539 : vector<16xi1>, vector<16xi32>
          %select_n3A_556 = arith.select %or3A_553, %rev3A_534, %masked_sort3A_463 : vector<16xi1>, vector<16xf32>
          %select_n3A_557 = arith.select %or3A_553, %rev3A_539, %masked_sort3A_464 : vector<16xi1>, vector<16xi32>
          %lt3A_558 = arith.cmpf olt, %select_n3A_545, %select_n3A_554 : vector<16xf32>
          %eq3A_559 = arith.cmpf oeq, %select_n3A_545, %select_n3A_554 : vector<16xf32>
          %lt3A_560 = arith.cmpi slt, %select_n3A_546, %select_n3A_555 : vector<16xi32>
          %and3A_561 = arith.andi %eq3A_559, %lt3A_560 : vector<16xi1>
          %or3A_562 = arith.ori %lt3A_558, %and3A_561 : vector<16xi1>
          %select_n3A_563 = arith.select %or3A_562, %select_n3A_545, %select_n3A_554 : vector<16xi1>, vector<16xf32>
          %select_n3A_564 = arith.select %or3A_562, %select_n3A_546, %select_n3A_555 : vector<16xi1>, vector<16xi32>
          %select_n3A_565 = arith.select %or3A_562, %select_n3A_554, %select_n3A_545 : vector<16xi1>, vector<16xf32>
          %select_n3A_566 = arith.select %or3A_562, %select_n3A_555, %select_n3A_546 : vector<16xi1>, vector<16xi32>
          %masked_sort3A_567 = arith.constant dense<true> : vector<16xi1>
          %masked_sort3A_568, %masked_sort3A_569, %masked_sort3A_570 = tpu.sort %select_n3A_563, %select_n3A_564 masked %masked_sort3A_567 : (vector<16xf32>, vector<16xi32>, vector<16xi1>) -> (vector<16xi1>, vector<16xf32>, vector<16xi32>)
          %masked_sort3A_571 = arith.constant dense<true> : vector<16xi1>
          %masked_sort3A_572, %masked_sort3A_573, %masked_sort3A_574 = tpu.sort %select_n3A_565, %select_n3A_566 masked %masked_sort3A_571 : (vector<16xf32>, vector<16xi32>, vector<16xi1>) -> (vector<16xi1>, vector<16xf32>, vector<16xi32>)
          %swap3A_575 = arith.constant 0 : index
          %swap3A_576 = tpu.vector_load %arg10[%swap3A_575] {strides = array<i32>} : memref<32xf32, #tpu.memory_space<vmem>>, vector<16xf32>,
          tpu.vector_store %arg10[%swap3A_575], %masked_sort3A_569 {strides = array<i32>} : memref<32xf32, #tpu.memory_space<vmem>>, vector<16xf32>,
          %swap3A_577 = arith.constant 0 : index
          %swap3A_578 = tpu.vector_load %arg11[%swap3A_577] {strides = array<i32>} : memref<4240xi32, #tpu.memory_space<vmem>>, vector<16xi32>,
          tpu.vector_store %arg11[%swap3A_577], %masked_sort3A_570 {strides = array<i32>} : memref<4240xi32, #tpu.memory_space<vmem>>, vector<16xi32>,
          %swap3A_579 = arith.constant 16 : index
          %swap3A_580 = tpu.vector_load %arg10[%swap3A_579] {strides = array<i32>} : memref<32xf32, #tpu.memory_space<vmem>>, vector<16xf32>,
          tpu.vector_store %arg10[%swap3A_579], %masked_sort3A_573 {strides = array<i32>} : memref<32xf32, #tpu.memory_space<vmem>>, vector<16xf32>,
          %swap3A_581 = arith.constant 16 : index
          %swap3A_582 = tpu.vector_load %arg11[%swap3A_581] {strides = array<i32>} : memref<4240xi32, #tpu.memory_space<vmem>>, vector<16xi32>,
          tpu.vector_store %arg11[%swap3A_581], %masked_sort3A_574 {strides = array<i32>} : memref<4240xi32, #tpu.memory_space<vmem>>, vector<16xi32>,
          %mul3A_583 = arith.constant 2 : i32
          %mul3A_584 = vector.broadcast %mul3A_583 : i32 to vector<16xi32>
          %mul3A_585 = arith.muli %mul3A_584, %iota3A : vector<16xi32>
          %mul3A_586 = arith.constant 2 : i32
          %mul3A_587 = vector.broadcast %mul3A_586 : i32 to vector<16xi32>
          %mul3A_588 = arith.muli %mul3A_587, %iota3A : vector<16xi32>
          %add3A_589 = arith.constant 1 : i32
          %add3A_590 = vector.broadcast %add3A_589 : i32 to vector<16xi32>
          %add3A_591 = arith.addi %mul3A_588, %add3A_590 : vector<16xi32>
          %gather3A_592 = tpu.vector_load_idx %arg10[%mul3A_585] : memref<32xf32, #tpu.memory_space<vmem>>[vector<16xi32>], vector<16xf32>,
          %gather3A_593 = tpu.vector_load_idx %arg11[%mul3A_585] : memref<4240xi32, #tpu.memory_space<vmem>>[vector<16xi32>], vector<16xi32>,
          %gather3A_594 = tpu.vector_load_idx %arg10[%add3A_591] : memref<32xf32, #tpu.memory_space<vmem>>[vector<16xi32>], vector<16xf32>,
          %gather3A_595 = tpu.vector_load_idx %arg11[%add3A_591] : memref<4240xi32, #tpu.memory_space<vmem>>[vector<16xi32>], vector<16xi32>,
          %lt3A_596 = arith.cmpf olt, %gather3A_592, %gather3A_594 : vector<16xf32>
          %eq3A_597 = arith.cmpf oeq, %gather3A_592, %gather3A_594 : vector<16xf32>
          %lt3A_598 = arith.cmpi slt, %gather3A_593, %gather3A_595 : vector<16xi32>
          %and3A_599 = arith.andi %eq3A_597, %lt3A_598 : vector<16xi1>
          %or3A_600 = arith.ori %lt3A_596, %and3A_599 : vector<16xi1>
          %select_n3A_601 = arith.select %or3A_600, %gather3A_592, %gather3A_594 : vector<16xi1>, vector<16xf32>
          %select_n3A_602 = arith.select %or3A_600, %gather3A_593, %gather3A_595 : vector<16xi1>, vector<16xi32>
          %select_n3A_603 = arith.select %or3A_600, %gather3A_594, %gather3A_592 : vector<16xi1>, vector<16xf32>
          %select_n3A_604 = arith.select %or3A_600, %gather3A_595, %gather3A_593 : vector<16xi1>, vector<16xi32>
          tpu.vector_store_idx %arg10[%mul3A_585], %select_n3A_601 : memref<32xf32, #tpu.memory_space<vmem>>[vector<16xi32>], vector<16xf32>,
          tpu.vector_store_idx %arg11[%mul3A_585], %select_n3A_602 : memref<4240xi32, #tpu.memory_space<vmem>>[vector<16xi32>], vector<16xi32>,
          tpu.vector_store_idx %arg10[%add3A_591], %select_n3A_603 : memref<32xf32, #tpu.memory_space<vmem>>[vector<16xi32>], vector<16xf32>,
          tpu.vector_store_idx %arg11[%add3A_591], %select_n3A_604 : memref<4240xi32, #tpu.memory_space<vmem>>[vector<16xi32>], vector<16xi32>,
          %mul3A_605 = arith.constant 2 : i32
          %mul3A_606 = vector.broadcast %mul3A_605 : i32 to vector<16xi32>
          %mul3A_607 = arith.muli %mul3A_606, %iota3A : vector<16xi32>
          %add3A_608 = arith.constant 1 : i32
          %add3A_609 = vector.broadcast %add3A_608 : i32 to vector<16xi32>
          %add3A_610 = arith.addi %mul3A_607, %add3A_609 : vector<16xi32>
          %min3A = arith.constant 31 : i32
          %min3A_611 = vector.broadcast %min3A : i32 to vector<16xi32>
          %min3A_612 = arith.minsi %add3A_610, %min3A_611 : vector<16xi32>
          %mul3A_613 = arith.constant 2 : i32
          %mul3A_614 = vector.broadcast %mul3A_613 : i32 to vector<16xi32>
          %mul3A_615 = arith.muli %mul3A_614, %iota3A : vector<16xi32>
          %add3A_616 = arith.constant 2 : i32
          %add3A_617 = vector.broadcast %add3A_616 : i32 to vector<16xi32>
          %add3A_618 = arith.addi %mul3A_615, %add3A_617 : vector<16xi32>
          %min3A_619 = arith.constant 31 : i32
          %min3A_620 = vector.broadcast %min3A_619 : i32 to vector<16xi32>
          %min3A_621 = arith.minsi %add3A_618, %min3A_620 : vector<16xi32>
          %gather3A_622 = tpu.vector_load_idx %arg10[%min3A_612] : memref<32xf32, #tpu.memory_space<vmem>>[vector<16xi32>], vector<16xf32>,
          %gather3A_623 = tpu.vector_load_idx %arg11[%min3A_612] : memref<4240xi32, #tpu.memory_space<vmem>>[vector<16xi32>], vector<16xi32>,
          %gather3A_624 = tpu.vector_load_idx %arg10[%min3A_621] : memref<32xf32, #tpu.memory_space<vmem>>[vector<16xi32>], vector<16xf32>,
          %gather3A_625 = tpu.vector_load_idx %arg11[%min3A_621] : memref<4240xi32, #tpu.memory_space<vmem>>[vector<16xi32>], vector<16xi32>,
          %lt3A_626 = arith.cmpf olt, %gather3A_622, %gather3A_624 : vector<16xf32>
          %eq3A_627 = arith.cmpf oeq, %gather3A_622, %gather3A_624 : vector<16xf32>
          %lt3A_628 = arith.cmpi slt, %gather3A_623, %gather3A_625 : vector<16xi32>
          %and3A_629 = arith.andi %eq3A_627, %lt3A_628 : vector<16xi1>
          %or3A_630 = arith.ori %lt3A_626, %and3A_629 : vector<16xi1>
          %select_n3A_631 = arith.select %or3A_630, %gather3A_622, %gather3A_624 : vector<16xi1>, vector<16xf32>
          %select_n3A_632 = arith.select %or3A_630, %gather3A_623, %gather3A_625 : vector<16xi1>, vector<16xi32>
          %select_n3A_633 = arith.select %or3A_630, %gather3A_624, %gather3A_622 : vector<16xi1>, vector<16xf32>
          %select_n3A_634 = arith.select %or3A_630, %gather3A_625, %gather3A_623 : vector<16xi1>, vector<16xi32>
          tpu.vector_store_idx %arg10[%min3A_612], %select_n3A_631 : memref<32xf32, #tpu.memory_space<vmem>>[vector<16xi32>], vector<16xf32>,
          tpu.vector_store_idx %arg11[%min3A_612], %select_n3A_632 : memref<4240xi32, #tpu.memory_space<vmem>>[vector<16xi32>], vector<16xi32>,
          tpu.vector_store_idx %arg10[%min3A_621], %select_n3A_633 : memref<32xf32, #tpu.memory_space<vmem>>[vector<16xi32>], vector<16xf32>,
          tpu.vector_store_idx %arg11[%min3A_621], %select_n3A_634 : memref<4240xi32, #tpu.memory_space<vmem>>[vector<16xi32>], vector<16xi32>,
          %mul3A_635 = arith.constant 2 : i32
          %mul3A_636 = vector.broadcast %mul3A_635 : i32 to vector<16xi32>
          %mul3A_637 = arith.muli %mul3A_636, %iota3A : vector<16xi32>
          %mul3A_638 = arith.constant 2 : i32
          %mul3A_639 = vector.broadcast %mul3A_638 : i32 to vector<16xi32>
          %mul3A_640 = arith.muli %mul3A_639, %iota3A : vector<16xi32>
          %add3A_641 = arith.constant 1 : i32
          %add3A_642 = vector.broadcast %add3A_641 : i32 to vector<16xi32>
          %add3A_643 = arith.addi %mul3A_640, %add3A_642 : vector<16xi32>
          %gather3A_644 = tpu.vector_load_idx %arg10[%mul3A_637] : memref<32xf32, #tpu.memory_space<vmem>>[vector<16xi32>], vector<16xf32>,
          %gather3A_645 = tpu.vector_load_idx %arg11[%mul3A_637] : memref<4240xi32, #tpu.memory_space<vmem>>[vector<16xi32>], vector<16xi32>,
          %gather3A_646 = tpu.vector_load_idx %arg10[%add3A_643] : memref<32xf32, #tpu.memory_space<vmem>>[vector<16xi32>], vector<16xf32>,
          %gather3A_647 = tpu.vector_load_idx %arg11[%add3A_643] : memref<4240xi32, #tpu.memory_space<vmem>>[vector<16xi32>], vector<16xi32>,
          %lt3A_648 = arith.cmpf olt, %gather3A_644, %gather3A_646 : vector<16xf32>
          %eq3A_649 = arith.cmpf oeq, %gather3A_644, %gather3A_646 : vector<16xf32>
          %lt3A_650 = arith.cmpi slt, %gather3A_645, %gather3A_647 : vector<16xi32>
          %and3A_651 = arith.andi %eq3A_649, %lt3A_650 : vector<16xi1>
          %or3A_652 = arith.ori %lt3A_648, %and3A_651 : vector<16xi1>
          %select_n3A_653 = arith.select %or3A_652, %gather3A_644, %gather3A_646 : vector<16xi1>, vector<16xf32>
          %select_n3A_654 = arith.select %or3A_652, %gather3A_645, %gather3A_647 : vector<16xi1>, vector<16xi32>
          %select_n3A_655 = arith.select %or3A_652, %gather3A_646, %gather3A_644 : vector<16xi1>, vector<16xf32>
          %select_n3A_656 = arith.select %or3A_652, %gather3A_647, %gather3A_645 : vector<16xi1>, vector<16xi32>
          tpu.vector_store_idx %arg10[%mul3A_637], %select_n3A_653 : memref<32xf32, #tpu.memory_space<vmem>>[vector<16xi32>], vector<16xf32>,
          tpu.vector_store_idx %arg11[%mul3A_637], %select_n3A_654 : memref<4240xi32, #tpu.memory_space<vmem>>[vector<16xi32>], vector<16xi32>,
          tpu.vector_store_idx %arg10[%add3A_643], %select_n3A_655 : memref<32xf32, #tpu.memory_space<vmem>>[vector<16xi32>], vector<16xf32>,
          tpu.vector_store_idx %arg11[%add3A_643], %select_n3A_656 : memref<4240xi32, #tpu.memory_space<vmem>>[vector<16xi32>], vector<16xi32>,
          %mul3A_657 = arith.constant 2 : i32
          %mul3A_658 = vector.broadcast %mul3A_657 : i32 to vector<16xi32>
          %mul3A_659 = arith.muli %mul3A_658, %iota3A : vector<16xi32>
          %add3A_660 = arith.constant 1 : i32
          %add3A_661 = vector.broadcast %add3A_660 : i32 to vector<16xi32>
          %add3A_662 = arith.addi %mul3A_659, %add3A_661 : vector<16xi32>
          %min3A_663 = arith.constant 31 : i32
          %min3A_664 = vector.broadcast %min3A_663 : i32 to vector<16xi32>
          %min3A_665 = arith.minsi %add3A_662, %min3A_664 : vector<16xi32>
          %mul3A_666 = arith.constant 2 : i32
          %mul3A_667 = vector.broadcast %mul3A_666 : i32 to vector<16xi32>
          %mul3A_668 = arith.muli %mul3A_667, %iota3A : vector<16xi32>
          %add3A_669 = arith.constant 2 : i32
          %add3A_670 = vector.broadcast %add3A_669 : i32 to vector<16xi32>
          %add3A_671 = arith.addi %mul3A_668, %add3A_670 : vector<16xi32>
          %min3A_672 = arith.constant 31 : i32
          %min3A_673 = vector.broadcast %min3A_672 : i32 to vector<16xi32>
          %min3A_674 = arith.minsi %add3A_671, %min3A_673 : vector<16xi32>
          %gather3A_675 = tpu.vector_load_idx %arg10[%min3A_665] : memref<32xf32, #tpu.memory_space<vmem>>[vector<16xi32>], vector<16xf32>,
          %gather3A_676 = tpu.vector_load_idx %arg11[%min3A_665] : memref<4240xi32, #tpu.memory_space<vmem>>[vector<16xi32>], vector<16xi32>,
          %gather3A_677 = tpu.vector_load_idx %arg10[%min3A_674] : memref<32xf32, #tpu.memory_space<vmem>>[vector<16xi32>], vector<16xf32>,
          %gather3A_678 = tpu.vector_load_idx %arg11[%min3A_674] : memref<4240xi32, #tpu.memory_space<vmem>>[vector<16xi32>], vector<16xi32>,
          %lt3A_679 = arith.cmpf olt, %gather3A_675, %gather3A_677 : vector<16xf32>
          %eq3A_680 = arith.cmpf oeq, %gather3A_675, %gather3A_677 : vector<16xf32>
          %lt3A_681 = arith.cmpi slt, %gather3A_676, %gather3A_678 : vector<16xi32>
          %and3A_682 = arith.andi %eq3A_680, %lt3A_681 : vector<16xi1>
          %or3A_683 = arith.ori %lt3A_679, %and3A_682 : vector<16xi1>
          %select_n3A_684 = arith.select %or3A_683, %gather3A_675, %gather3A_677 : vector<16xi1>, vector<16xf32>
          %select_n3A_685 = arith.select %or3A_683, %gather3A_676, %gather3A_678 : vector<16xi1>, vector<16xi32>
          %select_n3A_686 = arith.select %or3A_683, %gather3A_677, %gather3A_675 : vector<16xi1>, vector<16xf32>
          %select_n3A_687 = arith.select %or3A_683, %gather3A_678, %gather3A_676 : vector<16xi1>, vector<16xi32>
          tpu.vector_store_idx %arg10[%min3A_665], %select_n3A_684 : memref<32xf32, #tpu.memory_space<vmem>>[vector<16xi32>], vector<16xf32>,
          tpu.vector_store_idx %arg11[%min3A_665], %select_n3A_685 : memref<4240xi32, #tpu.memory_space<vmem>>[vector<16xi32>], vector<16xi32>,
          tpu.vector_store_idx %arg10[%min3A_674], %select_n3A_686 : memref<32xf32, #tpu.memory_space<vmem>>[vector<16xi32>], vector<16xf32>,
          tpu.vector_store_idx %arg11[%min3A_674], %select_n3A_687 : memref<4240xi32, #tpu.memory_space<vmem>>[vector<16xi32>], vector<16xi32>,
        } else {
        }
        %gt3A = arith.constant 128 : i32
        %gt3A_205 = arith.cmpi sgt, %scan3A_167, %gt3A : i32
        %convert_element_type3A_206 = arith.extui %gt3A_205 : i1 to i32
        %cond3A_207 = arith.constant 0 : i32
        %cond3A_208 = arith.cmpi ne, %convert_element_type3A_206, %cond3A_207 : i32
        scf.if %cond3A_208 {
          %add3A_251 = arith.constant 15 : i32
          %add3A_252 = arith.addi %scan3A_167, %add3A_251 : i32
          %jit3A_253 = arith.constant 16 : i32
          %div3A_254 = arith.divsi %add3A_252, %jit3A_253 : i32
          %sign3A_255 = arith.constant 0 : i32
          %sign3A_256 = arith.cmpi sgt, %add3A_252, %sign3A_255 : i32
          %sign3A_257 = arith.extui %sign3A_256 : i1 to i32
          %sign3A_258 = arith.constant 0 : i32
          %sign3A_259 = arith.cmpi slt, %add3A_252, %sign3A_258 : i32
          %sign3A_260 = arith.extui %sign3A_259 : i1 to i32
          %sign3A_261 = arith.subi %sign3A_257, %sign3A_260 : i32
          %sign3A_262 = arith.constant 0 : i32
          %sign3A_263 = arith.cmpi sgt, %jit3A_253, %sign3A_262 : i32
          %sign3A_264 = arith.extui %sign3A_263 : i1 to i32
          %sign3A_265 = arith.constant 0 : i32
          %sign3A_266 = arith.cmpi slt, %jit3A_253, %sign3A_265 : i32
          %sign3A_267 = arith.extui %sign3A_266 : i1 to i32
          %sign3A_268 = arith.subi %sign3A_264, %sign3A_267 : i32
          %ne3A_269 = arith.cmpi ne, %sign3A_261, %sign3A_268 : i32
          %rem3A_270 = arith.remsi %add3A_252, %jit3A_253 : i32
          %ne3A_271 = arith.constant 0 : i32
          %ne3A_272 = arith.cmpi ne, %rem3A_270, %ne3A_271 : i32
          %and3A_273 = arith.andi %ne3A_269, %ne3A_272 : i1
          %sub3A_274 = arith.constant 1 : i32
          %sub3A_275 = arith.subi %div3A_254, %sub3A_274 : i32
          %select_n3A_276 = arith.select %and3A_273, %sub3A_275, %div3A_254 : i32
          %broadcast_in_dim3A_277 = arith.constant 0 : i32
          %broadcast_in_dim3A_278 = vector.broadcast %broadcast_in_dim3A_277 : i32 to vector<16xi32>
          %scan3A_279 = arith.constant 0 : i32
          %scan3A_280 = arith.constant 32 : i32
          %scan3A_281 = arith.addi %scan3A_279, %scan3A_280 : i32
          %scan3A_282 = arith.constant 1 : i32
          %scan3A_283:2 = scf.for %scan3A_289 = %scan3A_279 to %scan3A_281 step %scan3A_282 iter_args(%scan3A_290 = %broadcast_in_dim3A_278, %scan3A_291 = %broadcast_in_dim3A_278) -> (vector<16xi32>, vector<16xi32>)  : i32 {
            %while3A = arith.constant 0 : i32
            %while3A_292 = arith.subi %select_n3A_276, %while3A : i32
            %while3A_293 = arith.addi %while3A, %while3A_292 : i32
            %while3A_294 = arith.constant 1 : i32
            %while3A_295 = arith.divsi %while3A_292, %while3A_294 : i32
            %while3A_296 = arith.muli %while3A_295, %while3A_294 : i32
            %while3A_297 = arith.addi %while3A, %while3A_296 : i32
            %while3A_298 = arith.constant 1 : i32
            %while3A_299:2 = scf.for %while3A_334 = %while3A to %while3A_297 step %while3A_298 iter_args(%while3A_335 = %broadcast_in_dim3A_18, %while3A_336 = %broadcast_in_dim3A_20) -> (vector<16xf32>, vector<16xi32>)  : i32 {
              %mul3A_337 = arith.constant 16 : i32
              %mul3A_338 = arith.muli %while3A_334, %mul3A_337 : i32
              %get3A_339 = arith.index_cast %mul3A_338 : i32 to index
              %get3A_340 = tpu.vector_load %arg11[%get3A_339] {strides = array<i32>} : memref<4240xi32, #tpu.memory_space<vmem>>, vector<16xi32>,
              %gather3A_341 = tpu.vector_load_idx %arg9[%get3A_340] : memref<4112xf32, #tpu.memory_space<vmem>>[vector<16xi32>], vector<16xf32>,
              %lt3A = arith.cmpf olt, %gather3A_341, %while3A_335 : vector<16xf32>
              %eq3A_342 = arith.cmpf oeq, %gather3A_341, %while3A_335 : vector<16xf32>
              %lt3A_343 = arith.cmpi slt, %get3A_340, %while3A_336 : vector<16xi32>
              %and3A_344 = arith.andi %eq3A_342, %lt3A_343 : vector<16xi1>
              %or3A = arith.ori %lt3A, %and3A_344 : vector<16xi1>
              %select_n3A_345 = arith.select %or3A, %gather3A_341, %while3A_335 : vector<16xi1>, vector<16xf32>
              %select_n3A_346 = arith.select %or3A, %get3A_340, %while3A_336 : vector<16xi1>, vector<16xi32>
              scf.yield %select_n3A_345, %select_n3A_346 : vector<16xf32>, vector<16xi32>
            }
            %while3A_300 = arith.constant 1 : i32
            %while3A_301:2 = scf.for %while3A_334 = %while3A_297 to %while3A_293 step %while3A_300 iter_args(%while3A_335 = %while3A_299#0, %while3A_336 = %while3A_299#1) -> (vector<16xf32>, vector<16xi32>)  : i32 {
              %mul3A_337 = arith.constant 16 : i32
              %mul3A_338 = arith.muli %while3A_334, %mul3A_337 : i32
              %get3A_339 = arith.index_cast %mul3A_338 : i32 to index
              %get3A_340 = tpu.vector_load %arg11[%get3A_339] {strides = array<i32>} : memref<4240xi32, #tpu.memory_space<vmem>>, vector<16xi32>,
              %gather3A_341 = tpu.vector_load_idx %arg9[%get3A_340] : memref<4112xf32, #tpu.memory_space<vmem>>[vector<16xi32>], vector<16xf32>,
              %lt3A = arith.cmpf olt, %gather3A_341, %while3A_335 : vector<16xf32>
              %eq3A_342 = arith.cmpf oeq, %gather3A_341, %while3A_335 : vector<16xf32>
              %lt3A_343 = arith.cmpi slt, %get3A_340, %while3A_336 : vector<16xi32>
              %and3A_344 = arith.andi %eq3A_342, %lt3A_343 : vector<16xi1>
              %or3A = arith.ori %lt3A, %and3A_344 : vector<16xi1>
              %select_n3A_345 = arith.select %or3A, %gather3A_341, %while3A_335 : vector<16xi1>, vector<16xf32>
              %select_n3A_346 = arith.select %or3A, %get3A_340, %while3A_336 : vector<16xi1>, vector<16xi32>
              scf.yield %select_n3A_345, %select_n3A_346 : vector<16xf32>, vector<16xi32>
            }
            %reduce_min3A = arith.constant true
            %reduce_min3A_302 = vector.broadcast %reduce_min3A : i1 to vector<16xi1>
            %reduce_min3A_303 = tpu.scan <min>, %while3A_301#0 masked %reduce_min3A_302 : vector<16xf32>, vector<16xi1> -> vector<16xf32>
            %reduce_min3A_304 = vector.extract %reduce_min3A_303[15] : f32 from vector<16xf32>
            %eq3A = vector.broadcast %reduce_min3A_304 : f32 to vector<16xf32>
            %eq3A_305 = arith.cmpf oeq, %while3A_301#0, %eq3A : vector<16xf32>
            %select_n3A_306 = arith.select %eq3A_305, %while3A_301#1, %broadcast_in_dim3A_20 : vector<16xi1>, vector<16xi32>
            %reduce_min3A_307 = arith.constant true
            %reduce_min3A_308 = vector.broadcast %reduce_min3A_307 : i1 to vector<16xi1>
            %reduce_min3A_309 = arith.constant -2147483648 : i32
            %reduce_min3A_310 = vector.broadcast %reduce_min3A_309 : i32 to vector<16xi32>
            %reduce_min3A_311 = arith.xori %select_n3A_306, %reduce_min3A_310 : vector<16xi32>
            %reduce_min3A_312 = tpu.scan <min>, %reduce_min3A_311 masked %reduce_min3A_308 : vector<16xi32>, vector<16xi1> -> vector<16xi32>
            %reduce_min3A_313 = arith.xori %reduce_min3A_312, %reduce_min3A_310 : vector<16xi32>
            %reduce_min3A_314 = vector.extract %reduce_min3A_313[15] : i32 from vector<16xi32>
            %while3A_315 = arith.constant 0 : i32
            %while3A_316 = arith.constant 0 : i32
            %while3A_317 = arith.subi %select_n3A_276, %while3A_316 : i32
            %while3A_318 = arith.addi %while3A_316, %while3A_317 : i32
            %while3A_319 = arith.constant 1 : i32
            %while3A_320 = arith.divsi %while3A_317, %while3A_319 : i32
            %while3A_321 = arith.muli %while3A_320, %while3A_319 : i32
            %while3A_322 = arith.addi %while3A_316, %while3A_321 : i32
            %while3A_323 = arith.constant 1 : i32
            scf.for %while3A_334 = %while3A_316 to %while3A_322 step %while3A_323  : i32 {
              %mul3A_335 = arith.constant 16 : i32
              %mul3A_336 = arith.muli %while3A_334, %mul3A_335 : i32
              %get3A_337 = arith.index_cast %mul3A_336 : i32 to index
              %get3A_338 = tpu.vector_load %arg11[%get3A_337] {strides = array<i32>} : memref<4240xi32, #tpu.memory_space<vmem>>, vector<16xi32>,
              %gather3A_339 = tpu.vector_load_idx %arg9[%get3A_338] : memref<4112xf32, #tpu.memory_space<vmem>>[vector<16xi32>], vector<16xf32>,
              %eq3A_340 = vector.broadcast %reduce_min3A_304 : f32 to vector<16xf32>
              %eq3A_341 = arith.cmpf oeq, %gather3A_339, %eq3A_340 : vector<16xf32>
              %eq3A_342 = vector.broadcast %reduce_min3A_314 : i32 to vector<16xi32>
              %eq3A_343 = arith.cmpi eq, %get3A_338, %eq3A_342 : vector<16xi32>
              %and3A_344 = arith.andi %eq3A_341, %eq3A_343 : vector<16xi1>
              %select_n3A_345 = arith.select %and3A_344, %broadcast_in_dim3A_22, %get3A_338 : vector<16xi1>, vector<16xi32>
              %swap3A_346 = arith.index_cast %mul3A_336 : i32 to index
              %swap3A_347 = tpu.vector_load %arg11[%swap3A_346] {strides = array<i32>} : memref<4240xi32, #tpu.memory_space<vmem>>, vector<16xi32>,
              tpu.vector_store %arg11[%swap3A_346], %select_n3A_345 {strides = array<i32>} : memref<4240xi32, #tpu.memory_space<vmem>>, vector<16xi32>,
            }
            %while3A_324 = arith.constant 1 : i32
            scf.for %while3A_334 = %while3A_322 to %while3A_318 step %while3A_324  : i32 {
              %mul3A_335 = arith.constant 16 : i32
              %mul3A_336 = arith.muli %while3A_334, %mul3A_335 : i32
              %get3A_337 = arith.index_cast %mul3A_336 : i32 to index
              %get3A_338 = tpu.vector_load %arg11[%get3A_337] {strides = array<i32>} : memref<4240xi32, #tpu.memory_space<vmem>>, vector<16xi32>,
              %gather3A_339 = tpu.vector_load_idx %arg9[%get3A_338] : memref<4112xf32, #tpu.memory_space<vmem>>[vector<16xi32>], vector<16xf32>,
              %eq3A_340 = vector.broadcast %reduce_min3A_304 : f32 to vector<16xf32>
              %eq3A_341 = arith.cmpf oeq, %gather3A_339, %eq3A_340 : vector<16xf32>
              %eq3A_342 = vector.broadcast %reduce_min3A_314 : i32 to vector<16xi32>
              %eq3A_343 = arith.cmpi eq, %get3A_338, %eq3A_342 : vector<16xi32>
              %and3A_344 = arith.andi %eq3A_341, %eq3A_343 : vector<16xi1>
              %select_n3A_345 = arith.select %and3A_344, %broadcast_in_dim3A_22, %get3A_338 : vector<16xi1>, vector<16xi32>
              %swap3A_346 = arith.index_cast %mul3A_336 : i32 to index
              %swap3A_347 = tpu.vector_load %arg11[%swap3A_346] {strides = array<i32>} : memref<4240xi32, #tpu.memory_space<vmem>>, vector<16xi32>,
              tpu.vector_store %arg11[%swap3A_346], %select_n3A_345 {strides = array<i32>} : memref<4240xi32, #tpu.memory_space<vmem>>, vector<16xi32>,
            }
            %broadcast_in_dim3A_325 = vector.broadcast %reduce_min3A_314 : i32 to vector<16xi32>
            %eq3A_326 = vector.broadcast %scan3A_289 : i32 to vector<16xi32>
            %eq3A_327 = arith.cmpi eq, %iota3A, %eq3A_326 : vector<16xi32>
            %select_n3A_328 = arith.select %eq3A_327, %broadcast_in_dim3A_325, %scan3A_290 : vector<16xi1>, vector<16xi32>
            %sub3A_329 = arith.constant 16 : i32
            %sub3A_330 = arith.subi %scan3A_289, %sub3A_329 : i32
            %eq3A_331 = vector.broadcast %sub3A_330 : i32 to vector<16xi32>
            %eq3A_332 = arith.cmpi eq, %iota3A, %eq3A_331 : vector<16xi32>
            %select_n3A_333 = arith.select %eq3A_332, %broadcast_in_dim3A_325, %scan3A_291 : vector<16xi1>, vector<16xi32>
            scf.yield %select_n3A_328, %select_n3A_333 : vector<16xi32>, vector<16xi32>
          }
          %scan3A_284 = arith.constant 32 : i32
          %swap3A_285 = arith.constant 0 : index
          %swap3A_286 = tpu.vector_load %arg11[%swap3A_285] {strides = array<i32>} : memref<4240xi32, #tpu.memory_space<vmem>>, vector<16xi32>,
          tpu.vector_store %arg11[%swap3A_285], %scan3A_283#0 {strides = array<i32>} : memref<4240xi32, #tpu.memory_space<vmem>>, vector<16xi32>,
          %swap3A_287 = arith.constant 16 : index
          %swap3A_288 = tpu.vector_load %arg11[%swap3A_287] {strides = array<i32>} : memref<4240xi32, #tpu.memory_space<vmem>>, vector<16xi32>,
          tpu.vector_store %arg11[%swap3A_287], %scan3A_283#1 {strides = array<i32>} : memref<4240xi32, #tpu.memory_space<vmem>>, vector<16xi32>,
        } else {
        }
        %get3A = arith.constant 0 : index
        %get3A_209 = tpu.vector_load %arg11[%get3A] {strides = array<i32>} : memref<4240xi32, #tpu.memory_space<vmem>>, vector<16xi32>,
        %get3A_210 = arith.constant 16 : index
        %get3A_211 = tpu.vector_load %arg11[%get3A_210] {strides = array<i32>} : memref<4240xi32, #tpu.memory_space<vmem>>, vector<16xi32>,
        %mul3A_212 = arith.constant 2 : i32
        %mul3A_213 = arith.muli %mul3A_212, %add3A_145 : i32
        %swap3A_214 = arith.index_cast %mul3A_213 : i32 to index
        %swap3A_215 = arith.constant 0 : index
        %swap3A_216 = tpu.vector_load %arg14[%swap3A_214, %swap3A_215] {strides = array<i32>} : memref<16x16xi32, #tpu.memory_space<vmem>>, vector<16xi32>,
        tpu.vector_store %arg14[%swap3A_214, %swap3A_215], %get3A_209 {strides = array<i32>} : memref<16x16xi32, #tpu.memory_space<vmem>>, vector<16xi32>,
        %mul3A_217 = arith.constant 2 : i32
        %mul3A_218 = arith.muli %mul3A_217, %add3A_145 : i32
        %add3A_219 = arith.constant 1 : i32
        %add3A_220 = arith.addi %mul3A_218, %add3A_219 : i32
        %swap3A_221 = arith.index_cast %add3A_220 : i32 to index
        %swap3A_222 = arith.constant 0 : index
        %swap3A_223 = tpu.vector_load %arg14[%swap3A_221, %swap3A_222] {strides = array<i32>} : memref<16x16xi32, #tpu.memory_space<vmem>>, vector<16xi32>,
        tpu.vector_store %arg14[%swap3A_221, %swap3A_222], %get3A_211 {strides = array<i32>} : memref<16x16xi32, #tpu.memory_space<vmem>>, vector<16xi32>,
        %shift_right_logical3A = arith.constant 2 : i32
        %shift_right_logical3A_224 = arith.shrui %add3A_145, %shift_right_logical3A : i32
        %and3A_225 = arith.constant 3 : i32
        %and3A_226 = arith.andi %add3A_145, %and3A_225 : i32
        %mul3A_227 = arith.constant 32 : i32
        %mul3A_228 = arith.muli %and3A_226, %mul3A_227 : i32
        %mul3A_229 = arith.constant 4096 : i32
        %mul3A_230 = arith.muli %arg0, %mul3A_229 : i32
        %add3A_231 = vector.broadcast %mul3A_230 : i32 to vector<16xi32>
        %add3A_232 = arith.addi %get3A_209, %add3A_231 : vector<16xi32>
        %shift_right_logical3A_233 = arith.constant 1 : i32
        %shift_right_logical3A_234 = vector.broadcast %shift_right_logical3A_233 : i32 to vector<16xi32>
        %shift_right_logical3A_235 = arith.shrui %add3A_232, %shift_right_logical3A_234 : vector<16xi32>
        %swap3A_236 = arith.index_cast %shift_right_logical3A_224 : i32 to index
        %swap3A_237 = arith.index_cast %mul3A_228 : i32 to index
        %swap3A_238 = tpu.vector_load %arg12[%swap3A_236, %swap3A_237] {strides = array<i32>} : memref<2x128xi32, #tpu.memory_space<vmem>>, vector<16xi32>,
        tpu.vector_store %arg12[%swap3A_236, %swap3A_237], %shift_right_logical3A_235 {strides = array<i32>} : memref<2x128xi32, #tpu.memory_space<vmem>>, vector<16xi32>,
        %mul3A_239 = arith.constant 4096 : i32
        %mul3A_240 = arith.muli %arg0, %mul3A_239 : i32
        %add3A_241 = vector.broadcast %mul3A_240 : i32 to vector<16xi32>
        %add3A_242 = arith.addi %get3A_211, %add3A_241 : vector<16xi32>
        %shift_right_logical3A_243 = arith.constant 1 : i32
        %shift_right_logical3A_244 = vector.broadcast %shift_right_logical3A_243 : i32 to vector<16xi32>
        %shift_right_logical3A_245 = arith.shrui %add3A_242, %shift_right_logical3A_244 : vector<16xi32>
        %add3A_246 = arith.constant 16 : i32
        %add3A_247 = arith.addi %mul3A_228, %add3A_246 : i32
        %swap3A_248 = arith.index_cast %shift_right_logical3A_224 : i32 to index
        %swap3A_249 = arith.index_cast %add3A_247 : i32 to index
        %swap3A_250 = tpu.vector_load %arg12[%swap3A_248, %swap3A_249] {strides = array<i32>} : memref<2x128xi32, #tpu.memory_space<vmem>>, vector<16xi32>,
        tpu.vector_store %arg12[%swap3A_248, %swap3A_249], %shift_right_logical3A_245 {strides = array<i32>} : memref<2x128xi32, #tpu.memory_space<vmem>>, vector<16xi32>,
      }
      %scan3A_51 = arith.constant 8 : i32
      %and3A = arith.constant 3 : i32
      %and3A_52 = vector.broadcast %and3A : i32 to vector<16xi32>
      %and3A_53 = arith.andi %iota3A, %and3A_52 : vector<16xi32>
      %mul3A_54 = arith.constant 4096 : i32
      %mul3A_55 = arith.muli %arg0, %mul3A_54 : i32
      %add3A_56 = arith.addi %mul3A_55, %mul3A_0 : i32
      %add3A_57 = arith.addi %add3A_56, %mul3A_46 : i32
      %jit3A = arith.constant 2 : i32
      %div3A = arith.divsi %add3A_57, %jit3A : i32
      %sign3A = arith.constant 0 : i32
      %sign3A_58 = arith.cmpi sgt, %add3A_57, %sign3A : i32
      %sign3A_59 = arith.extui %sign3A_58 : i1 to i32
      %sign3A_60 = arith.constant 0 : i32
      %sign3A_61 = arith.cmpi slt, %add3A_57, %sign3A_60 : i32
      %sign3A_62 = arith.extui %sign3A_61 : i1 to i32
      %sign3A_63 = arith.subi %sign3A_59, %sign3A_62 : i32
      %sign3A_64 = arith.constant 0 : i32
      %sign3A_65 = arith.cmpi sgt, %jit3A, %sign3A_64 : i32
      %sign3A_66 = arith.extui %sign3A_65 : i1 to i32
      %sign3A_67 = arith.constant 0 : i32
      %sign3A_68 = arith.cmpi slt, %jit3A, %sign3A_67 : i32
      %sign3A_69 = arith.extui %sign3A_68 : i1 to i32
      %sign3A_70 = arith.subi %sign3A_66, %sign3A_69 : i32
      %ne3A = arith.cmpi ne, %sign3A_63, %sign3A_70 : i32
      %rem3A = arith.remsi %add3A_57, %jit3A : i32
      %ne3A_71 = arith.constant 0 : i32
      %ne3A_72 = arith.cmpi ne, %rem3A, %ne3A_71 : i32
      %and3A_73 = arith.andi %ne3A, %ne3A_72 : i1
      %sub3A = arith.constant 1 : i32
      %sub3A_74 = arith.subi %div3A, %sub3A : i32
      %select_n3A = arith.select %and3A_73, %sub3A_74, %div3A : i32
      %add3A_75 = vector.broadcast %select_n3A : i32 to vector<16xi32>
      %add3A_76 = arith.addi %and3A_53, %add3A_75 : vector<16xi32>
      %swap3A_77 = arith.constant 0 : index
      %swap3A_78 = tpu.vector_load %arg13[%swap3A_77] {strides = array<i32>} : memref<16xi32, #tpu.memory_space<vmem>>, vector<16xi32>,
      tpu.vector_store %arg13[%swap3A_77], %add3A_76 {strides = array<i32>} : memref<16xi32, #tpu.memory_space<vmem>>, vector<16xi32>,
      %dma_start3A = arith.constant 0 : i32
      %dma_start3A_79 = arith.constant 0 : i32
      %dma_start3A_80 = arith.constant 0 : i32
      %dma_start3A_81 = tpu.memref_slice %arg15[%dma_start3A_79, %dma_start3A_80] : memref<256x128xf32, #tpu.memory_space<vmem>> -> memref<128x128xf32, #tpu.memory_space<vmem>>
      %dma_start3A_82 = arith.constant 0 : i32
      %dma_start3A_83 = tpu.memref_slice %arg12[%dma_start3A, %dma_start3A_82] : memref<2x128xi32, #tpu.memory_space<vmem>> -> memref<1x128xi32, #tpu.memory_space<vmem>>
      %dma_start3A_84 = tpu.memref_squeeze %dma_start3A_83 : memref<1x128xi32, #tpu.memory_space<vmem>> -> memref<128xi32, #tpu.memory_space<vmem>>
      %dma_start3A_85 = arith.constant 0 : i32
      %dma_start3A_86 = arith.constant 0 : i32
      %dma_start3A_87 = tpu.memref_slice %arg3[%dma_start3A_85, %dma_start3A_86] : memref<4096x128xf32, #tpu.memory_space<hbm>> -> memref<4096x128xf32, #tpu.memory_space<hbm>>
      tpu.enqueue_indirect_dma source(%dma_start3A_87 : memref<4096x128xf32, #tpu.memory_space<hbm>>) target(%dma_start3A_81 : memref<128x128xf32, #tpu.memory_space<vmem>>) offsets(%dma_start3A_84 : memref<128xi32, #tpu.memory_space<vmem>>) semaphore(%arg18 : memref<!tpu.dma_semaphore, #tpu.memory_space<semaphore_mem>>)
      %dma_start3A_88 = arith.constant 1 : i32
      %dma_start3A_89 = arith.constant 128 : i32
      %dma_start3A_90 = arith.constant 0 : i32
      %dma_start3A_91 = tpu.memref_slice %arg15[%dma_start3A_89, %dma_start3A_90] : memref<256x128xf32, #tpu.memory_space<vmem>> -> memref<128x128xf32, #tpu.memory_space<vmem>>
      %dma_start3A_92 = arith.constant 0 : i32
      %dma_start3A_93 = tpu.memref_slice %arg12[%dma_start3A_88, %dma_start3A_92] : memref<2x128xi32, #tpu.memory_space<vmem>> -> memref<1x128xi32, #tpu.memory_space<vmem>>
      %dma_start3A_94 = tpu.memref_squeeze %dma_start3A_93 : memref<1x128xi32, #tpu.memory_space<vmem>> -> memref<128xi32, #tpu.memory_space<vmem>>
      %dma_start3A_95 = arith.constant 0 : i32
      %dma_start3A_96 = arith.constant 0 : i32
      %dma_start3A_97 = tpu.memref_slice %arg3[%dma_start3A_95, %dma_start3A_96] : memref<4096x128xf32, #tpu.memory_space<hbm>> -> memref<4096x128xf32, #tpu.memory_space<hbm>>
      tpu.enqueue_indirect_dma source(%dma_start3A_97 : memref<4096x128xf32, #tpu.memory_space<hbm>>) target(%dma_start3A_91 : memref<128x128xf32, #tpu.memory_space<vmem>>) offsets(%dma_start3A_94 : memref<128xi32, #tpu.memory_space<vmem>>) semaphore(%arg18 : memref<!tpu.dma_semaphore, #tpu.memory_space<semaphore_mem>>)
      %dma_start3A_98 = arith.constant 0 : i32
      %dma_start3A_99 = arith.constant 0 : i32
      %dma_start3A_100 = tpu.memref_slice %arg3[%dma_start3A_98, %dma_start3A_99] : memref<4096x128xf32, #tpu.memory_space<hbm>> -> memref<4096x128xf32, #tpu.memory_space<hbm>>
      tpu.enqueue_indirect_dma source(%dma_start3A_100 : memref<4096x128xf32, #tpu.memory_space<hbm>>) target(%arg16 : memref<16x128xf32, #tpu.memory_space<vmem>>) offsets(%arg13 : memref<16xi32, #tpu.memory_space<vmem>>) semaphore(%arg18 : memref<!tpu.dma_semaphore, #tpu.memory_space<semaphore_mem>>)
      %ge3A = arith.constant 1 : i32
      %ge3A_101 = arith.cmpi sge, %add3A_44, %ge3A : i32
      %convert_element_type3A = arith.extui %ge3A_101 : i1 to i32
      %cond3A = arith.constant 0 : i32
      %cond3A_102 = arith.cmpi ne, %convert_element_type3A, %cond3A : i32
      scf.if %cond3A_102 {
        %multiple_of3A_141 = tpu.assume_multiple %mul3A_0, 8 : i32
        %dma_wait3A_142 = arith.constant 0 : i32
        %dma_wait3A_143 = arith.constant 0 : i32
        %dma_wait3A_144 = tpu.memref_slice %arg4[%arg0, %dma_wait3A_142, %multiple_of3A_141, %dma_wait3A_143] : memref<2x128x4096x32xf32, #tpu.memory_space<hbm>> -> memref<1x128x8x32xf32, #tpu.memory_space<hbm>>
        %dma_wait3A_145 = tpu.memref_squeeze %dma_wait3A_144 : memref<1x128x8x32xf32, #tpu.memory_space<hbm>> -> memref<128x8x32xf32, #tpu.memory_space<hbm>>
        %dma_wait3A_146 = arith.constant 0 : i32
        %dma_wait3A_147 = arith.constant 0 : i32
        %dma_wait3A_148 = tpu.memref_slice %arg4[%arg0, %dma_wait3A_146, %multiple_of3A_141, %dma_wait3A_147] : memref<2x128x4096x32xf32, #tpu.memory_space<hbm>> -> memref<1x128x8x32xf32, #tpu.memory_space<hbm>>
        %dma_wait3A_149 = tpu.memref_squeeze %dma_wait3A_148 : memref<1x128x8x32xf32, #tpu.memory_space<hbm>> -> memref<128x8x32xf32, #tpu.memory_space<hbm>>
        tpu.wait_dma2 semaphore(%arg19 : memref<!tpu.dma_semaphore, #tpu.memory_space<semaphore_mem>>) src(%arg17 : memref<128x8x32xf32, #tpu.memory_space<vmem>>) dst(%dma_wait3A_149 : memref<128x8x32xf32, #tpu.memory_space<hbm>>)
      } else {
      }
      %dma_wait3A_103 = arith.constant 0 : i32
      %dma_wait3A_104 = arith.constant 0 : i32
      %dma_wait3A_105 = arith.constant 0 : i32
      %dma_wait3A_106 = tpu.memref_slice %arg15[%dma_wait3A_104, %dma_wait3A_105] : memref<256x128xf32, #tpu.memory_space<vmem>> -> memref<128x128xf32, #tpu.memory_space<vmem>>
      %dma_wait3A_107 = arith.constant 0 : i32
      %dma_wait3A_108 = tpu.memref_slice %arg12[%dma_wait3A_103, %dma_wait3A_107] : memref<2x128xi32, #tpu.memory_space<vmem>> -> memref<1x128xi32, #tpu.memory_space<vmem>>
      %dma_wait3A_109 = tpu.memref_squeeze %dma_wait3A_108 : memref<1x128xi32, #tpu.memory_space<vmem>> -> memref<128xi32, #tpu.memory_space<vmem>>
      %dma_wait3A_110 = arith.constant 0 : i32
      %dma_wait3A_111 = arith.constant 0 : i32
      %dma_wait3A_112 = tpu.memref_slice %arg3[%dma_wait3A_110, %dma_wait3A_111] : memref<4096x128xf32, #tpu.memory_space<hbm>> -> memref<4096x128xf32, #tpu.memory_space<hbm>>
      tpu.wait_indirect_dma semaphore(%arg18 : memref<!tpu.dma_semaphore, #tpu.memory_space<semaphore_mem>>) src(%dma_wait3A_112 : memref<4096x128xf32, #tpu.memory_space<hbm>>) dst(%dma_wait3A_106 : memref<128x128xf32, #tpu.memory_space<vmem>>)
      %dma_wait3A_113 = arith.constant 1 : i32
      %dma_wait3A_114 = arith.constant 128 : i32
      %dma_wait3A_115 = arith.constant 0 : i32
      %dma_wait3A_116 = tpu.memref_slice %arg15[%dma_wait3A_114, %dma_wait3A_115] : memref<256x128xf32, #tpu.memory_space<vmem>> -> memref<128x128xf32, #tpu.memory_space<vmem>>
      %dma_wait3A_117 = arith.constant 0 : i32
      %dma_wait3A_118 = tpu.memref_slice %arg12[%dma_wait3A_113, %dma_wait3A_117] : memref<2x128xi32, #tpu.memory_space<vmem>> -> memref<1x128xi32, #tpu.memory_space<vmem>>
      %dma_wait3A_119 = tpu.memref_squeeze %dma_wait3A_118 : memref<1x128xi32, #tpu.memory_space<vmem>> -> memref<128xi32, #tpu.memory_space<vmem>>
      %dma_wait3A_120 = arith.constant 0 : i32
      %dma_wait3A_121 = arith.constant 0 : i32
      %dma_wait3A_122 = tpu.memref_slice %arg3[%dma_wait3A_120, %dma_wait3A_121] : memref<4096x128xf32, #tpu.memory_space<hbm>> -> memref<4096x128xf32, #tpu.memory_space<hbm>>
      tpu.wait_indirect_dma semaphore(%arg18 : memref<!tpu.dma_semaphore, #tpu.memory_space<semaphore_mem>>) src(%dma_wait3A_122 : memref<4096x128xf32, #tpu.memory_space<hbm>>) dst(%dma_wait3A_116 : memref<128x128xf32, #tpu.memory_space<vmem>>)
      %dma_wait3A_123 = arith.constant 0 : i32
      %dma_wait3A_124 = arith.constant 0 : i32
      %dma_wait3A_125 = tpu.memref_slice %arg3[%dma_wait3A_123, %dma_wait3A_124] : memref<4096x128xf32, #tpu.memory_space<hbm>> -> memref<4096x128xf32, #tpu.memory_space<hbm>>
      tpu.wait_indirect_dma semaphore(%arg18 : memref<!tpu.dma_semaphore, #tpu.memory_space<semaphore_mem>>) src(%dma_wait3A_125 : memref<4096x128xf32, #tpu.memory_space<hbm>>) dst(%arg16 : memref<16x128xf32, #tpu.memory_space<vmem>>)
      %scan3A_126 = arith.constant 0 : i32
      %scan3A_127 = arith.constant 8 : i32
      %scan3A_128 = arith.addi %scan3A_126, %scan3A_127 : i32
      %scan3A_129 = arith.constant 1 : i32
      scf.for %scan3A_141 = %scan3A_126 to %scan3A_128 step %scan3A_129  : i32 {
        %mul3A_142 = arith.constant 1 : i32
        %mul3A_143 = arith.muli %scan3A_141, %mul3A_142 : i32
        %add3A_144 = arith.constant 0 : i32
        %add3A_145 = arith.addi %add3A_144, %mul3A_143 : i32
        %mul3A_146 = arith.constant 2 : i32
        %mul3A_147 = arith.muli %mul3A_146, %add3A_145 : i32
        %get3A = arith.index_cast %mul3A_147 : i32 to index
        %get3A_148 = arith.constant 0 : index
        %get3A_149 = tpu.vector_load %arg14[%get3A, %get3A_148] {strides = array<i32>} : memref<16x16xi32, #tpu.memory_space<vmem>>, vector<16xi32>,
        %mul3A_150 = arith.constant 2 : i32
        %mul3A_151 = arith.muli %mul3A_150, %add3A_145 : i32
        %add3A_152 = arith.constant 1 : i32
        %add3A_153 = arith.addi %mul3A_151, %add3A_152 : i32
        %get3A_154 = arith.index_cast %add3A_153 : i32 to index
        %get3A_155 = arith.constant 0 : index
        %get3A_156 = tpu.vector_load %arg14[%get3A_154, %get3A_155] {strides = array<i32>} : memref<16x16xi32, #tpu.memory_space<vmem>>, vector<16xi32>,
        %and3A_157 = arith.constant 1 : i32
        %and3A_158 = vector.broadcast %and3A_157 : i32 to vector<16xi32>
        %and3A_159 = arith.andi %get3A_149, %and3A_158 : vector<16xi32>
        %mul3A_160 = arith.constant 64 : i32
        %mul3A_161 = vector.broadcast %mul3A_160 : i32 to vector<16xi32>
        %mul3A_162 = arith.muli %and3A_159, %mul3A_161 : vector<16xi32>
        %and3A_163 = arith.constant 1 : i32
        %and3A_164 = vector.broadcast %and3A_163 : i32 to vector<16xi32>
        %and3A_165 = arith.andi %get3A_156, %and3A_164 : vector<16xi32>
        %mul3A_166 = arith.constant 64 : i32
        %mul3A_167 = vector.broadcast %mul3A_166 : i32 to vector<16xi32>
        %mul3A_168 = arith.muli %and3A_165, %mul3A_167 : vector<16xi32>
        %mul3A_169 = arith.constant 32 : i32
        %mul3A_170 = arith.muli %add3A_145, %mul3A_169 : i32
        %add3A_171 = vector.broadcast %mul3A_170 : i32 to vector<16xi32>
        %add3A_172 = arith.addi %iota3A, %add3A_171 : vector<16xi32>
        %mul3A_173 = arith.constant 32 : i32
        %mul3A_174 = arith.muli %add3A_145, %mul3A_173 : i32
        %add3A_175 = vector.broadcast %mul3A_174 : i32 to vector<16xi32>
        %add3A_176 = arith.addi %iota3A, %add3A_175 : vector<16xi32>
        %add3A_177 = arith.constant 16 : i32
        %add3A_178 = vector.broadcast %add3A_177 : i32 to vector<16xi32>
        %add3A_179 = arith.addi %add3A_176, %add3A_178 : vector<16xi32>
        %shift_right_logical3A = arith.constant 1 : i32
        %shift_right_logical3A_180 = arith.shrui %add3A_145, %shift_right_logical3A : i32
        %broadcast_in_dim3A_181 = vector.broadcast %shift_right_logical3A_180 : i32 to vector<16xi32>
        %and3A_182 = arith.constant 1 : i32
        %and3A_183 = arith.andi %add3A_145, %and3A_182 : i32
        %mul3A_184 = arith.constant 64 : i32
        %mul3A_185 = arith.muli %and3A_183, %mul3A_184 : i32
        %scan3A_186 = arith.constant 0 : i32
        %scan3A_187 = arith.constant 64 : i32
        %scan3A_188 = arith.addi %scan3A_186, %scan3A_187 : i32
        %scan3A_189 = arith.constant 1 : i32
        scf.for %scan3A_191 = %scan3A_186 to %scan3A_188 step %scan3A_189  : i32 {
          %mul3A_192 = arith.constant 1 : i32
          %mul3A_193 = arith.muli %scan3A_191, %mul3A_192 : i32
          %add3A_194 = arith.constant 0 : i32
          %add3A_195 = arith.addi %add3A_194, %mul3A_193 : i32
          %broadcast_in_dim3A_196 = vector.broadcast %add3A_195 : i32 to vector<16xi32>
          %add3A_197 = vector.broadcast %mul3A_185 : i32 to vector<16xi32>
          %add3A_198 = arith.addi %broadcast_in_dim3A_196, %add3A_197 : vector<16xi32>
          %gather3A = tpu.vector_load_idx %arg16[%broadcast_in_dim3A_181, %add3A_198] : memref<16x128xf32, #tpu.memory_space<vmem>>[vector<16xi32>, vector<16xi32>], vector<16xf32>,
          %add3A_199 = arith.addi %broadcast_in_dim3A_196, %mul3A_162 : vector<16xi32>
          %gather3A_200 = tpu.vector_load_idx %arg15[%add3A_172, %add3A_199] : memref<256x128xf32, #tpu.memory_space<vmem>>[vector<16xi32>, vector<16xi32>], vector<16xf32>,
          %add3A_201 = arith.addi %broadcast_in_dim3A_196, %mul3A_168 : vector<16xi32>
          %gather3A_202 = tpu.vector_load_idx %arg15[%add3A_179, %add3A_201] : memref<256x128xf32, #tpu.memory_space<vmem>>[vector<16xi32>, vector<16xi32>], vector<16xf32>,
          %sub3A_203 = arith.subf %gather3A_200, %gather3A : vector<16xf32>
          %swap3A_204 = arith.index_cast %add3A_195 : i32 to index
          %swap3A_205 = arith.index_cast %add3A_145 : i32 to index
          %swap3A_206 = arith.constant 0 : index
          %swap3A_207 = tpu.vector_load %arg17[%swap3A_204, %swap3A_205, %swap3A_206] {strides = array<i32>} : memref<128x8x32xf32, #tpu.memory_space<vmem>>, vector<16xf32>,
          tpu.vector_store %arg17[%swap3A_204, %swap3A_205, %swap3A_206], %sub3A_203 {strides = array<i32>} : memref<128x8x32xf32, #tpu.memory_space<vmem>>, vector<16xf32>,
          %sub3A_208 = arith.subf %gather3A_202, %gather3A : vector<16xf32>
          %swap3A_209 = arith.index_cast %add3A_195 : i32 to index
          %swap3A_210 = arith.index_cast %add3A_145 : i32 to index
          %swap3A_211 = arith.constant 16 : index
          %swap3A_212 = tpu.vector_load %arg17[%swap3A_209, %swap3A_210, %swap3A_211] {strides = array<i32>} : memref<128x8x32xf32, #tpu.memory_space<vmem>>, vector<16xf32>,
          tpu.vector_store %arg17[%swap3A_209, %swap3A_210, %swap3A_211], %sub3A_208 {strides = array<i32>} : memref<128x8x32xf32, #tpu.memory_space<vmem>>, vector<16xf32>,
          %add3A_213 = arith.constant 64 : i32
          %add3A_214 = arith.addi %add3A_213, %add3A_195 : i32
          %swap3A_215 = arith.index_cast %add3A_214 : i32 to index
          %swap3A_216 = arith.index_cast %add3A_145 : i32 to index
          %swap3A_217 = arith.constant 0 : index
          %swap3A_218 = tpu.vector_load %arg17[%swap3A_215, %swap3A_216, %swap3A_217] {strides = array<i32>} : memref<128x8x32xf32, #tpu.memory_space<vmem>>, vector<16xf32>,
          tpu.vector_store %arg17[%swap3A_215, %swap3A_216, %swap3A_217], %gather3A_200 {strides = array<i32>} : memref<128x8x32xf32, #tpu.memory_space<vmem>>, vector<16xf32>,
          %add3A_219 = arith.constant 64 : i32
          %add3A_220 = arith.addi %add3A_219, %add3A_195 : i32
          %swap3A_221 = arith.index_cast %add3A_220 : i32 to index
          %swap3A_222 = arith.index_cast %add3A_145 : i32 to index
          %swap3A_223 = arith.constant 16 : index
          %swap3A_224 = tpu.vector_load %arg17[%swap3A_221, %swap3A_222, %swap3A_223] {strides = array<i32>} : memref<128x8x32xf32, #tpu.memory_space<vmem>>, vector<16xf32>,
          tpu.vector_store %arg17[%swap3A_221, %swap3A_222, %swap3A_223], %gather3A_202 {strides = array<i32>} : memref<128x8x32xf32, #tpu.memory_space<vmem>>, vector<16xf32>,
        }
        %scan3A_190 = arith.constant 64 : i32
      }
      %scan3A_130 = arith.constant 8 : i32
      %add3A_131 = arith.addi %mul3A_0, %mul3A_46 : i32
      %multiple_of3A_132 = tpu.assume_multiple %add3A_131, 8 : i32
      %dma_start3A_133 = arith.constant 0 : i32
      %dma_start3A_134 = arith.constant 0 : i32
      %dma_start3A_135 = tpu.memref_slice %arg4[%arg0, %dma_start3A_133, %multiple_of3A_132, %dma_start3A_134] : memref<2x128x4096x32xf32, #tpu.memory_space<hbm>> -> memref<1x128x8x32xf32, #tpu.memory_space<hbm>>
      %dma_start3A_136 = tpu.memref_squeeze %dma_start3A_135 : memref<1x128x8x32xf32, #tpu.memory_space<hbm>> -> memref<128x8x32xf32, #tpu.memory_space<hbm>>
      %dma_start3A_137 = arith.constant 0 : i32
      %dma_start3A_138 = arith.constant 0 : i32
      %dma_start3A_139 = tpu.memref_slice %arg4[%arg0, %dma_start3A_137, %multiple_of3A_132, %dma_start3A_138] : memref<2x128x4096x32xf32, #tpu.memory_space<hbm>> -> memref<1x128x8x32xf32, #tpu.memory_space<hbm>>
      %dma_start3A_140 = tpu.memref_squeeze %dma_start3A_139 : memref<1x128x8x32xf32, #tpu.memory_space<hbm>> -> memref<128x8x32xf32, #tpu.memory_space<hbm>>
      tpu.enqueue_dma source(%arg17 : memref<128x8x32xf32, #tpu.memory_space<vmem>>) target(%dma_start3A_140 : memref<128x8x32xf32, #tpu.memory_space<hbm>>) target_semaphore(%arg19 : memref<!tpu.dma_semaphore, #tpu.memory_space<semaphore_mem>>)
    }
    %scan3A_32 = arith.constant 32 : i32
    %multiple_of3A = tpu.assume_multiple %mul3A_0, 8 : i32
    %dma_wait3A = arith.constant 0 : i32
    %dma_wait3A_33 = arith.constant 0 : i32
    %dma_wait3A_34 = tpu.memref_slice %arg4[%arg0, %dma_wait3A, %multiple_of3A, %dma_wait3A_33] : memref<2x128x4096x32xf32, #tpu.memory_space<hbm>> -> memref<1x128x8x32xf32, #tpu.memory_space<hbm>>
    %dma_wait3A_35 = tpu.memref_squeeze %dma_wait3A_34 : memref<1x128x8x32xf32, #tpu.memory_space<hbm>> -> memref<128x8x32xf32, #tpu.memory_space<hbm>>
    %dma_wait3A_36 = arith.constant 0 : i32
    %dma_wait3A_37 = arith.constant 0 : i32
    %dma_wait3A_38 = tpu.memref_slice %arg4[%arg0, %dma_wait3A_36, %multiple_of3A, %dma_wait3A_37] : memref<2x128x4096x32xf32, #tpu.memory_space<hbm>> -> memref<1x128x8x32xf32, #tpu.memory_space<hbm>>
    %dma_wait3A_39 = tpu.memref_squeeze %dma_wait3A_38 : memref<1x128x8x32xf32, #tpu.memory_space<hbm>> -> memref<128x8x32xf32, #tpu.memory_space<hbm>>
    tpu.wait_dma2 semaphore(%arg19 : memref<!tpu.dma_semaphore, #tpu.memory_space<semaphore_mem>>) src(%arg17 : memref<128x8x32xf32, #tpu.memory_space<vmem>>) dst(%dma_wait3A_39 : memref<128x8x32xf32, #tpu.memory_space<hbm>>)
    return
  }
}

</mosaic_0001>

<sc_bundles>
// kernel: kernel.3.cloned.1.call-start
scs
__scs_entry_jumppad:
0x0: {  	(pc) =	sbr.rel $0x88, $3  }
0x1: {  	(tag) =	ssettag $0x0;
	lr =	simm.s32 $0x1  }
0x2: {  	[smem:$0x3F9F] =	sst lr;
	_ =	strace $0xD0000000  }
0x3: {  	_ = 	snop  }
0x4: {  	_ = 	snop  }
0x5: {  	_ = 	snop  }
0x6: {  	_ = 	snop  }
0x7: {  	_ = 	snop  }
__scs_overlays_trampoline_lowered:
0x8: {  	[smem:$0x3FAE] =	sst s0  }
0x9: {  	[smem:$0x3FAF] =	sst s1  }
0xa: {  	[smem:$0x3FB0] =	sst s2  }
0xb: {  	[smem:$0x3FB1] =	sst s3  }
0xc: {  	[smem:$0x3FB2] =	sst s4  }
0xd: {  	[smem:$0x3FB3] =	sst s5  }
0xe: {  	[smem:$0x3FB4] =	sst s6  }
0xf: {  	[smem:$0x3FB5] =	sst s7  }
0x10: {  	[smem:$0x3FB6] =	sst s8  }
0x11: {  	[smem:$0x3FB7] =	sst s9;
	s0 =	simm.s32 @!p0 $0x0  }
0x12: {  	s1 =	sld [smem:$0x3F9D];
	s0 =	simm.s32 @p0 $0x1  }
0x13: {  	[smem:$0x3FB8] =	sst s0;
	s0 =	simm.s32 @!p1 $0x0  }
0x14: {  	s2 =	sld [smem:$0x3F9C];
	s0 =	simm.s32 @p1 $0x1  }
0x15: {  	[smem:$0x3FB9] =	sst s0;
	s0 =	simm.s32 @!p2 $0x0  }
0x16: {  	s3 =	sld [smem:$0x3FDB];
	s0 =	simm.s32 @p2 $0x1  }
0x17: {  	s4 =	simm.s32 $0x1BF5;
	[smem:$0x3FBB] =	sst s0  }
0x18: {  	s0 =	sld [smem:$0x3F9E];
	_ =	swait.ge [sflag:s4], $0x0  }
0x19: {  	s7 =	sld [smem:$0x3F9F]  }
0x1a: {  	s8 =	sadd.s32 $0xFFFFE003, lr  }
0x1b: {  	s9 =	sadd.s32 $0xFFFFFEF7, lr;
	s5 =	simm.s32 $0xFFFFFFFF;
	p2 =	slt.u32 s8, $0xFFFFF086  }
0x1c: {  	p1 =	slt.u32 s9, $0xF7A;
	s5 =	simm.s32 @!p2 $0x0  }
0x1d: {  	s5 =	simm.s32 @p1 $0x1;
	p0 =	seq.s32 s7, s2  }
0x1e: {  	s7 =	smul.u32 @!p0 $0xF7A, s2;
	p2 =	seq.s32 @!p0 s5, $0x0  }
0x1f: {  	s9 =	smul.u32 $0xF7A, s1;
	s8 =	simm.s32 @!p0 $0x1BF5;
	p2 =	por !p2, p0  }
0x20: {  	[sflag:s8] =	ssyncset.s32 @!p0 $0xFFFFF086;
	s6 =	sadd.s32 @!p0 s3, s7;
	s7 =	simm.s32 @!p0 $0x108  }
0x21: {  	s3 =	sadd.s32 s3, s9;
	s6 =	sadd.s32 @!p0 $0x88, s6;
	s7 =	simm.s32 @p2 $0x1082  }
0x22: {  	[simem:s7], [sflag:s8] =	dma.local @!p0 [hbm:s6], $0xF7A  }
0x23: {  	s9 =	sor.u32 $0xD0000000, s2;
	s6 =	simm.s32 $0x108;
	_ =	swait.ge @!p0 [sflag:s8], $0x0  }
0x24: {  	s3 =	sadd.s32 $0x88, s3;
	s6 =	simm.s32 @!p1 $0x1082;
	[sflag:s4] =	ssyncset.s32 $0xFFFFF086  }
0x25: {  	[simem:s6], [sflag:s4] =	dma.local [hbm:s3], $0xF7A  }
0x26: {  	[smem:$0x3F9F] =	sst s1;
	(tag) =	ssettag s2;
	_ =	strace s9  }
0x27: {  	s1 =	sld [smem:$0x3FAF]  }
0x28: {  	s2 =	sld [smem:$0x3FB0]  }
0x29: {  	s4 =	sld [smem:$0x3FB2]  }
0x2a: {  	p0 =	seq.s32 s5, $0x0;
	s5 =	sld [smem:$0x3FB3]  }
0x2b: {  	s6 =	sld [smem:$0x3FB4]  }
0x2c: {  	s7 =	sld [smem:$0x3FB5]  }
0x2d: {  	s3 =	simm.s32 $0x108;
	s8 =	sld [smem:$0x3FB6]  }
0x2e: {  	s3 =	simm.s32 @!p0 $0x1082;
	s9 =	sld [smem:$0x3FB7]  }
0x2f: {  	lr =	sadd.s32 s0, s3;
	s0 =	sld [smem:$0x3FAE]  }
0x30: {  	s3 =	sld [smem:$0x3FB1]  }
0x31: {  	[smem:$0x3FBA] =	sst s10  }
0x32: {  	s10 =	sld [smem:$0x3FB8];
	_ =	sdelay $0x3  }
0x33: {  	p0 =	seq.s32 s10, $0x1;
	s10 =	sld [smem:$0x3FBA];
	_ =	sdelay $0x3  }
0x34: {  	[smem:$0x3FBA] =	sst s10  }
0x35: {  	s10 =	sld [smem:$0x3FB9];
	_ =	sdelay $0x3  }
0x36: {  	p1 =	seq.s32 s10, $0x1;
	s10 =	sld [smem:$0x3FBA];
	_ =	sdelay $0x3  }
0x37: {  	[smem:$0x3FBA] =	sst s10  }
0x38: {  	s10 =	sld [smem:$0x3FBB]  }
0x39: {  	_ = 	snop;
	(pc) =	sbr.ind lr, $3  }
0x3a: {  	_ = 	snop  }
0x3b: {  	_ = 	snop  }
0x3c: {  	p2 =	seq.s32 s10, $0x1;
	s10 =	sld [smem:$0x3FBA]  }
0x3d: {  	_ =	shalt  }
0x3e: {  	_ =	shalt  }
0x3f: {  	_ =	shalt  }
0x40: {  	_ =	shalt  }
0x41: {  	_ =	shalt  }
0x42: {  	_ =	shalt  }
0x43: {  	_ =	shalt  }
0x44: {  	_ =	shalt  }
0x45: {  	_ =	shalt  }
0x46: {  	_ =	shalt  }
0x47: {  	_ =	shalt  }
0x48: {  	_ =	shalt  }
0x49: {  	_ =	shalt  }
0x4a: {  	_ =	shalt  }
0x4b: {  	_ =	shalt  }
0x4c: {  	_ =	shalt  }
0x4d: {  	_ =	shalt  }
0x4e: {  	_ =	shalt  }
0x4f: {  	_ =	shalt  }
0x50: {  	_ =	shalt  }
0x51: {  	_ =	shalt  }
0x52: {  	_ =	shalt  }
0x53: {  	_ =	shalt  }
0x54: {  	_ =	shalt  }
0x55: {  	_ =	shalt  }
0x56: {  	_ =	shalt  }
0x57: {  	_ =	shalt  }
0x58: {  	_ =	shalt  }
0x59: {  	_ =	shalt  }
0x5a: {  	_ =	shalt  }
0x5b: {  	_ =	shalt  }
0x5c: {  	_ =	shalt  }
0x5d: {  	_ =	shalt  }
0x5e: {  	_ =	shalt  }
0x5f: {  	_ =	shalt  }
0x60: {  	_ =	shalt  }
0x61: {  	_ =	shalt  }
0x62: {  	_ =	shalt  }
0x63: {  	_ =	shalt  }
0x64: {  	_ =	shalt  }
0x65: {  	_ =	shalt  }
0x66: {  	_ =	shalt  }
0x67: {  	_ =	shalt  }
0x68: {  	_ =	shalt  }
0x69: {  	_ =	shalt  }
0x6a: {  	_ =	shalt  }
0x6b: {  	_ =	shalt  }
0x6c: {  	_ =	shalt  }
0x6d: {  	_ =	shalt  }
0x6e: {  	_ =	shalt  }
0x6f: {  	_ =	shalt  }
0x70: {  	_ =	shalt  }
0x71: {  	_ =	shalt  }
0x72: {  	_ =	shalt  }
0x73: {  	_ =	shalt  }
0x74: {  	_ =	shalt  }
0x75: {  	_ =	shalt  }
0x76: {  	_ =	shalt  }
0x77: {  	_ =	shalt  }
0x78: {  	_ =	shalt  }
0x79: {  	_ =	shalt  }
0x7a: {  	_ =	shalt  }
0x7b: {  	_ =	shalt  }
0x7c: {  	_ =	shalt  }
0x7d: {  	_ =	shalt  }
0x7e: {  	_ =	shalt  }
0x7f: {  	_ =	shalt  }
0x80: {  	_ =	shalt  }
0x81: {  	_ =	shalt  }
0x82: {  	_ =	shalt  }
0x83: {  	_ =	shalt  }
0x84: {  	_ =	shalt  }
0x85: {  	_ =	shalt  }
0x86: {  	_ =	shalt  }
0x87: {  	_ =	shalt  }
.Lfunc_end0:
.L_simem_size_0:
called_computation.1_lowered:
.L_overlay_start_0:
0x88: {  	s2 =	sld [smem:$0x3FD9]  }
0x89: {  	s3 =	sld [smem:$0x3FFE];
	_ =	sdelay $0x1  }
0x8a: {  	s1 =	srdreg.scid  }
0x8b: {  	s0 =	sand.u32 $0x1, s1  }
0x8c: {  	s17 =	sshll.u32 s0, $0xA;
	s2 =	sadd.s32 s3, s2  }
0x8d: {  	s2 =	sadd.s32 s2, s17  }
0x8e: {  	[smem:$0x3FC6] =	sst s2  }
0x8f: {  	_ = 	snop  }
0x90: {  	s2 =	sld [smem:$0x3FD0];
	(tm) =	ssettm $0x1  }
0x91: {  	s18 =	sld [smem:$0x3FFB];
	_ =	sdelay $0x3  }
0x92: {  	_ =	strace s18  }
0x93: {  	s3 =	sld [smem:$0x3FFC];
	_ =	sdelay $0x3  }
0x94: {  	_ =	strace s3  }
0x95: {  	s3 =	sld [smem:$0x3FFD];
	_ =	sdelay $0x3  }
0x96: {  	_ =	strace s3  }
0x97: {  	_ =	strace $0x8FFFFFFF  }
0x98: {  	s19 =	sld [smem:$0x3FDB];
	_ =	sdelay $0x1  }
0x99: {  	s4 =	simm.s32 $_scs_section_size  }
0x9a: {  	s5 =	simm.s32 $_size__tile_overlayer_lowered;
	s6 =	simm.s32 $_tile_overlayer_lowered  }
0x9b: {  	s22 =	simm.s32 $0x1BFF;
	s21 =	sshll.u32 s6, $0x1;
	s3 =	sadd.s32 s4, s19  }
0x9c: {  	s7 =	simm.s32 $0x0;
	s20 =	sshll.u32 s5, $0x1;
	s5 =	sadd.s32 s21, s3  }
0x9d: {  	[timem:s7], [sflag:s22] =	dma.local [hbm:s5], s20  }
0x9e: {  	_ =	swait.ge [sflag:s22], s20  }
0x9f: {  	s4 =	ssub.s32 $0x0, s20;
	[sflag:s22] =	ssyncset.done $0x0  }
0xa0: {  	[sflag:s22] =	ssyncadd.s32 s4;
	_ =	sdelay $0x1  }
0xa1: {  	s23 =	simm.s32 $0x1B8B  }
0xa2: {  	_ =	swait.ge [sflag:s23], $0x1  }
0xa3: {  	[sflag:s23] =	ssyncset.done $0x0  }
0xa4: {  	s25 =	simm.s32 $0x1B8E;
	s24 =	sld [smem:$0x3FFE];
	[sflag:s23] =	ssyncadd.s32 $0xFFFFFFFF  }
0xa5: {  	s26 =	simm.s32 $execute0_lowered;
	[smem:$0x3FD2] =	sst s25  }
0xa6: {  	s5 =	sshll.u32 s26, $0x1;
	_ =	strace $0x80000046;
	[dreg:$0x1] =	wrdreg $0xFFFFFFFF  }
0xa7: {  	s28 =	simm.s32 $_size_execute0_lowered;
	s3 =	sadd.s32 s3, s5;
	[dreg:$0x0] =	wrdreg $0x0  }
0xa8: {  	s5 =	sshll.u32 s28, $0x1;
	[dreg:$0x2] =	wrdreg s3  }
0xa9: {  	[dreg:$0x3] =	wrdreg s5  }
0xaa: {  	[dreg:$0x4] =	wrdreg $0xC0  }
0xab: {  	_ =	task [dreg:s7], $0x5FFFF  }
0xac: {  	[dreg:$0x1] =	wrdreg $0xFFFFFFFF  }
0xad: {  	[dreg:$0x0] =	wrdreg $0x60  }
0xae: {  	[dreg:$0x2] =	wrdreg s24  }
0xaf: {  	[dreg:$0x3] =	wrdreg s2  }
0xb0: {  	[dreg:$0x4] =	wrdreg $0x9  }
0xb1: {  	_ =	task.clear_ibuf [dreg:s7], $0x5FFFF;
	_ =	strace $0x90000046  }
0xb2: {  	s29 =	simm.s32 $0x9;
	_ =	strace $0x80000048  }
0xb3: {  	_ =	swait.ge [sflag:s29], $0x1  }
0xb4: {  	[sflag:s29] =	ssyncadd.s32 $0xFFFFFFFF  }
0xb5: {  	_ =	strace $0x90000048  }
0xb6: {  	_ =	sfence  }
0xb7: {  	s30 =	sld [smem:$0x0];
	_ =	sdelay $0x2  }
0xb8: {  	s31 =	sshll.u32 s1, $0xD;
	s1 =	sshrl.u32 s1, $0x2  }
0xb9: {  	s3 =	sand.u32 $0x4000, s31;
	s1 =	sadd.s32 s1, s30  }
0xba: {  	s0 =	sor.u32 s3, s0;
	s1 =	sshll.u32 s1, $0x11  }
0xbb: {  	s0 =	sor.u32 s1, s0  }
0xbc: {  	s0 =	sadd.s32 $0x8F2B, s0  }
0xbd: {  	[sflag:s0] =	ssyncadd.remote.s32 $0x1  }
0xbe: {  	_ =	sfence.sel $0xFFFF  }
0xbf: {  	[dreg:$0x0] =	wrdreg $0xFFFFFFFF;
	(pc) =	sbr.abs _section_cstart, $3  }
0xc0: {  	[dreg:$0x1] =	wrdreg $0xFFFFFFFF  }
0xc1: {  	_ =	task.clear_ibuf [dreg:s7], $0x2FFFF;
	_ =	strace $0x9FFFFFFF  }
0xc2: {  	(tm) =	ssettm $0x7FFFFFFF  }
0xc3: {  	_ =	shalt  }
tec
execute0_lowered:
.L_overlay_start_1:
0x0: {  	(tag) =	ssettag $0x1  }
0x1: {  	s0 =	rddreg [dreg:$0x0]  }
0x2: {  	s3 =	rddreg [dreg:$0x1];
	s1 =	simm.s32 $0x0;
	s2 =	srdreg.scid  }
0x3: {  	s9 =	stileid.u32;
	s11 =	simm.s32 $0x1000;
	s13 =	simm.s32 $0x2000  }
0x4: {  	s14 =	simm.s32 $0x3000;
	s15 =	simm.s32 $0x4000;
	s16 =	simm.s32 $0x5010  }
0x5: {  	s17 =	simm.s32 $0x5030;
	s18 =	simm.s32 $0x80;
	s20 =	simm.s32 $0x62D0  }
0x6: {  	s28 =	simm.s32 $0x100;
	s29 =	simm.s32 $0x20000;
	s30 =	simm.s32 $0xEAD0  }
0x7: {  	[smem:$0x7FF] =	sst s1;
	s5 =	sand.u32 $0x1, s2;
	s6 =	sadd.s32 $0x800, s0  }
0x8: {  	v0 =	vimm.s32 $0xECA8642;
	s2 =	sadd.s32 $0x1400, s0;
	_ =	strace $0x80000047;
	s4 =	smul.u32 $0x3000, s5  }
0x9: {  	v1 =	vunpack.c.l.s4.s8 v0;
	s23 =	ssub.s32 $0x2, s5;
	s8 =	smul.u32 $0x600, s5;
	s31 =	sshll.u32 s5, $0xC  }
0xa: {  	v2 =	vimm.f32 $+Inf;
	v6 =	vimm.s32 $0x10161412;
	s5 =	sshll.u32 s5, $0x15;
	s7 =	sshrl.u32 s23, $0x1;
	s4 =	sshrl.u32 s4, $0x3  }
0xb: {  	vm0 =	vcmask $0x1B00;
	v7 =	vimm.s32 $0x181E1C1A;
	v4 =	vunpack.c.0.s8.s32 v1;
	s0 =	ssub.s32 s23, s7;
	s23 =	simm.s32 $0x10;
	s24 =	sadd.s32 s6, s4  }
0xc: {  	vm14 =	vcmask $0x2B1C;
	vm15 =	vcmask $0x3B2C;
	v0 =	vlaneseq.u32;
	s4 =	sshll.u32 s9, $0x8;
	s6 =	sadd.s32 s6, s8;
	s9 =	sadd.s32 s3, s5  }
0xd: {  	v6 =	vunpack.c.0.s8.s32 v6;
	v5 =	vmul.u32 $0xFFFFFFFF, v0;
	s0 =	smax.u32 s0, $0x1;
	v4 =	vand.u32 $0xF, v4;
	s5 =	simm.s32 $0x0;
	[dreg:$0x3] =	wrdreg s6  }
0xe: {  	v7 =	vunpack.c.0.s8.s32 v7;
	v3 =	vmul.u32 $0x2, v0;
	s25 =	sadd.s32 $0x200, s24;
	s26 =	sadd.s32 $0x400, s24;
	[dreg:$0x6] =	wrdreg s0;
	v8 =	vnsel vm0, $0x1F, v4  }
0xf: {  	v1 =	vmov s31;
	v5 =	vadd.s32 $0xF, v5;
	s8 =	sor.u32 s4, s31;
	s24 =	simm.s32 $0x61C0;
	[dreg:$0x4] =	wrdreg s25;
	v8 =	vsel vm14, v6, v8  }
0x10: {  	v4 =	vimm.s32 $0x1000;
	[dreg:$0x5] =	wrdreg s26;
	s25 =	simm.s32 $0xE2D0;
	s26 =	simm.s32 $0x1;
	v6 =	vor.u32 $0x1, v3;
	v7 =	vsel vm15, v7, v8  }
.LBB2_1:
0x11: {  	[dreg:$0x7] =	wrdreg s5  }
0x12: {  	s0 =	rddreg [dreg:$0x3];
	s3 =	simm.s32 $0x3  }
0x13: {  	[tilespmem:s11], [sflag:$0x3] =	stream.linear.gather [hbm4b:s0+s1], $0x1000, $0x38;
	[tilespmem:$0x16AD0] =	vst v63  }
0x14: {  	_ =	swait.ge [sflag:s3], $0x1000  }
0x15: {  	[sflag:s3] =	ssyncset.done $0x0  }
0x16: {  	s22 =	rddreg [dreg:$0x4];
	[sflag:s3] =	ssyncadd.s32 $0xFFFFF000  }
0x17: {  	[tilespmem:s13], [sflag:$0x3] =	stream.linear.gather [hbm4b:s22+s1], $0x1000, $0x38;
	[tilespmem:$0x16AD0] =	vst v63  }
0x18: {  	_ =	swait.ge [sflag:s3], $0x1000  }
0x19: {  	[sflag:s3] =	ssyncset.done $0x0  }
0x1a: {  	s31 =	rddreg [dreg:$0x5];
	[sflag:s3] =	ssyncadd.s32 $0xFFFFF000  }
0x1b: {  	[tilespmem:s14], [sflag:$0x3] =	stream.linear.gather [hbm4b:s31+s1], $0x1000, $0x38;
	[tilespmem:$0x16AD0] =	vst v63  }
0x1c: {  	_ =	swait.ge [sflag:s3], $0x1000  }
0x1d: {  	[sflag:s3] =	ssyncset.done $0x0  }
0x1e: {  	[sflag:s3] =	ssyncadd.s32 $0xFFFFF000  }
0x1f: {  	s0 =	simm.s32 $0x0;
	[tilespmem:$0x5000] =	vst v2  }
0x20: {  	v8 =	vld [tilespmem:s0+$0x1000]  }
0x21: {  	v9 =	vld [tilespmem:s0+$0x2000]  }
0x22: {  	v10 =	vld [tilespmem:s0+$0x3000];
	_ =	sdelay $0x3  }
0x23: {  	v11 =	vshrl.u32 v8, $0x10;
	v12 =	vmul.f32 v8, v8  }
0x24: {  	v13 =	vshrl.u32 v9, $0x10;
	v63 =	vshrl.u32 v10, $0x10;
	v11 =	vand.u32 $0x1, v11  }
0x25: {  	v8 =	vadd.s32 v11, v8;
	v11 =	vand.u32 $0x1, v13;
	v13 =	vand.u32 $0x1, v63  }
0x26: {  	v8 =	vadd.s32 $0x7FFF, v8;
	v11 =	vadd.s32 v11, v9;
	v9 =	vmul.f32 v9, v9  }
0x27: {  	v13 =	vadd.s32 v13, v10;
	v8 =	vand.u32 $0xFFFF0000, v8;
	v11 =	vadd.s32 $0x7FFF, v11  }
0x28: {  	s5 =	simm.s32 $0x10;
	v13 =	vadd.s32 $0x7FFF, v13;
	[tilespmem:s0+$0x1000] =	vst v8;
	v11 =	vand.u32 $0xFFFF0000, v11  }
0x29: {  	s3 =	simm.s32 $0x80;
	v10 =	vmul.f32 v10, v10;
	v9 =	vadd.f32 v9, v12;
	v8 =	vld [tilespmem:s5+$0x1000];
	[tilespmem:s0+$0x2000] =	vst v11;
	v11 =	vand.u32 $0xFFFF0000, v13  }
.LBB2_2:
0x2a: {  	p0 =	sne.s32 s3, $0x3FC0;
	v12 =	vld [tilespmem:s5+$0x2000];
	[tilespmem:s0+$0x3000] =	vst v11  }
0x2b: {  	v11 =	vld [tilespmem:s5+$0x3000];
	v9 =	vadd.f32 v10, v9;
	_ =	sdelay $0x1  }
0x2c: {  	[tilespmem:s0+$0x0] =	vst v9;
	s0 =	smov.u32 s5  }
0x2d: {  	v9 =	vmul.f32 v8, v8;
	v10 =	vshrl.u32 v8, $0x10  }
0x2e: {  	v13 =	vmul.f32 v12, v12;
	v10 =	vand.u32 $0x1, v10;
	v14 =	vshrl.u32 v12, $0x10  }
.Ltmp0:
0x2f: {  	v8 =	vadd.s32 v10, v8;
	v10 =	vand.u32 $0x1, v14;
	v14 =	vshrl.u32 v11, $0x10;
	(pc) =	sbr.rel @p0 .LBB2_2-.Ltmp0, $4  }
0x30: {  	v8 =	vadd.s32 $0x7FFF, v8;
	v10 =	vadd.s32 v10, v12;
	v12 =	vand.u32 $0x1, v14  }
0x31: {  	v8 =	vand.u32 $0xFFFF0000, v8;
	v10 =	vadd.s32 $0x7FFF, v10;
	v12 =	vadd.s32 v12, v11  }
0x32: {  	s5 =	sshra.s32 s3, $0x2;
	v9 =	vadd.f32 v13, v9;
	[tilespmem:s0+$0x1000] =	vst v8;
	v13 =	vand.u32 $0xFFFF0000, v10;
	v12 =	vadd.s32 $0x7FFF, v12  }
0x33: {  	s3 =	sadd.s32 $0x40, s3;
	v10 =	vmul.f32 v11, v11;
	v8 =	vld [tilespmem:s5+$0x1000];
	[tilespmem:s0+$0x2000] =	vst v13;
	v11 =	vand.u32 $0xFFFF0000, v12  }
0x34: {  	v12 =	vld [tilespmem:s5+$0x2000]  }
0x35: {  	[tilespmem:s0+$0x3000] =	vst v11  }
0x36: {  	v11 =	vld [tilespmem:s5+$0x3000];
	_ =	sdelay $0x1  }
0x37: {  	v9 =	vadd.f32 v10, v9;
	v59 =	vshrl.u32 v8, $0x10  }
0x38: {  	v13 =	vmul.f32 v8, v8;
	v10 =	vand.u32 $0x1, v59;
	v14 =	vshrl.u32 v12, $0x10  }
0x39: {  	v60 =	vmul.f32 v12, v12;
	v8 =	vadd.s32 v10, v8;
	v14 =	vand.u32 $0x1, v14  }
0x3a: {  	v61 =	vshrl.u32 v11, $0x10;
	v12 =	vadd.s32 v14, v12;
	v8 =	vadd.s32 $0x7FFF, v8  }
0x3b: {  	v14 =	vand.u32 $0x1, v61;
	v10 =	vadd.f32 v60, v13;
	v8 =	vand.u32 $0xFFFF0000, v8  }
0x3c: {  	[tilespmem:s0+$0x0] =	vst v9;
	v12 =	vadd.s32 $0x7FFF, v12;
	v62 =	vadd.s32 v14, v11;
	v11 =	vmul.f32 v11, v11  }
0x3d: {  	[tilespmem:s5+$0x1000] =	vst v8;
	v8 =	vand.u32 $0xFFFF0000, v12;
	v9 =	vadd.s32 $0x7FFF, v62  }
0x3e: {  	[tilespmem:s5+$0x2000] =	vst v8;
	v8 =	vand.u32 $0xFFFF0000, v9;
	v63 =	vadd.f32 v11, v10  }
0x3f: {  	[tilespmem:s5+$0x3000] =	vst v8  }
0x40: {  	s3 =	simm.s32 $0x0;
	[tilespmem:s5+$0x0] =	vst v63  }
.LBB2_4:
.Ltmp1:
0x41: {  	(pc) =	sbr.rel .LBB2_5-.Ltmp1, $3  }
0x42: {  	_ =	sdelay $0x1  }
0x43: {  	s5 =	sshll.u32 s3, $0x3  }
0x44: {  	s7 =	simm.s32 $0x0;
	s6 =	sor.u32 s4, s5  }
.LBB2_26:
0x45: {  	[tilespmem:$0x5030] =	vst v9  }
0x46: {  	[tilespmem:$0x5040] =	vst v8  }
.LBB2_27:
0x47: {  	v8 =	vld [tilespmem:$0x5030]  }
0x48: {  	v9 =	vld [tilespmem:$0x5040]  }
0x49: {  	s0 =	sshll.u32 s7, $0x5;
	s7 =	sadd.s32 $0x1, s7  }
0x4a: {  	p0 =	sne.s32 s7, $0x8  }
.Ltmp2:
0x4b: {  	s10 =	sand.u32 $0x3FFFFFE0, s0;
	(pc) =	sbr.rel @!p0 .LBB2_28-.Ltmp2, $4  }
0x4c: {  	[tilespmem:s10+$0x61D0] =	vst v8;
	v8 =	vadd.s32 v1, v8  }
0x4d: {  	s0 =	sand.u32 $0xE0, s0;
	[tilespmem:s10+$0x61E0] =	vst v9;
	v9 =	vadd.s32 v1, v9;
	v8 =	vshrl.u32 v8, $0x1  }
0x4e: {  	[tilespmem:s0+$0x60C0] =	vst v8;
	v8 =	vshrl.u32 v9, $0x1  }
0x4f: {  	[tilespmem:s0+$0x60D0] =	vst v8  }
.LBB2_5:
0x50: {  	s0 =	sor.u32 s7, s6  }
0x51: {  	v11 =	vmov s0;
	_ =	sdelay $0x1  }
0x52: {  	s10 =	simm.s32 $0x2040  }
0x53: {  	s31 =	simm.s32 $0x1040;
	v12 =	vld [tilespmem:s10+$0xFFFFFFC0]  }
0x54: {  	v13 =	vld [tilespmem:s31+$0xFFFFFFC0]  }
0x55: {  	v8 =	vld.idx.msk [tilespmem:v11+s11+$0x0], $0xffff  }
0x56: {  	s22 =	simm.s32 $0x3040;
	v9 =	vld.idx.msk [tilespmem:v11+s13+$0x0], $0xffff  }
0x57: {  	v14 =	vld [tilespmem:s22+$0xFFFFFFC0]  }
0x58: {  	v10 =	vld.idx.msk [tilespmem:v11+s14+$0x0], $0xffff;
	_ =	sdelay $0x1  }
0x59: {  	s19 =	simm.s32 $0x40  }
0x5a: {  	v15 =	vld [tilespmem:s19+$0xFFFFFFC0];
	v12 =	vmul.f32 v12, v9;
	v13 =	vmul.f32 v13, v8  }
0x5b: {  	v11 =	vld.idx.msk [tilespmem:v11+s1+$0x0], $0xffff  }
0x5c: {  	v14 =	vmul.f32 v14, v10;
	v12 =	vadd.f32 v12, v13;
	_ =	sdelay $0x1  }
0x5d: {  	v12 =	vadd.f32 v14, v12;
	_ =	sdelay $0x1  }
0x5e: {  	v13 =	vadd.f32 v15, v11;
	v12 =	vadd.f32 v12, v12;
	_ =	sdelay $0x1  }
0x5f: {  	v12 =	vsub.f32 v13, v12  }
0x60: {  	s12 =	simm.s32 $0x4040  }
0x61: {  	[tilespmem:s12+$0xFFFFFFC0] =	vst v12  }
0x62: {  	v13 =	vld [tilespmem:s31+$0xFFFFFFD0]  }
0x63: {  	v14 =	vld [tilespmem:s10+$0xFFFFFFD0];
	_ =	sdelay $0x1  }
0x64: {  	v15 =	vld [tilespmem:s22+$0xFFFFFFD0];
	_ =	sdelay $0x2  }
0x65: {  	v13 =	vmul.f32 v13, v8;
	v14 =	vmul.f32 v14, v9  }
0x66: {  	v16 =	vld [tilespmem:s19+$0xFFFFFFD0]  }
0x67: {  	v13 =	vadd.f32 v14, v13;
	v14 =	vmul.f32 v15, v10;
	_ =	sdelay $0x1  }
0x68: {  	v13 =	vadd.f32 v14, v13;
	_ =	sdelay $0x1  }
0x69: {  	v14 =	vadd.f32 v16, v11;
	v13 =	vadd.f32 v13, v13;
	_ =	sdelay $0x1  }
0x6a: {  	v14 =	vsub.f32 v14, v13;
	_ =	sdelay $0x1  }
0x6b: {  	[tilespmem:s12+$0xFFFFFFD0] =	vst v14  }
0x6c: {  	v13 =	vld [tilespmem:s31+$0xFFFFFFE0]  }
0x6d: {  	v15 =	vld [tilespmem:s10+$0xFFFFFFE0];
	_ =	sdelay $0x1  }
0x6e: {  	v16 =	vld [tilespmem:s22+$0xFFFFFFE0];
	_ =	sdelay $0x2  }
0x6f: {  	v13 =	vmul.f32 v13, v8;
	v15 =	vmul.f32 v15, v9  }
0x70: {  	v17 =	vld [tilespmem:s19+$0xFFFFFFE0]  }
0x71: {  	v13 =	vadd.f32 v15, v13;
	v15 =	vmul.f32 v16, v10;
	_ =	sdelay $0x1  }
0x72: {  	v13 =	vadd.f32 v15, v13;
	_ =	sdelay $0x1  }
0x73: {  	v15 =	vadd.f32 v17, v11;
	v13 =	vadd.f32 v13, v13;
	_ =	sdelay $0x1  }
0x74: {  	v15 =	vsub.f32 v15, v13;
	_ =	sdelay $0x1  }
0x75: {  	[tilespmem:s12+$0xFFFFFFE0] =	vst v15  }
0x76: {  	v13 =	vld [tilespmem:s31+$0xFFFFFFF0]  }
0x77: {  	v16 =	vld [tilespmem:s10+$0xFFFFFFF0];
	_ =	sdelay $0x1  }
0x78: {  	v17 =	vld [tilespmem:s22+$0xFFFFFFF0];
	_ =	sdelay $0x2  }
0x79: {  	v13 =	vmul.f32 v13, v8;
	v16 =	vmul.f32 v16, v9  }
0x7a: {  	v18 =	vld [tilespmem:s19+$0xFFFFFFF0]  }
0x7b: {  	v13 =	vadd.f32 v16, v13;
	v16 =	vmul.f32 v17, v10;
	_ =	sdelay $0x1  }
0x7c: {  	v13 =	vadd.f32 v16, v13;
	_ =	sdelay $0x1  }
0x7d: {  	v16 =	vadd.f32 v18, v11;
	v13 =	vadd.f32 v13, v13;
	_ =	sdelay $0x1  }
0x7e: {  	v16 =	vsub.f32 v16, v13;
	_ =	sdelay $0x1  }
0x7f: {  	[tilespmem:s12+$0xFFFFFFF0] =	vst v16  }
0x80: {  	v13 =	vld [tilespmem:s31+$0x0]  }
0x81: {  	v17 =	vld [tilespmem:s10+$0x0];
	_ =	sdelay $0x1  }
0x82: {  	v18 =	vld [tilespmem:s22+$0x0];
	_ =	sdelay $0x2  }
0x83: {  	v13 =	vmul.f32 v13, v8;
	v17 =	vmul.f32 v17, v9  }
0x84: {  	v19 =	vld [tilespmem:s19+$0x0]  }
0x85: {  	v13 =	vadd.f32 v17, v13;
	v17 =	vmul.f32 v18, v10;
	_ =	sdelay $0x1  }
0x86: {  	v13 =	vadd.f32 v17, v13;
	_ =	sdelay $0x1  }
0x87: {  	v17 =	vadd.f32 v19, v11;
	v13 =	vadd.f32 v13, v13;
	_ =	sdelay $0x1  }
0x88: {  	v17 =	vsub.f32 v17, v13;
	_ =	sdelay $0x1  }
0x89: {  	[tilespmem:s12+$0x0] =	vst v17  }
0x8a: {  	v13 =	vld [tilespmem:s31+$0x10]  }
0x8b: {  	v18 =	vld [tilespmem:s10+$0x10];
	_ =	sdelay $0x1  }
0x8c: {  	v19 =	vld [tilespmem:s22+$0x10];
	_ =	sdelay $0x2  }
0x8d: {  	v13 =	vmul.f32 v13, v8;
	v18 =	vmul.f32 v18, v9  }
0x8e: {  	v20 =	vld [tilespmem:s19+$0x10]  }
0x8f: {  	v13 =	vadd.f32 v18, v13;
	v18 =	vmul.f32 v19, v10;
	_ =	sdelay $0x1  }
0x90: {  	v13 =	vadd.f32 v18, v13;
	_ =	sdelay $0x1  }
0x91: {  	v18 =	vadd.f32 v20, v11;
	v13 =	vadd.f32 v13, v13;
	_ =	sdelay $0x1  }
0x92: {  	v18 =	vsub.f32 v18, v13;
	_ =	sdelay $0x1  }
0x93: {  	[tilespmem:s12+$0x10] =	vst v18  }
0x94: {  	v13 =	vld [tilespmem:s31+$0x20]  }
0x95: {  	v19 =	vld [tilespmem:s10+$0x20];
	_ =	sdelay $0x1  }
0x96: {  	v20 =	vld [tilespmem:s22+$0x20];
	_ =	sdelay $0x2  }
0x97: {  	v13 =	vmul.f32 v13, v8;
	v19 =	vmul.f32 v19, v9  }
0x98: {  	v21 =	vld [tilespmem:s19+$0x20]  }
0x99: {  	v20 =	vmul.f32 v20, v10;
	v13 =	vadd.f32 v19, v13;
	_ =	sdelay $0x1  }
0x9a: {  	v13 =	vadd.f32 v20, v13;
	_ =	sdelay $0x1  }
0x9b: {  	v19 =	vadd.f32 v21, v11;
	v13 =	vadd.f32 v13, v13;
	_ =	sdelay $0x1  }
0x9c: {  	v13 =	vsub.f32 v19, v13;
	_ =	sdelay $0x1  }
0x9d: {  	v19 =	vimm.f32 $+Inf;
	[tilespmem:s12+$0x20] =	vst v13  }
0x9e: {  	v20 =	vmax.f32 v19, v12;
	v12 =	vmin.f32 v19, v12;
	v63 =	vld [tilespmem:s31+$0x30]  }
0x9f: {  	v22 =	vmax.f32 v12, v14;
	v12 =	vmin.f32 v12, v14;
	v14 =	vmin.f32 v19, v20;
	v19 =	vld [tilespmem:s10+$0x30]  }
0xa0: {  	v20 =	vmax.f32 v12, v15;
	v12 =	vmin.f32 v12, v15;
	v14 =	vmin.f32 v14, v22  }
0xa1: {  	v15 =	vmax.f32 v12, v16;
	v14 =	vmin.f32 v14, v20;
	v12 =	vmin.f32 v12, v16;
	v20 =	vld [tilespmem:s22+$0x30]  }
0xa2: {  	v14 =	vmin.f32 v14, v15;
	v15 =	vmax.f32 v12, v17  }
0xa3: {  	v16 =	vmin.f32 v12, v17;
	v12 =	vmin.f32 v14, v15  }
0xa4: {  	v14 =	vmax.f32 v16, v18;
	v17 =	vmul.f32 v63, v8;
	v19 =	vmul.f32 v19, v9  }
0xa5: {  	s21 =	simm.s32 $0xC0;
	v12 =	vmin.f32 v12, v14;
	v14 =	vmin.f32 v16, v18;
	v16 =	vld [tilespmem:s19+$0x30]  }
0xa6: {  	s0 =	simm.s32 $0x0;
	s22 =	simm.s32 $0x40C0;
	s19 =	simm.s32 $0x30C0;
	v15 =	vmax.f32 v14, v13;
	v18 =	vmul.f32 v20, v10;
	v17 =	vadd.f32 v19, v17  }
.LBB2_6:
0xa7: {  	s0 =	sadd.s32 $0x8, s0;
	s31 =	sadd.s32 $0x80, s31;
	s10 =	sadd.s32 $0x80, s10  }
0xa8: {  	p0 =	slt.u32 s0, $0xF8;
	v17 =	vadd.f32 v18, v17;
	_ =	sdelay $0x1  }
0xa9: {  	v16 =	vadd.f32 v16, v11;
	v17 =	vadd.f32 v17, v17;
	_ =	sdelay $0x1  }
0xaa: {  	v16 =	vsub.f32 v16, v17  }
0xab: {  	v13 =	vmin.f32 v14, v13  }
0xac: {  	v12 =	vmin.f32 v12, v15;
	[tilespmem:s12+$0x30] =	vst v16;
	v14 =	vmax.f32 v13, v16;
	v15 =	vmin.f32 v13, v16;
	s12 =	smov.u32 s22  }
0xad: {  	v13 =	vld [tilespmem:s10+$0xFFFFFFC0];
	v12 =	vmin.f32 v12, v14  }
0xae: {  	v14 =	vld [tilespmem:s31+$0xFFFFFFC0]  }
0xaf: {  	v16 =	vld [tilespmem:s19+$0xFFFFFFC0];
	_ =	sdelay $0x2  }
0xb0: {  	v13 =	vmul.f32 v13, v9  }
0xb1: {  	v14 =	vmul.f32 v14, v8  }
0xb2: {  	v16 =	vmul.f32 v16, v10;
	v17 =	vld [tilespmem:s21+$0xFFFFFFC0]  }
0xb3: {  	v13 =	vadd.f32 v13, v14;
	_ =	sdelay $0x1  }
0xb4: {  	v13 =	vadd.f32 v16, v13;
	_ =	sdelay $0x1  }
0xb5: {  	v14 =	vadd.f32 v17, v11;
	v13 =	vadd.f32 v13, v13;
	_ =	sdelay $0x1  }
0xb6: {  	v14 =	vsub.f32 v14, v13;
	_ =	sdelay $0x1  }
0xb7: {  	[tilespmem:s22+$0xFFFFFFC0] =	vst v14;
	v13 =	vmax.f32 v15, v14  }
0xb8: {  	v16 =	vld [tilespmem:s31+$0xFFFFFFD0]  }
0xb9: {  	v17 =	vld [tilespmem:s10+$0xFFFFFFD0];
	_ =	sdelay $0x1  }
0xba: {  	v18 =	vld [tilespmem:s19+$0xFFFFFFD0];
	_ =	sdelay $0x2  }
0xbb: {  	v16 =	vmul.f32 v16, v8;
	v17 =	vmul.f32 v17, v9  }
0xbc: {  	v19 =	vld [tilespmem:s21+$0xFFFFFFD0]  }
0xbd: {  	v16 =	vadd.f32 v17, v16;
	v17 =	vmul.f32 v18, v10;
	_ =	sdelay $0x1  }
0xbe: {  	v16 =	vadd.f32 v17, v16;
	_ =	sdelay $0x1  }
0xbf: {  	v17 =	vadd.f32 v19, v11;
	v16 =	vadd.f32 v16, v16;
	_ =	sdelay $0x1  }
0xc0: {  	v16 =	vsub.f32 v17, v16;
	_ =	sdelay $0x1  }
0xc1: {  	[tilespmem:s22+$0xFFFFFFD0] =	vst v16  }
0xc2: {  	v17 =	vld [tilespmem:s31+$0xFFFFFFE0]  }
0xc3: {  	v18 =	vld [tilespmem:s10+$0xFFFFFFE0];
	_ =	sdelay $0x1  }
0xc4: {  	v19 =	vld [tilespmem:s19+$0xFFFFFFE0];
	_ =	sdelay $0x2  }
0xc5: {  	v17 =	vmul.f32 v17, v8;
	v18 =	vmul.f32 v18, v9  }
0xc6: {  	v20 =	vld [tilespmem:s21+$0xFFFFFFE0]  }
0xc7: {  	v17 =	vadd.f32 v18, v17;
	v18 =	vmul.f32 v19, v10;
	_ =	sdelay $0x1  }
0xc8: {  	v17 =	vadd.f32 v18, v17;
	_ =	sdelay $0x1  }
0xc9: {  	v18 =	vadd.f32 v20, v11;
	v17 =	vadd.f32 v17, v17;
	_ =	sdelay $0x1  }
0xca: {  	v17 =	vsub.f32 v18, v17;
	_ =	sdelay $0x1  }
0xcb: {  	[tilespmem:s22+$0xFFFFFFE0] =	vst v17  }
0xcc: {  	v18 =	vld [tilespmem:s31+$0xFFFFFFF0]  }
0xcd: {  	v19 =	vld [tilespmem:s10+$0xFFFFFFF0];
	_ =	sdelay $0x1  }
0xce: {  	v20 =	vld [tilespmem:s19+$0xFFFFFFF0];
	_ =	sdelay $0x1  }
0xcf: {  	v18 =	vmul.f32 v18, v8  }
0xd0: {  	v19 =	vmul.f32 v19, v9  }
0xd1: {  	v21 =	vld [tilespmem:s21+$0xFFFFFFF0]  }
0xd2: {  	v18 =	vadd.f32 v19, v18;
	v19 =	vmul.f32 v20, v10;
	_ =	sdelay $0x1  }
0xd3: {  	v18 =	vadd.f32 v19, v18;
	_ =	sdelay $0x1  }
0xd4: {  	v19 =	vadd.f32 v21, v11;
	v18 =	vadd.f32 v18, v18  }
0xd5: {  	v14 =	vmin.f32 v15, v14  }
0xd6: {  	v15 =	vmax.f32 v14, v16;
	v14 =	vmin.f32 v14, v16;
	v16 =	vsub.f32 v19, v18  }
0xd7: {  	v18 =	vmax.f32 v14, v17;
	v14 =	vmin.f32 v14, v17  }
0xd8: {  	[tilespmem:s22+$0xFFFFFFF0] =	vst v16;
	v17 =	vmax.f32 v14, v16  }
0xd9: {  	v19 =	vld [tilespmem:s31+$0x0]  }
0xda: {  	v20 =	vld [tilespmem:s10+$0x0];
	_ =	sdelay $0x1  }
0xdb: {  	v21 =	vld [tilespmem:s19+$0x0];
	_ =	sdelay $0x2  }
0xdc: {  	v19 =	vmul.f32 v19, v8;
	v20 =	vmul.f32 v20, v9  }
0xdd: {  	v22 =	vld [tilespmem:s21+$0x0]  }
0xde: {  	v19 =	vadd.f32 v20, v19;
	v20 =	vmul.f32 v21, v10;
	_ =	sdelay $0x1  }
0xdf: {  	v19 =	vadd.f32 v20, v19;
	_ =	sdelay $0x1  }
0xe0: {  	v20 =	vadd.f32 v22, v11;
	v19 =	vadd.f32 v19, v19;
	_ =	sdelay $0x1  }
0xe1: {  	v19 =	vsub.f32 v20, v19;
	_ =	sdelay $0x1  }
0xe2: {  	[tilespmem:s22+$0x0] =	vst v19  }
0xe3: {  	v20 =	vld [tilespmem:s31+$0x10]  }
0xe4: {  	v21 =	vld [tilespmem:s10+$0x10]  }
0xe5: {  	v22 =	vld [tilespmem:s19+$0x10]  }
0xe6: {  	v23 =	vld [tilespmem:s21+$0x10];
	_ =	sdelay $0x1  }
0xe7: {  	v20 =	vmul.f32 v20, v8  }
0xe8: {  	v21 =	vmul.f32 v21, v9;
	_ =	sdelay $0x1  }
0xe9: {  	v20 =	vadd.f32 v21, v20;
	v21 =	vmul.f32 v22, v10;
	_ =	sdelay $0x1  }
0xea: {  	v20 =	vadd.f32 v21, v20;
	_ =	sdelay $0x1  }
0xeb: {  	v12 =	vmin.f32 v12, v13;
	v13 =	vadd.f32 v23, v11;
	v20 =	vadd.f32 v20, v20  }
0xec: {  	v12 =	vmin.f32 v12, v15  }
0xed: {  	v12 =	vmin.f32 v12, v18;
	v14 =	vmin.f32 v14, v16;
	v15 =	vsub.f32 v13, v20  }
0xee: {  	v12 =	vmin.f32 v12, v17;
	v13 =	vmax.f32 v14, v19;
	v14 =	vmin.f32 v14, v19  }
0xef: {  	v12 =	vmin.f32 v12, v13;
	[tilespmem:s22+$0x10] =	vst v15;
	v13 =	vmax.f32 v14, v15  }
0xf0: {  	v12 =	vmin.f32 v12, v13;
	v13 =	vld [tilespmem:s31+$0x20]  }
0xf1: {  	v16 =	vld [tilespmem:s10+$0x20]  }
0xf2: {  	v17 =	vld [tilespmem:s19+$0x20]  }
0xf3: {  	v18 =	vld [tilespmem:s21+$0x20];
	_ =	sdelay $0x2  }
0xf4: {  	v13 =	vmul.f32 v13, v8;
	v16 =	vmul.f32 v16, v9  }
0xf5: {  	v17 =	vmul.f32 v17, v10  }
0xf6: {  	v13 =	vadd.f32 v16, v13;
	_ =	sdelay $0x1  }
0xf7: {  	v13 =	vadd.f32 v17, v13;
	_ =	sdelay $0x1  }
0xf8: {  	v16 =	vadd.f32 v18, v11;
	v13 =	vadd.f32 v13, v13;
	_ =	sdelay $0x1  }
0xf9: {  	v13 =	vsub.f32 v16, v13  }
0xfa: {  	v14 =	vmin.f32 v14, v15  }
0xfb: {  	[tilespmem:s22+$0x20] =	vst v13;
	v15 =	vmax.f32 v14, v13  }
0xfc: {  	v17 =	vld [tilespmem:s31+$0x30]  }
0xfd: {  	v18 =	vld [tilespmem:s10+$0x30]  }
0xfe: {  	v19 =	vld [tilespmem:s19+$0x30]  }
0xff: {  	v16 =	vld [tilespmem:s21+$0x30]  }
.Ltmp3:
0x100: {  	(pc) =	sbr.rel @p0 .LBB2_6-.Ltmp3, $3  }
0x101: {  	v17 =	vmul.f32 v17, v8  }
0x102: {  	v18 =	vmul.f32 v18, v9;
	_ =	sdelay $0x1  }
0x103: {  	s22 =	sadd.s32 $0x80, s22;
	s19 =	sadd.s32 $0x80, s19;
	s21 =	sadd.s32 $0x80, s21;
	v17 =	vadd.f32 v18, v17;
	v18 =	vmul.f32 v19, v10  }
0x104: {  	_ = 	snop  }
0x105: {  	v8 =	vadd.f32 v18, v17;
	_ =	sdelay $0x1  }
0x106: {  	v9 =	vadd.f32 v16, v11;
	v8 =	vadd.f32 v8, v8;
	_ =	sdelay $0x1  }
0x107: {  	v8 =	vsub.f32 v9, v8  }
0x108: {  	v9 =	vmin.f32 v14, v13  }
0x109: {  	v10 =	vmin.f32 v12, v15;
	v9 =	vmax.f32 v9, v8  }
0x10a: {  	v9 =	vmin.f32 v10, v9  }
0x10b: {  	(xrf0) =	vmax.scan.msk.f32 $0xffff, v9;
	_ =	sdelay $0x2  }
0x10c: {  	s0 =	simm.s32 $0x4040;
	[tilespmem:s12+$0x30] =	vst v8  }
0x10d: {  	v9 =	vld [tilespmem:s0+$0xFFFFFFC0];
	_ =	sdelay $0x1  }
0x10e: {  	v8, _, _ =	vpop (xrf0)  }
0x10f: {  	v8 =	vbroadcast v8, $0xF  }
0x110: {  	s10 =	simm.s32 $0x0  }
0x111: {  	v10 =	vor.u32 s10, v0;
	vm0 =	vle.f32 v9, v8  }
0x112: {  	[tilespmem:s10+$0x5030] =	vst.msk vm0, v10;
	v9 =	vmpcnt.ones.xlane vm0  }
0x113: {  	v10 =	vld [tilespmem:s0+$0xFFFFFFD0]  }
0x114: {  	(v2sf) =	vpush v9, $0x0;
	_ =	sdelay $0x3  }
0x115: {  	vm9 =	vle.f32 v10, v8  }
0x116: {  	v9 =	vmpcnt.ones.xlane vm9;
	_ =	sdelay $0x1  }
0x117: {  	(v2sf) =	vpush v9, $0x0;
	_ =	sdelay $0x7  }
0x118: {  	s19 =	simm.s32 $0x10;
	s21 =	spop (v2sf)  }
0x119: {  	v9 =	vor.u32 s19, v0;
	s12 =	sadd.s32 $0x0, s21  }
0x11a: {  	[tilespmem:s12+$0x5030] =	vst.msk vm9, v9  }
0x11b: {  	v9 =	vld [tilespmem:s0+$0xFFFFFFE0];
	_ =	sdelay $0x3  }
0x11c: {  	s22 =	simm.s32 $0x20;
	s19 =	spop (v2sf)  }
0x11d: {  	s12 =	sadd.s32 s12, s19;
	vm10 =	vle.f32 v9, v8;
	v9 =	vor.u32 s22, v0  }
0x11e: {  	[tilespmem:s12+$0x5030] =	vst.msk vm10, v9;
	v9 =	vmpcnt.ones.xlane vm10  }
0x11f: {  	v10 =	vld [tilespmem:s0+$0xFFFFFFF0]  }
0x120: {  	(v2sf) =	vpush v9, $0x0;
	_ =	sdelay $0x3  }
0x121: {  	vm11 =	vle.f32 v10, v8  }
0x122: {  	v9 =	vmpcnt.ones.xlane vm11;
	_ =	sdelay $0x1  }
0x123: {  	(v2sf) =	vpush v9, $0x0;
	_ =	sdelay $0x7  }
0x124: {  	s31 =	simm.s32 $0x30;
	s21 =	spop (v2sf)  }
0x125: {  	v9 =	vor.u32 s31, v0;
	s12 =	sadd.s32 s12, s21  }
0x126: {  	[tilespmem:s12+$0x5030] =	vst.msk vm11, v9  }
0x127: {  	v9 =	vld [tilespmem:s0+$0x0];
	_ =	sdelay $0x3  }
0x128: {  	s22 =	simm.s32 $0x40;
	s31 =	spop (v2sf)  }
0x129: {  	s12 =	sadd.s32 s12, s31;
	vm12 =	vle.f32 v9, v8;
	v9 =	vor.u32 s22, v0  }
0x12a: {  	[tilespmem:s12+$0x5030] =	vst.msk vm12, v9;
	v9 =	vmpcnt.ones.xlane vm12  }
0x12b: {  	v10 =	vld [tilespmem:s0+$0x10]  }
0x12c: {  	(v2sf) =	vpush v9, $0x0;
	_ =	sdelay $0x3  }
0x12d: {  	vm13 =	vle.f32 v10, v8  }
0x12e: {  	v9 =	vmpcnt.ones.xlane vm13;
	_ =	sdelay $0x1  }
0x12f: {  	(v2sf) =	vpush v9, $0x0;
	_ =	sdelay $0x7  }
0x130: {  	s21 =	simm.s32 $0x50;
	s22 =	spop (v2sf)  }
0x131: {  	v9 =	vor.u32 s21, v0;
	s12 =	sadd.s32 s12, s22  }
0x132: {  	[tilespmem:s12+$0x5030] =	vst.msk vm13, v9  }
0x133: {  	v9 =	vld [tilespmem:s0+$0x20];
	_ =	sdelay $0x3  }
0x134: {  	s31 =	simm.s32 $0x60;
	s21 =	spop (v2sf)  }
0x135: {  	s12 =	sadd.s32 s12, s21;
	vm14 =	vle.f32 v9, v8;
	v9 =	vor.u32 s31, v0  }
0x136: {  	[tilespmem:s12+$0x5030] =	vst.msk vm14, v9;
	v10 =	vmpcnt.ones.xlane vm14  }
0x137: {  	v9 =	vld [tilespmem:s0+$0x30]  }
0x138: {  	(v2sf) =	vpush v10, $0x0;
	_ =	sdelay $0x3  }
0x139: {  	vm15 =	vle.f32 v9, v8  }
0x13a: {  	v9 =	vmpcnt.ones.xlane vm15;
	_ =	sdelay $0x1  }
0x13b: {  	(v2sf) =	vpush v9, $0x0;
	_ =	sdelay $0x7  }
0x13c: {  	s22 =	simm.s32 $0x70;
	s31 =	spop (v2sf)  }
0x13d: {  	v9 =	vor.u32 s22, v0;
	s21 =	sadd.s32 s12, s31  }
0x13e: {  	s10 =	simm.s32 $0x40C0;
	[tilespmem:s21+$0x5030] =	vst.msk vm15, v9  }
0x13f: {  	v10 =	vld [tilespmem:s10+$0xFFFFFFC0];
	_ =	sdelay $0x2  }
0x140: {  	s0 =	simm.s32 $0x80  }
0x141: {  	s19 =	simm.s32 $0x100;
	s12 =	simm.s32 $0x8;
	v9 =	vor.u32 s0, v0;
	s22 =	spop (v2sf)  }
.LBB2_8:
0x142: {  	v11 =	vor.u32 s19, v0;
	s12 =	sadd.s32 $0x8, s12;
	vm0 =	vle.f32 v10, v8;
	s21 =	sadd.s32 s21, s22  }
0x143: {  	p0 =	slt.u32 s12, $0xF8;
	[tilespmem:s21+$0x5030] =	vst.msk vm0, v9;
	v10 =	vmpcnt.ones.xlane vm0;
	v9 =	vmov v11  }
0x144: {  	v11 =	vld [tilespmem:s10+$0xFFFFFFD0]  }
0x145: {  	(v2sf) =	vpush v10, $0x0;
	_ =	sdelay $0x3  }
0x146: {  	vm0 =	vle.f32 v11, v8  }
0x147: {  	v10 =	vmpcnt.ones.xlane vm0;
	_ =	sdelay $0x1  }
0x148: {  	(v2sf) =	vpush v10, $0x0;
	_ =	sdelay $0x7  }
0x149: {  	s22 =	sadd.s32 $0x10, s0;
	s31 =	spop (v2sf)  }
0x14a: {  	v10 =	vor.u32 s22, v0;
	s21 =	sadd.s32 s21, s31  }
0x14b: {  	[tilespmem:s21+$0x5030] =	vst.msk vm0, v10  }
0x14c: {  	v10 =	vld [tilespmem:s10+$0xFFFFFFE0];
	_ =	sdelay $0x3  }
0x14d: {  	s22 =	sadd.s32 $0x20, s0;
	s31 =	spop (v2sf)  }
0x14e: {  	s21 =	sadd.s32 s21, s31;
	vm0 =	vle.f32 v10, v8;
	v10 =	vor.u32 s22, v0  }
0x14f: {  	[tilespmem:s21+$0x5030] =	vst.msk vm0, v10;
	v10 =	vmpcnt.ones.xlane vm0  }
0x150: {  	v11 =	vld [tilespmem:s10+$0xFFFFFFF0]  }
0x151: {  	(v2sf) =	vpush v10, $0x0;
	_ =	sdelay $0x3  }
0x152: {  	vm0 =	vle.f32 v11, v8  }
0x153: {  	v10 =	vmpcnt.ones.xlane vm0;
	_ =	sdelay $0x1  }
0x154: {  	(v2sf) =	vpush v10, $0x0;
	_ =	sdelay $0x7  }
0x155: {  	s22 =	sadd.s32 $0x30, s0;
	s31 =	spop (v2sf)  }
0x156: {  	v10 =	vor.u32 s22, v0;
	s21 =	sadd.s32 s21, s31  }
0x157: {  	[tilespmem:s21+$0x5030] =	vst.msk vm0, v10  }
0x158: {  	v10 =	vld [tilespmem:s10+$0x0];
	_ =	sdelay $0x3  }
0x159: {  	s22 =	sadd.s32 $0x40, s0;
	s31 =	spop (v2sf)  }
0x15a: {  	s21 =	sadd.s32 s21, s31;
	vm0 =	vle.f32 v10, v8;
	v10 =	vor.u32 s22, v0  }
0x15b: {  	[tilespmem:s21+$0x5030] =	vst.msk vm0, v10;
	v10 =	vmpcnt.ones.xlane vm0  }
0x15c: {  	v11 =	vld [tilespmem:s10+$0x10]  }
0x15d: {  	(v2sf) =	vpush v10, $0x0;
	_ =	sdelay $0x3  }
0x15e: {  	vm0 =	vle.f32 v11, v8  }
0x15f: {  	v10 =	vmpcnt.ones.xlane vm0;
	_ =	sdelay $0x1  }
0x160: {  	(v2sf) =	vpush v10, $0x0;
	_ =	sdelay $0x7  }
0x161: {  	s22 =	sadd.s32 $0x50, s0;
	s31 =	spop (v2sf)  }
0x162: {  	v10 =	vor.u32 s22, v0;
	s21 =	sadd.s32 s21, s31  }
0x163: {  	[tilespmem:s21+$0x5030] =	vst.msk vm0, v10  }
0x164: {  	v10 =	vld [tilespmem:s10+$0x20];
	_ =	sdelay $0x3  }
0x165: {  	s22 =	sadd.s32 $0x60, s0;
	s31 =	spop (v2sf)  }
0x166: {  	s21 =	sadd.s32 s21, s31;
	vm0 =	vle.f32 v10, v8;
	v10 =	vor.u32 s22, v0  }
0x167: {  	[tilespmem:s21+$0x5030] =	vst.msk vm0, v10;
	v10 =	vmpcnt.ones.xlane vm0  }
0x168: {  	v11 =	vld [tilespmem:s10+$0x30]  }
0x169: {  	(v2sf) =	vpush v10, $0x0;
	_ =	sdelay $0x3  }
0x16a: {  	vm0 =	vle.f32 v11, v8  }
0x16b: {  	v10 =	vmpcnt.ones.xlane vm0;
	_ =	sdelay $0x1  }
0x16c: {  	(v2sf) =	vpush v10, $0x0;
	_ =	sdelay $0x7  }
0x16d: {  	s22 =	sadd.s32 $0x70, s0;
	s0 =	smov.u32 s19;
	s31 =	spop (v2sf)  }
0x16e: {  	v10 =	vor.u32 s22, v0;
	s21 =	sadd.s32 s21, s31  }
0x16f: {  	s10 =	sadd.s32 $0x80, s10;
	[tilespmem:s21+$0x5030] =	vst.msk vm0, v10  }
.Ltmp4:
0x170: {  	v10 =	vld [tilespmem:s10+$0xFFFFFFC0];
	(pc) =	sbr.rel @p0 .LBB2_8-.Ltmp4, $2  }
0x171: {  	_ =	sdelay $0x2  }
0x172: {  	s19 =	sadd.s32 $0x80, s19;
	s22 =	spop (v2sf)  }
0x173: {  	vm0 =	vle.f32 v10, v8;
	s12 =	sadd.s32 s21, s22  }
0x174: {  	[tilespmem:s12+$0x5030] =	vst.msk vm0, v9;
	v48 =	vmpcnt.ones.xlane vm0  }
0x175: {  	v49 =	vld [tilespmem:s10+$0xFFFFFFD0]  }
0x176: {  	(v2sf) =	vpush v48, $0x0;
	_ =	sdelay $0x3  }
0x177: {  	vm9 =	vle.f32 v49, v8  }
0x178: {  	v50 =	vmpcnt.ones.xlane vm9;
	_ =	sdelay $0x1  }
0x179: {  	(v2sf) =	vpush v50, $0x0;
	_ =	sdelay $0x7  }
0x17a: {  	s19 =	sadd.s32 $0x10, s0;
	s31 =	spop (v2sf)  }
0x17b: {  	v51 =	vor.u32 s19, v0;
	s12 =	sadd.s32 s12, s31  }
0x17c: {  	[tilespmem:s12+$0x5030] =	vst.msk vm9, v51  }
0x17d: {  	v9 =	vld [tilespmem:s10+$0xFFFFFFE0];
	_ =	sdelay $0x3  }
0x17e: {  	s22 =	sadd.s32 $0x20, s0;
	s31 =	spop (v2sf)  }
0x17f: {  	v52 =	vor.u32 s22, v0;
	s12 =	sadd.s32 s12, s31;
	vm10 =	vle.f32 v9, v8  }
0x180: {  	[tilespmem:s12+$0x5030] =	vst.msk vm10, v52;
	v53 =	vmpcnt.ones.xlane vm10  }
0x181: {  	v54 =	vld [tilespmem:s10+$0xFFFFFFF0]  }
0x182: {  	(v2sf) =	vpush v53, $0x0;
	_ =	sdelay $0x3  }
0x183: {  	vm11 =	vle.f32 v54, v8  }
0x184: {  	v55 =	vmpcnt.ones.xlane vm11;
	_ =	sdelay $0x1  }
0x185: {  	(v2sf) =	vpush v55, $0x0;
	_ =	sdelay $0x7  }
0x186: {  	s22 =	sadd.s32 $0x30, s0;
	s31 =	spop (v2sf)  }
0x187: {  	v56 =	vor.u32 s22, v0;
	s12 =	sadd.s32 s12, s31  }
0x188: {  	[tilespmem:s12+$0x5030] =	vst.msk vm11, v56  }
0x189: {  	v9 =	vld [tilespmem:s10+$0x0];
	_ =	sdelay $0x3  }
0x18a: {  	s22 =	sadd.s32 $0x40, s0;
	s31 =	spop (v2sf)  }
0x18b: {  	v57 =	vor.u32 s22, v0;
	s12 =	sadd.s32 s12, s31;
	vm12 =	vle.f32 v9, v8  }
0x18c: {  	[tilespmem:s12+$0x5030] =	vst.msk vm12, v57;
	v58 =	vmpcnt.ones.xlane vm12  }
0x18d: {  	v59 =	vld [tilespmem:s10+$0x10]  }
0x18e: {  	(v2sf) =	vpush v58, $0x0;
	_ =	sdelay $0x3  }
0x18f: {  	vm13 =	vle.f32 v59, v8  }
0x190: {  	v60 =	vmpcnt.ones.xlane vm13;
	_ =	sdelay $0x1  }
0x191: {  	(v2sf) =	vpush v60, $0x0;
	_ =	sdelay $0x7  }
0x192: {  	s22 =	sadd.s32 $0x50, s0;
	s31 =	spop (v2sf)  }
0x193: {  	v61 =	vor.u32 s22, v0;
	s12 =	sadd.s32 s12, s31  }
0x194: {  	[tilespmem:s12+$0x5030] =	vst.msk vm13, v61  }
0x195: {  	v9 =	vld [tilespmem:s10+$0x20];
	_ =	sdelay $0x3  }
0x196: {  	s22 =	sadd.s32 $0x60, s0;
	s31 =	spop (v2sf)  }
0x197: {  	v62 =	vor.u32 s22, v0;
	s12 =	sadd.s32 s12, s31;
	vm14 =	vle.f32 v9, v8  }
0x198: {  	[tilespmem:s12+$0x5030] =	vst.msk vm14, v62  }
0x199: {  	v9 =	vld [tilespmem:s10+$0x30];
	_ =	sdelay $0x4  }
0x19a: {  	v63 =	vmpcnt.ones.xlane vm14;
	vm15 =	vle.f32 v9, v8  }
0x19b: {  	v8 =	vmpcnt.ones.xlane vm15  }
0x19c: {  	(v2sf) =	vpush v63, $0x0  }
0x19d: {  	(v2sf) =	vpush v8, $0x0;
	_ =	sdelay $0xd  }
0x19e: {  	s21 =	sadd.s32 $0x70, s0;
	s22 =	spop (v2sf)  }
0x19f: {  	v8 =	vor.u32 s21, v0;
	s10 =	sadd.s32 s12, s22;
	s31 =	spop (v2sf)  }
0x1a0: {  	[tilespmem:s10+$0x5030] =	vst.msk vm15, v8;
	s0 =	sadd.s32 s10, s31  }
0x1a1: {  	[tilespmem:s0+$0x5030] =	vst v4  }
0x1a2: {  	[tilespmem:s0+$0x5040] =	vst v4  }
0x1a3: {  	[tilespmem:s0+$0x5050] =	vst v4;
	p0 =	sgt.s32 s0, $0x80  }
.Ltmp5:
0x1a4: {  	[tilespmem:s0+$0x5060] =	vst v4;
	(pc) =	sbr.rel @p0 .LBB2_11-.Ltmp5, $4  }
0x1a5: {  	[tilespmem:s0+$0x5070] =	vst v4  }
0x1a6: {  	[tilespmem:s0+$0x5080] =	vst v4  }
0x1a7: {  	[tilespmem:s0+$0x5090] =	vst v4  }
0x1a8: {  	[tilespmem:s0+$0x50A0] =	vst v4  }
0x1a9: {  	v8 =	vld [tilespmem:$0x5030]  }
0x1aa: {  	v9 =	vld [tilespmem:$0x5040];
	_ =	sdelay $0x1  }
0x1ab: {  	v10 =	vld [tilespmem:$0x5050]  }
0x1ac: {  	v11 =	vld [tilespmem:$0x5060];
	_ =	sdelay $0x1  }
0x1ad: {  	v15 =	vld [tilespmem:$0x5070]  }
0x1ae: {  	v16 =	vld [tilespmem:$0x5080]  }
0x1af: {  	v12 =	vld.idx.msk [tilespmem:v8+s15+$0x0], $0xffff  }
0x1b0: {  	v13 =	vld.idx.msk [tilespmem:v9+s15+$0x0], $0xffff  }
0x1b1: {  	v18 =	vld [tilespmem:$0x5090]  }
0x1b2: {  	v14 =	vld.idx.msk [tilespmem:v10+s15+$0x0], $0xffff  }
0x1b3: {  	v17 =	vld.idx.msk [tilespmem:v11+s15+$0x0], $0xffff  }
0x1b4: {  	(xrf1) =	vsort.ascd.msk.f32 $0xffff, v12, v8;
	v8 =	vld [tilespmem:$0x50A0]  }
0x1b5: {  	(xrf1) =	vsort.ascd.msk.f32 $0xffff, v13, v9;
	_ =	sdelay $0x1  }
0x1b6: {  	v51 =	vld.idx.msk [tilespmem:v15+s15+$0x0], $0xffff;
	(xrf1) =	vsort.ascd.msk.f32 $0xffff, v14, v10  }
0x1b7: {  	v52 =	vld.idx.msk [tilespmem:v16+s15+$0x0], $0xffff;
	(xrf1) =	vsort.ascd.msk.f32 $0xffff, v17, v11;
	_ =	sdelay $0x2  }
0x1b8: {  	v53 =	vld.idx.msk [tilespmem:v18+s15+$0x0], $0xffff  }
0x1b9: {  	(xrf1) =	vsort.ascd.msk.f32 $0xffff, v51, v15;
	v54 =	vld.idx.msk [tilespmem:v8+s15+$0x0], $0xffff  }
0x1ba: {  	(xrf1) =	vsort.ascd.msk.f32 $0xffff, v52, v16;
	_ =	sdelay $0x2  }
0x1bb: {  	(xrf1) =	vsort.ascd.msk.f32 $0xffff, v53, v18  }
0x1bc: {  	(xrf1) =	vsort.ascd.msk.f32 $0xffff, v54, v8  }
0x1bd: {  	v8, v55, _ =	vpop (xrf1)  }
0x1be: {  	v56, v57, _ =	vpop (xrf1)  }
0x1bf: {  	v10 =	vperm.xlane v56, v5;
	v11 =	vperm.xlane v57, v5  }
0x1c0: {  	v59, v58, _ =	vpop (xrf1)  }
0x1c1: {  	v60, v61, _ =	vpop (xrf1);
	vm0 =	vlt.f32 v8, v10;
	vm1 =	veq.f32 v8, v10;
	vm2 =	vlt.s32 v55, v11  }
0x1c2: {  	v14 =	vperm.xlane v60, v5;
	v15 =	vperm.xlane v61, v5;
	vm1 =	vmand vm1, vm2  }
0x1c3: {  	vm0 =	vmor vm0, vm1  }
0x1c4: {  	vm13 =	veq.f32 v59, v14;
	vm14 =	vlt.s32 v58, v15;
	vm3 =	vlt.f32 v59, v14  }
0x1c5: {  	v21, v19, _ =	vpop (xrf1);
	v62 =	vsel vm0, v8, v10;
	v63 =	vsel vm0, v55, v11;
	vm1 =	vmand vm13, vm14  }
0x1c6: {  	v22, v23, _ =	vpop (xrf1);
	v8 =	vsel vm0, v10, v8;
	v9 =	vsel vm0, v11, v55;
	(xrf1) =	vsort.ascd.msk.f32 $0xffff, v62, v63;
	vm15 =	vmor vm3, vm1  }
0x1c7: {  	v10 =	vperm.xlane v22, v5;
	(xrf1) =	vsort.ascd.msk.f32 $0xffff, v8, v9;
	v8 =	vsel vm15, v59, v14  }
0x1c8: {  	v11 =	vperm.xlane v23, v5;
	v24 =	vsel vm15, v58, v15  }
0x1c9: {  	v16, v17, _ =	vpop (xrf1);
	v12 =	vsel vm15, v14, v59;
	v13 =	vsel vm15, v15, v58;
	vm4 =	vlt.f32 v21, v10  }
0x1ca: {  	vm5 =	veq.f32 v21, v10;
	vm6 =	vlt.s32 v19, v11;
	(xrf1) =	vsort.ascd.msk.f32 $0xffff, v8, v24;
	v8, v9, _ =	vpop (xrf1)  }
0x1cb: {  	vm1 =	vmand vm5, vm6;
	(xrf1) =	vsort.ascd.msk.f32 $0xffff, v12, v13;
	v8 =	vperm.xlane v8, v5;
	v9 =	vperm.xlane v9, v5  }
0x1cc: {  	vm0 =	vmor vm4, vm1  }
0x1cd: {  	v25 =	vsel vm0, v21, v10;
	vm7 =	veq.f32 v16, v8;
	vm8 =	vlt.s32 v17, v9  }
0x1ce: {  	v26 =	vsel vm0, v19, v11;
	vm9 =	vlt.f32 v16, v8;
	vm1 =	vmand vm7, vm8  }
0x1cf: {  	v10 =	vsel vm0, v10, v21;
	v11 =	vsel vm0, v11, v19;
	(xrf1) =	vsort.ascd.msk.f32 $0xffff, v25, v26;
	vm10 =	vmor vm9, vm1  }
0x1d0: {  	(xrf1) =	vsort.ascd.msk.f32 $0xffff, v10, v11;
	v27 =	vsel vm10, v16, v8;
	v28 =	vsel vm10, v17, v9  }
0x1d1: {  	v8 =	vsel vm10, v8, v16;
	v9 =	vsel vm10, v9, v17;
	(xrf1) =	vsort.ascd.msk.f32 $0xffff, v27, v28  }
0x1d2: {  	(xrf1) =	vsort.ascd.msk.f32 $0xffff, v8, v9;
	_ =	sdelay $0x3  }
0x1d3: {  	v8, v9, _ =	vpop (xrf1)  }
0x1d4: {  	v10, v11, _ =	vpop (xrf1)  }
0x1d5: {  	v12, v13, _ =	vpop (xrf1)  }
0x1d6: {  	v29, v30, _ =	vpop (xrf1);
	v12 =	vperm.xlane v12, v5;
	v13 =	vperm.xlane v13, v5  }
0x1d7: {  	v14 =	vperm.xlane v29, v5;
	v15 =	vperm.xlane v30, v5  }
0x1d8: {  	vm14 =	veq.f32 v10, v12;
	vm4 =	vlt.s32 v11, v13  }
0x1d9: {  	vm15 =	vlt.f32 v10, v12;
	vm12 =	veq.f32 v8, v14;
	vm13 =	vlt.s32 v9, v15  }
0x1da: {  	v31, v32, _ =	vpop (xrf1);
	vm11 =	vlt.f32 v8, v14;
	vm3 =	vmand vm14, vm4;
	vm1 =	vmand vm12, vm13  }
0x1db: {  	v33, v34, _ =	vpop (xrf1);
	vm5 =	vmor vm15, vm3;
	vm0 =	vmor vm11, vm1  }
0x1dc: {  	v10 =	vsel vm5, v10, v12;
	v11 =	vsel vm5, v11, v13;
	v8 =	vsel vm0, v8, v14;
	v20, v21, _ =	vpop (xrf1)  }
0x1dd: {  	v9 =	vsel vm0, v9, v15;
	vm6 =	veq.f32 v8, v10;
	v22, v23, _ =	vpop (xrf1);
	v37 =	vperm.xlane v20, v5  }
0x1de: {  	vm1 =	vlt.s32 v9, v11;
	v35 =	vperm.xlane v22, v5;
	v36 =	vperm.xlane v23, v5  }
0x1df: {  	vm12 =	vlt.f32 v8, v10;
	vm0 =	vmand vm6, vm1;
	v38 =	vperm.xlane v21, v5  }
0x1e0: {  	vm10 =	veq.f32 v33, v37;
	vm7 =	veq.f32 v31, v35;
	vm8 =	vlt.s32 v32, v36  }
0x1e1: {  	vm11 =	vlt.s32 v34, v38;
	vm9 =	vlt.f32 v31, v35;
	vm2 =	vmand vm7, vm8  }
0x1e2: {  	vm13 =	vlt.f32 v33, v37;
	vm1 =	vmor vm9, vm2;
	vm2 =	vmand vm10, vm11  }
0x1e3: {  	vm0 =	vmor vm12, vm0;
	v12 =	vsel vm1, v31, v35;
	vm2 =	vmor vm13, vm2  }
0x1e4: {  	v13 =	vsel vm1, v32, v36;
	v14 =	vsel vm2, v33, v37;
	v15 =	vsel vm2, v34, v38  }
0x1e5: {  	v39 =	vsel vm0, v8, v10;
	vm14 =	veq.f32 v12, v14;
	vm2 =	vlt.s32 v13, v15  }
0x1e6: {  	v40 =	vsel vm0, v9, v11;
	vm15 =	vlt.f32 v12, v14;
	vm1 =	vmand vm14, vm2  }
0x1e7: {  	v8 =	vsel vm0, v10, v8;
	v9 =	vsel vm0, v11, v9;
	(xrf1) =	vsort.ascd.msk.f32 $0xffff, v39, v40;
	vm6 =	vmor vm15, vm1  }
0x1e8: {  	(xrf1) =	vsort.ascd.msk.f32 $0xffff, v8, v9;
	v8 =	vsel vm6, v12, v14;
	v41 =	vsel vm6, v13, v15  }
0x1e9: {  	v42 =	vsel vm6, v14, v12;
	v43 =	vsel vm6, v15, v13;
	(xrf1) =	vsort.ascd.msk.f32 $0xffff, v8, v41  }
0x1ea: {  	(xrf1) =	vsort.ascd.msk.f32 $0xffff, v42, v43;
	_ =	sdelay $0xa  }
0x1eb: {  	v8, v9, _ =	vpop (xrf1)  }
0x1ec: {  	v10, v11, _ =	vpop (xrf1)  }
0x1ed: {  	v44, v45, _ =	vpop (xrf1)  }
0x1ee: {  	v46, v47, _ =	vpop (xrf1);
	v12 =	vperm.xlane v44, v5  }
0x1ef: {  	v14 =	vperm.xlane v46, v5;
	v15 =	vperm.xlane v47, v5  }
0x1f0: {  	v13 =	vperm.xlane v45, v5  }
0x1f1: {  	vm10 =	veq.f32 v10, v12;
	vm8 =	veq.f32 v8, v14;
	vm9 =	vlt.s32 v9, v15  }
0x1f2: {  	vm11 =	vlt.s32 v11, v13;
	vm7 =	vlt.f32 v8, v14;
	vm1 =	vmand vm8, vm9  }
0x1f3: {  	vm13 =	vlt.f32 v10, v12;
	vm12 =	vmand vm10, vm11;
	vm0 =	vmor vm7, vm1  }
0x1f4: {  	vm1 =	vmor vm13, vm12;
	v8 =	vsel vm0, v8, v14  }
0x1f5: {  	v9 =	vsel vm0, v9, v15;
	v10 =	vsel vm1, v10, v12;
	v11 =	vsel vm1, v11, v13  }
0x1f6: {  	vm14 =	veq.f32 v8, v10;
	vm1 =	vlt.s32 v9, v11  }
0x1f7: {  	vm15 =	vlt.f32 v8, v10;
	vm0 =	vmand vm14, vm1  }
0x1f8: {  	vm0 =	vmor vm15, vm0  }
0x1f9: {  	v12 =	vsel vm0, v8, v10;
	v13 =	vsel vm0, v9, v11  }
0x1fa: {  	(xrf1) =	vsort.ascd.msk.f32 $0xffff, v12, v13  }
0x1fb: {  	v8 =	vsel vm0, v10, v8;
	v9 =	vsel vm0, v11, v9  }
0x1fc: {  	(xrf1) =	vsort.ascd.msk.f32 $0xffff, v8, v9;
	_ =	sdelay $0xb  }
0x1fd: {  	v8, v9, _ =	vpop (xrf1)  }
0x1fe: {  	[tilespmem:$0x5010] =	vst v8  }
0x1ff: {  	v8, v48, _ =	vpop (xrf1);
	[tilespmem:$0x5030] =	vst v9  }
0x200: {  	[tilespmem:$0x5020] =	vst v8  }
0x201: {  	[tilespmem:$0x5040] =	vst v48  }
0x202: {  	v8 =	vld.idx.msk [tilespmem:v3+s16+$0x0], $0xffff  }
0x203: {  	v9 =	vld.idx.msk [tilespmem:v3+s17+$0x0], $0xffff  }
0x204: {  	v10 =	vld.idx.msk [tilespmem:v6+s16+$0x0], $0xffff  }
0x205: {  	v49 =	vld.idx.msk [tilespmem:v6+s17+$0x0], $0xffff;
	_ =	sdelay $0x4  }
0x206: {  	vm4 =	veq.f32 v8, v10;
	vm5 =	vlt.s32 v9, v49  }
0x207: {  	vm6 =	vlt.f32 v8, v10;
	vm0 =	vmand vm4, vm5  }
0x208: {  	vm0 =	vmor vm6, vm0  }
0x209: {  	v50 =	vsel vm0, v8, v10  }
0x20a: {  	v51 =	vsel vm0, v9, v49;
	[tilespmem:v3+s16+$0x0] =	vst.idx.msk $0xffff, v50  }
0x20b: {  	v8 =	vsel vm0, v10, v8;
	[tilespmem:v3+s17+$0x0] =	vst.idx.msk $0xffff, v51  }
0x20c: {  	v9 =	vsel vm0, v49, v9;
	[tilespmem:v6+s16+$0x0] =	vst.idx.msk $0xffff, v8  }
0x20d: {  	[tilespmem:v6+s17+$0x0] =	vst.idx.msk $0xffff, v9  }
0x20e: {  	v8 =	vld.idx.msk [tilespmem:v6+s16+$0x0], $0xffff  }
0x20f: {  	v9 =	vld.idx.msk [tilespmem:v6+s17+$0x0], $0xffff  }
0x210: {  	v52 =	vld.idx.msk [tilespmem:v7+s16+$0x0], $0xffff  }
0x211: {  	v53 =	vld.idx.msk [tilespmem:v7+s17+$0x0], $0xffff;
	_ =	sdelay $0x4  }
0x212: {  	vm7 =	veq.f32 v8, v52;
	vm8 =	vlt.s32 v9, v53  }
0x213: {  	vm9 =	vlt.f32 v8, v52;
	vm0 =	vmand vm7, vm8  }
0x214: {  	vm0 =	vmor vm9, vm0  }
0x215: {  	v54 =	vsel vm0, v8, v52  }
0x216: {  	v55 =	vsel vm0, v9, v53;
	[tilespmem:v6+s16+$0x0] =	vst.idx.msk $0xffff, v54  }
0x217: {  	v8 =	vsel vm0, v52, v8;
	[tilespmem:v6+s17+$0x0] =	vst.idx.msk $0xffff, v55  }
0x218: {  	v9 =	vsel vm0, v53, v9;
	[tilespmem:v7+s16+$0x0] =	vst.idx.msk $0xffff, v8  }
0x219: {  	[tilespmem:v7+s17+$0x0] =	vst.idx.msk $0xffff, v9  }
0x21a: {  	v8 =	vld.idx.msk [tilespmem:v3+s16+$0x0], $0xffff  }
0x21b: {  	v9 =	vld.idx.msk [tilespmem:v3+s17+$0x0], $0xffff  }
0x21c: {  	v56 =	vld.idx.msk [tilespmem:v6+s16+$0x0], $0xffff  }
0x21d: {  	v57 =	vld.idx.msk [tilespmem:v6+s17+$0x0], $0xffff;
	_ =	sdelay $0x4  }
0x21e: {  	vm10 =	veq.f32 v8, v56;
	vm11 =	vlt.s32 v9, v57  }
0x21f: {  	vm12 =	vlt.f32 v8, v56;
	vm0 =	vmand vm10, vm11  }
0x220: {  	vm0 =	vmor vm12, vm0  }
0x221: {  	v58 =	vsel vm0, v8, v56  }
0x222: {  	v59 =	vsel vm0, v9, v57;
	[tilespmem:v3+s16+$0x0] =	vst.idx.msk $0xffff, v58  }
0x223: {  	v8 =	vsel vm0, v56, v8;
	[tilespmem:v3+s17+$0x0] =	vst.idx.msk $0xffff, v59  }
0x224: {  	v9 =	vsel vm0, v57, v9;
	[tilespmem:v6+s16+$0x0] =	vst.idx.msk $0xffff, v8  }
0x225: {  	[tilespmem:v6+s17+$0x0] =	vst.idx.msk $0xffff, v9  }
0x226: {  	v8 =	vld.idx.msk [tilespmem:v6+s16+$0x0], $0xffff  }
0x227: {  	v9 =	vld.idx.msk [tilespmem:v6+s17+$0x0], $0xffff  }
0x228: {  	v60 =	vld.idx.msk [tilespmem:v7+s16+$0x0], $0xffff  }
0x229: {  	v61 =	vld.idx.msk [tilespmem:v7+s17+$0x0], $0xffff;
	_ =	sdelay $0x4  }
0x22a: {  	vm13 =	veq.f32 v8, v60;
	vm14 =	vlt.s32 v9, v61  }
0x22b: {  	vm15 =	vlt.f32 v8, v60;
	vm0 =	vmand vm13, vm14  }
0x22c: {  	vm0 =	vmor vm15, vm0  }
.Ltmp6:
0x22d: {  	v62 =	vsel vm0, v8, v60;
	(pc) =	sbr.rel .LBB2_27-.Ltmp6, $4  }
0x22e: {  	v63 =	vsel vm0, v9, v61;
	[tilespmem:v6+s16+$0x0] =	vst.idx.msk $0xffff, v62  }
0x22f: {  	v8 =	vsel vm0, v60, v8;
	[tilespmem:v6+s17+$0x0] =	vst.idx.msk $0xffff, v63  }
0x230: {  	v9 =	vsel vm0, v61, v9;
	[tilespmem:v7+s16+$0x0] =	vst.idx.msk $0xffff, v8  }
0x231: {  	[tilespmem:v7+s17+$0x0] =	vst.idx.msk $0xffff, v9  }
.LBB2_11:
0x232: {  	s0 =	sadd.s32 $0xF, s0  }
0x233: {  	s10 =	sand.u32 $0xF, s0  }
0x234: {  	s31 =	sshra.s32 s0, $0x1F;
	p1 =	slt.s32 s0, $0x0;
	p0 =	sne.s32 s10, $0x0  }
.Ltmp7:
0x235: {  	s10 =	sshrl.u32 s31, $0x1C;
	p0 =	por !p1, !p0;
	(pc) =	sbr.rel .LBB2_12-.Ltmp7, $4  }
0x236: {  	s0 =	sadd.s32 s10, s0;
	s10 =	simm.s32 $0x1;
	p0 =	por !p0, !p0  }
0x237: {  	s0 =	sshra.s32 s0, $0x4;
	s10 =	simm.s32 @!p0 $0x0  }
0x238: {  	s0 =	ssub.s32 s0, s10  }
0x239: {  	v8 =	vimm.s32 $0x0;
	v9 =	vimm.s32 $0x0;
	s10 =	simm.s32 $0x0;
	p0 =	slt.s32 s0, $0x1  }
.LBB2_24:
0x23a: {  	_ =	sdelay $0x3  }
0x23b: {  	v13 =	vld.idx.msk [tilespmem:v12+s15+$0x0], $0xffff;
	_ =	sdelay $0x4  }
0x23c: {  	vm1 =	veq.s32 v12, v10;
	vm0 =	veq.f32 v13, v11  }
0x23d: {  	vm0 =	vmand vm1, vm0  }
0x23e: {  	v11 =	vsel vm0, $0x1000, v12  }
0x23f: {  	[tilespmem:s12+$0x0] =	vst v11  }
.LBB2_25:
0x240: {  	v11 =	vmov s10;
	s12 =	sadd.s32 $0xFFFFFFF0, s10;
	s10 =	sadd.s32 $0x1, s10  }
0x241: {  	p1 =	sne.s32 s10, $0x20  }
.Ltmp8:
0x242: {  	_ = 	snop;
	(pc) =	sbr.rel @!p1 .LBB2_26-.Ltmp8, $4  }
0x243: {  	_ = 	snop  }
0x244: {  	v12 =	vmov s12  }
0x245: {  	vm0 =	veq.s32 v11, v0;
	vm1 =	veq.s32 v12, v0  }
0x246: {  	v9 =	vsel vm0, v10, v9;
	v8 =	vsel vm1, v10, v8  }
.LBB2_12:
.Ltmp9:
0x247: {  	(pc) =	sbr.rel @p0 .LBB2_13-.Ltmp9, $2  }
0x248: {  	_ =	sdelay $0x2  }
0x249: {  	v10 =	vimm.f32 $+Inf  }
0x24a: {  	p2 =	sne.s32 s0, $0x1  }
.Ltmp10:
0x24b: {  	_ = 	snop;
	(pc) =	sbr.rel @!p2 .LBB2_15-.Ltmp10, $3  }
0x24c: {  	_ =	sdelay $0x1  }
0x24d: {  	s12 =	simm.s32 $0x5030  }
0x24e: {  	v12 =	vimm.s32 $0x7FFFFFFF;
	s19 =	sadd.s32 $0xFFFFFFFF, s0;
	p1 =	por $0x0, $0x0;
	v11 =	vld [tilespmem:s12+$0x0]  }
0x24f: {  	_ =	sdelay $0x2  }
0x250: {  	p2 =	sne.s32 s19, $0x1  }
.Ltmp11:
0x251: {  	_ = 	snop;
	(pc) =	sbr.rel @!p2 .LBB2_17-.Ltmp11, $4  }
0x252: {  	_ = 	snop  }
0x253: {  	s12 =	simm.s32 $0x5040  }
0x254: {  	v16 =	vld [tilespmem:s12+$0x0]  }
0x255: {  	s19 =	sadd.s32 $0xFFFFFFFF, s19;
	p1 =	por $0x1, $0x1;
	v14 =	vimm.f32 $+Inf;
	v15 =	vimm.s32 $0x7FFFFFFF;
	v13 =	vld.idx.msk [tilespmem:v11+s15+$0x0], $0xffff  }
.LBB2_18:
0x256: {  	p2 =	sne.s32 s19, $0x1;
	_ =	sdelay $0x3  }
.Ltmp12:
0x257: {  	vm1 =	vlt.s32 v11, v15;
	vm0 =	veq.f32 v13, v14;
	(pc) =	sbr.rel @p2 .LBB2_18-.Ltmp12, $4  }
0x258: {  	vm2 =	vlt.f32 v13, v14;
	vm0 =	vmand vm1, vm0  }
0x259: {  	vm0 =	vmor vm2, vm0  }
0x25a: {  	s12 =	sadd.s32 $0x10, s12;
	v14 =	vsel vm0, v13, v14;
	v15 =	vsel vm0, v11, v15;
	v11 =	vmov v16;
	v13 =	vld.idx.msk [tilespmem:v16+s15+$0x0], $0xffff  }
0x25b: {  	s19 =	sadd.s32 $0xFFFFFFFF, s19;
	v16 =	vld [tilespmem:s12+$0x0]  }
0x25c: {  	_ =	sdelay $0x3  }
0x25d: {  	v17 =	vmov v11;
	v11 =	vmov v16  }
.LBB2_20:
0x25e: {  	_ =	sdelay $0x3  }
0x25f: {  	vm0 =	veq.f32 @p1 v13, v14;
	vm1 =	vlt.s32 @p1 v17, v15;
	v16 =	vld.idx.msk [tilespmem:v11+s15+$0x0], $0xffff  }
0x260: {  	vm0 =	vmand @p1 vm1, vm0;
	vm1 =	vlt.f32 @p1 v13, v14  }
0x261: {  	vm0 =	vmor @p1 vm1, vm0  }
0x262: {  	v13 =	vsel @p1 vm0, v13, v14;
	v14 =	vsel @p1 vm0, v17, v15  }
0x263: {  	v10 =	vpsel p1, v13, v10;
	v12 =	vpsel p1, v14, v12  }
.Ltmp13:
0x264: {  	vm14 =	veq.f32 v16, v10;
	vm15 =	vlt.s32 v11, v12;
	(pc) =	sbr.rel .LBB2_21-.Ltmp13, $4  }
0x265: {  	vm2 =	vlt.f32 v16, v10;
	vm0 =	vmand vm15, vm14  }
0x266: {  	vm0 =	vmor vm2, vm0  }
0x267: {  	v11 =	vsel vm0, v11, v12  }
0x268: {  	v10 =	vsel vm0, v16, v10;
	v12 =	vxor.u32 $0x80000000, v11  }
.LBB2_13:
0x269: {  	v12 =	vimm.s32 $0xFFFFFFFF  }
.LBB2_21:
0x26a: {  	(xrf0) =	vmin.scan.msk.f32 $0xffff, v10;
	_ =	sdelay $0x5  }
0x26b: {  	v11, _, _ =	vpop (xrf0)  }
0x26c: {  	v11 =	vbroadcast v11, $0xF;
	_ =	sdelay $0x1  }
0x26d: {  	vm0 =	veq.f32 v10, v11  }
0x26e: {  	v10 =	vnsel vm0, $0xFFFFFFFF, v12  }
0x26f: {  	(xrf0) =	vmin.scan.msk.u32 $0xffff, v10;
	_ =	sdelay $0x5  }
0x270: {  	v10, _, _ =	vpop (xrf0)  }
0x271: {  	(v2sf) =	vpush v10, $0xF;
	_ =	sdelay $0xc  }
.Ltmp14:
0x272: {  	_ = 	snop;
	(pc) =	sbr.rel @p0 .LBB2_25-.Ltmp14, $4  }
0x273: {  	_ = 	snop  }
0x274: {  	s12 =	spop (v2sf)  }
0x275: {  	s12 =	sxor.u32 $0x80000000, s12  }
0x276: {  	v10 =	vmov s12;
	s12 =	simm.s32 $0x5030  }
0x277: {  	p1 =	sne.s32 s0, $0x1  }
.Ltmp15:
0x278: {  	_ = 	snop;
	(pc) =	sbr.rel @!p1 .LBB2_24-.Ltmp15, $2  }
0x279: {  	v12 =	vld [tilespmem:s12+$0x0];
	_ =	sdelay $0x2  }
0x27a: {  	s19 =	sadd.s32 $0xFFFFFFFF, s0  }
.LBB2_23:
0x27b: {  	p1 =	sne.s32 s19, $0x1;
	_ =	sdelay $0x6  }
0x27c: {  	v13 =	vld.idx.msk [tilespmem:v12+s15+$0x0], $0xffff;
	_ =	sdelay $0x5  }
.Ltmp16:
0x27d: {  	vm1 =	veq.s32 v12, v10;
	vm0 =	veq.f32 v13, v11;
	(pc) =	sbr.rel @p1 .LBB2_23-.Ltmp16, $4  }
0x27e: {  	vm0 =	vmand vm1, vm0  }
0x27f: {  	v12 =	vsel vm0, $0x1000, v12  }
0x280: {  	[tilespmem:s12+$0x0] =	vst v12;
	s12 =	sadd.s32 $0x10, s12  }
0x281: {  	s19 =	sadd.s32 $0xFFFFFFFF, s19;
	v12 =	vld [tilespmem:s12+$0x0]  }
.Ltmp17:
0x282: {  	_ = 	snop;
	(pc) =	sbr.rel .LBB2_24-.Ltmp17, $1  }
0x283: {  	_ =	sdelay $0x3  }
.LBB2_15:
.Ltmp18:
0x284: {  	(pc) =	sbr.rel .LBB2_20-.Ltmp18, $2  }
0x285: {  	_ =	sdelay $0x2  }
0x286: {  	v14 =	vimm.f32 $+Inf;
	v15 =	vimm.s32 $0x7FFFFFFF  }
.LBB2_17:
.Ltmp19:
0x287: {  	(pc) =	sbr.rel .LBB2_20-.Ltmp19, $2  }
0x288: {  	_ =	sdelay $0x2  }
0x289: {  	v17 =	vmovc v11;
	v14 =	vimm.f32 $+Inf;
	v15 =	vimm.s32 $0x7FFFFFFF;
	v11 =	vmov v16  }
.LBB2_28:
0x28a: {  	s0 =	sadd.s32 s8, s5  }
0x28b: {  	v8 =	vand.u32 $0x3, v0;
	s0 =	sshrl.u32 s0, $0x1  }
0x28c: {  	v8 =	vor.u32 s0, v8  }
0x28d: {  	s22 =	simm.s32 $0x60C0;
	[tilespmem:$0x61C0] =	vst v8  }
0x28e: {  	[tilespmem:s20], [sflag:$0x1] =	stream.indirect.gather [hbm4b:s2+s18], $0x80, s22, s18, $0xb8;
	[tilespmem:$0x16AD0] =	vst v63  }
0x28f: {  	s31 =	simm.s32 $0x6140;
	s6 =	simm.s32 $0xA2D0;
	p0 =	seq.s32 s3, $0x0  }
0x290: {  	[tilespmem:s6], [sflag:$0x1] =	stream.indirect.gather [hbm4b:s2+s18], $0x80, s31, s18, $0xb8;
	[tilespmem:$0x16AD0] =	vst v63  }
0x291: {  	s0 =	simm.s32 @!p0 $0x2  }
0x292: {  	[tilespmem:s25], [sflag:$0x1] =	stream.indirect.gather [hbm4b:s2+s23], $0x80, s24, s23, $0xb8;
	[tilespmem:$0x16AD0] =	vst v63  }
0x293: {  	_ =	swait.ge @!p0 [sflag:s0], $0x8000  }
0x294: {  	[sflag:s0] =	ssyncset.done @!p0 $0x0  }
0x295: {  	[sflag:s0] =	ssyncadd.s32 @!p0 $0xFFFF8000  }
0x296: {  	_ =	swait.ge [sflag:s26], $0x4000  }
0x297: {  	[sflag:s26] =	ssyncset.done $0x0  }
0x298: {  	[sflag:s26] =	ssyncadd.s32 $0xFFFFC000  }
0x299: {  	_ =	swait.ge [sflag:s26], $0x4000  }
0x29a: {  	[sflag:s26] =	ssyncset.done $0x0  }
0x29b: {  	[sflag:s26] =	ssyncadd.s32 $0xFFFFC000  }
0x29c: {  	_ =	swait.ge [sflag:s26], $0x800  }
0x29d: {  	s7 =	simm.s32 $0x0;
	[sflag:s26] =	ssyncset.done $0x0  }
0x29e: {  	s6 =	simm.s32 $0x12AD0;
	s0 =	simm.s32 $0x0;
	[sflag:s26] =	ssyncadd.s32 $0xFFFFF800  }
.LBB2_29:
0x29f: {  	s10 =	sshll.u32 s7, $0x5  }
0x2a0: {  	s12 =	sand.u32 $0x3FFFFFE0, s10  }
0x2a1: {  	v8 =	vld [tilespmem:s12+$0x61D0]  }
0x2a2: {  	v11 =	vmul.u32 $0x80, v0;
	s21 =	sshll.u32 s7, $0x6;
	v9 =	vld [tilespmem:s12+$0x61E0]  }
0x2a3: {  	v10 =	vmov s10;
	s10 =	sand.u32 $0x40, s21  }
0x2a4: {  	v16 =	vmov s0;
	v12 =	vshll.u32 v10, $0x7;
	v13 =	vor.u32 $0x800, v11;
	s22 =	sadd.s32 $0x0, s10  }
0x2a5: {  	s12 =	sand.u32 $0xFFFFFF80, s21;
	v11 =	vor.u32 v11, v12;
	v12 =	vor.u32 v13, v12;
	v13 =	vmov s22  }
0x2a6: {  	v10 =	vmov s12;
	v13 =	vand.u32 $0x7F, v13;
	v8 =	vshll.u32 v8, $0x6  }
0x2a7: {  	v13 =	vor.u32 v10, v13;
	v9 =	vshll.u32 v9, $0x6;
	v14 =	vadd.s32 s0, v8  }
0x2a8: {  	v13 =	vbroadcast v13, $0x0;
	v15 =	vadd.s32 s0, v9;
	v14 =	vand.u32 $0x78, v14  }
0x2a9: {  	v16 =	vand.u32 $0x7, v16;
	v15 =	vand.u32 $0x78, v15;
	v14 =	vor.u32 v11, v14  }
0x2aa: {  	v15 =	vor.u32 v12, v15;
	v14 =	vor.u32 v16, v14  }
0x2ab: {  	v15 =	vor.u32 v16, v15;
	_ =	sdelay $0x2  }
0x2ac: {  	v18 =	vld.idx.msk [tilespmem:v13+s25+$0x0], $0xffff  }
0x2ad: {  	s19 =	simm.s32 $0x1;
	v16 =	vld.idx.msk [tilespmem:v14+s20+$0x0], $0xffff  }
0x2ae: {  	v17 =	vmov s19;
	s31 =	sadd.s32 $0x1, s10;
	v19 =	vld.idx.msk [tilespmem:v15+s20+$0x0], $0xffff  }
0x2af: {  	v20 =	vand.u32 $0x7, v17;
	v13 =	vmov s31;
	v14 =	vadd.s32 s19, v8  }
0x2b0: {  	v13 =	vand.u32 $0x7F, v13;
	v15 =	vadd.s32 s19, v9;
	v14 =	vand.u32 $0x78, v14  }
0x2b1: {  	v13 =	vor.u32 v10, v13;
	v15 =	vand.u32 $0x78, v15;
	v14 =	vor.u32 v11, v14  }
0x2b2: {  	v13 =	vbroadcast v13, $0x0;
	v15 =	vor.u32 v12, v15;
	v14 =	vor.u32 v20, v14;
	[tilespmem:s6+$0x0] =	vst v16  }
0x2b3: {  	s21 =	smov.u32 s6;
	s12 =	smov.u32 s6;
	s19 =	simm.s32 $0x2;
	v15 =	vor.u32 v20, v15;
	v17 =	vsub.f32 v16, v18;
	v16 =	vsub.f32 v19, v18;
	[tilespmem:s6+$0x10] =	vst v19  }
.LBB2_30:
0x2b4: {  	p0 =	sne.s32 s19, $0x3F  }
0x2b5: {  	[tilespmem:s21+$0xFFFFC000] =	vst v17;
	s12 =	sadd.s32 $0x100, s12;
	s22 =	smov.u32 s19;
	s19 =	sadd.s32 $0x1, s19  }
0x2b6: {  	[tilespmem:s21+$0xFFFFC010] =	vst v16;
	s21 =	smov.u32 s12  }
0x2b7: {  	v16 =	vld.idx.msk [tilespmem:v14+s20+$0x0], $0xffff  }
0x2b8: {  	v18 =	vld.idx.msk [tilespmem:v13+s25+$0x0], $0xffff  }
0x2b9: {  	s31 =	sadd.s32 s10, s22;
	v19 =	vld.idx.msk [tilespmem:v15+s20+$0x0], $0xffff  }
0x2ba: {  	v14 =	vadd.s32 s22, v8;
	v13 =	vmov s31;
	v15 =	vadd.s32 s22, v9  }
.Ltmp20:
0x2bb: {  	v17 =	vmov s22;
	v14 =	vand.u32 $0x78, v14;
	v13 =	vand.u32 $0x7F, v13;
	(pc) =	sbr.rel @p0 .LBB2_30-.Ltmp20, $4  }
0x2bc: {  	v20 =	vand.u32 $0x7, v17;
	v14 =	vor.u32 v11, v14;
	v13 =	vor.u32 v10, v13  }
0x2bd: {  	v14 =	vor.u32 v20, v14;
	v15 =	vand.u32 $0x78, v15;
	v13 =	vbroadcast v13, $0x0;
	[tilespmem:s12+$0x0] =	vst v16  }
0x2be: {  	v15 =	vor.u32 v12, v15;
	v17 =	vsub.f32 v16, v18  }
0x2bf: {  	v15 =	vor.u32 v20, v15;
	v16 =	vsub.f32 v19, v18;
	[tilespmem:s12+$0x10] =	vst v19  }
0x2c0: {  	_ =	sdelay $0x1  }
0x2c1: {  	[tilespmem:s21+$0xFFFFC000] =	vst v17  }
0x2c2: {  	[tilespmem:s21+$0xFFFFC010] =	vst v16  }
0x2c3: {  	v8 =	vld.idx.msk [tilespmem:v14+s20+$0x0], $0xffff  }
0x2c4: {  	v9 =	vld.idx.msk [tilespmem:v13+s25+$0x0], $0xffff  }
0x2c5: {  	v10 =	vld.idx.msk [tilespmem:v15+s20+$0x0], $0xffff  }
0x2c6: {  	s7 =	sadd.s32 $0x1, s7  }
0x2c7: {  	p0 =	sne.s32 s7, $0x8  }
.Ltmp21:
0x2c8: {  	s10 =	sadd.s32 $0x100, s12;
	(pc) =	sbr.rel @p0 .LBB2_29-.Ltmp21, $4  }
0x2c9: {  	[tilespmem:s10+$0x0] =	vst v8;
	v8 =	vsub.f32 v8, v9  }
0x2ca: {  	v9 =	vsub.f32 v10, v9;
	[tilespmem:s10+$0x10] =	vst v10  }
0x2cb: {  	[tilespmem:s10+$0xFFFFC000] =	vst v8  }
0x2cc: {  	s6 =	sadd.s32 $0x20, s6;
	[tilespmem:s10+$0xFFFFC010] =	vst v9  }
0x2cd: {  	s3 =	sadd.s32 $0x1, s3  }
0x2ce: {  	p0 =	sne.s32 s3, $0x20  }
.Ltmp22:
0x2cf: {  	_ = 	snop;
	(pc) =	sbr.rel @p0 .LBB2_4-.Ltmp22, $4  }
0x2d0: {  	s0 =	sadd.s32 s4, s5  }
0x2d1: {  	s0 =	sshll.u32 s0, $0x2  }
0x2d2: {  	s0 =	sadd.s32 s0, s9  }
0x2d3: {  	[hbm4b:s0+s28] =	stream.strided.scatter [tilespmem:s30], [sflag:$0x2], $0x8000, s29, s28, $0x38;
	[tilespmem:$0x16AD0] =	vst v63  }
0x2d4: {  	s3 =	simm.s32 $0x2  }
0x2d5: {  	_ =	swait.ge [sflag:s3], $0x8000  }
0x2d6: {  	s5 =	rddreg [dreg:$0x7]  }
0x2d7: {  	s0 =	rddreg [dreg:$0x6];
	s5 =	sadd.s32 $0x1, s5  }
0x2d8: {  	p0 =	sne.s32 s5, s0  }
.Ltmp23:
0x2d9: {  	_ = 	snop;
	(pc) =	sbr.rel @p0 .LBB2_1-.Ltmp23, $3  }
0x2da: {  	_ =	sdelay $0x1  }
0x2db: {  	[sflag:s3] =	ssyncset.done $0x0  }
0x2dc: {  	[sflag:s3] =	ssyncadd.s32 $0xFFFF8000  }
0x2dd: {  	_ =	sfence.sel $0x180000  }
0x2de: {  	[bflag:$0x0] =	sbarrier.arrive $0xFFFF  }
0x2df: {  	_ =	strace $0x90000047  }
0x2e0: {  	s0 =	stileid.u32;
	[bflag:$0x2] =	sbarrier.arrive $0xFFFF  }
0x2e1: {  	p0 =	sne.s32 s0, $0x0;
	s0 =	rddreg [dreg:$0x2]  }
0x2e2: {  	s0 =	sadd.s32 @!p0 $0x100000, s0  }
0x2e3: {  	[sflag:s0] =	ssyncadd.tile.s32 @!p0 $0x1;
	_ =	shalt  }
.Lfunc_end2:
_tile_overlayer_lowered:
.L_overlay_start_2:
0x2e4: {  	(tag) =	ssettag $0x2  }
0x2e5: {  	s0 =	rddreg [dreg:$0x0];
	s2 =	stileid.u32  }
0x2e6: {  	s1 =	rddreg [dreg:$0x1];
	p0 =	sne.s32 s2, $0x0  }
0x2e7: {  	s3 =	rddreg [dreg:$0x2];
	[bflag:$0x3] =	sbarrier.arrive $0xFFFF;
	s2 =	simm.s32 @!p0 $0x1C03  }
0x2e8: {  	[timem:s3], [sflag:s2] =	dma.local @!p0 [hbm:s0], s1  }
0x2e9: {  	s0 =	simm.s32 @!p0 $0x3  }
0x2ea: {  	_ =	swait.ge @!p0 [sflag:s0], s1  }
0x2eb: {  	s1 =	ssub.s32 @!p0 $0x0, s1;
	[sflag:s0] =	ssyncset.done @!p0 $0x0  }
0x2ec: {  	[sflag:s0] =	ssyncadd.s32 @!p0 s1  }
0x2ed: {  	[bflag:$0x3] =	sbarrier.arrive $0xFFFF  }
0x2ee: {  	_ =	shalt  }

// kernel: sparse-core-data-format-call.cloned.1.call-start
scs
called_computation_lowered:
.L_overlay_start_0:
0x0: {  	s2 =	sld [smem:$0x3FD9]  }
0x1: {  	s3 =	sld [smem:$0x3FFE];
	_ =	sdelay $0x1  }
0x2: {  	s1 =	srdreg.scid  }
0x3: {  	s0 =	sand.u32 $0x1, s1  }
0x4: {  	s18 =	sshll.u32 s0, $0xA;
	s2 =	sadd.s32 s3, s2  }
0x5: {  	s2 =	sadd.s32 s2, s18  }
0x6: {  	[smem:$0x3FC6] =	sst s2  }
0x7: {  	_ = 	snop  }
0x8: {  	s2 =	sld [smem:$0x3FD0];
	(tm) =	ssettm $0x1  }
0x9: {  	s19 =	sld [smem:$0x3FFB];
	_ =	sdelay $0x3  }
0xa: {  	_ =	strace s19  }
0xb: {  	s3 =	sld [smem:$0x3FFC];
	_ =	sdelay $0x3  }
0xc: {  	_ =	strace s3  }
0xd: {  	s3 =	sld [smem:$0x3FFD];
	_ =	sdelay $0x3  }
0xe: {  	_ =	strace s3  }
0xf: {  	_ =	strace $0x8FFFFFFF  }
0x10: {  	s20 =	sld [smem:$0x3FDB];
	_ =	sdelay $0x1  }
0x11: {  	s4 =	simm.s32 $_scs_section_size  }
0x12: {  	s5 =	simm.s32 $_size__tile_overlayer_lowered;
	s6 =	simm.s32 $_tile_overlayer_lowered  }
0x13: {  	s23 =	simm.s32 $0x1BFF;
	s22 =	sshll.u32 s6, $0x1;
	s3 =	sadd.s32 s4, s20  }
0x14: {  	s7 =	simm.s32 $0x0;
	s21 =	sshll.u32 s5, $0x1;
	s5 =	sadd.s32 s22, s3  }
0x15: {  	[timem:s7], [sflag:s23] =	dma.local [hbm:s5], s21  }
0x16: {  	_ =	swait.ge [sflag:s23], s21  }
0x17: {  	s4 =	ssub.s32 $0x0, s21;
	[sflag:s23] =	ssyncset.done $0x0  }
0x18: {  	[sflag:s23] =	ssyncadd.s32 s4;
	_ =	sdelay $0x1  }
0x19: {  	s24 =	simm.s32 $0x1B8B  }
0x1a: {  	_ =	swait.ge [sflag:s24], $0x1  }
0x1b: {  	[sflag:s24] =	ssyncset.done $0x0  }
0x1c: {  	s26 =	simm.s32 $0x1B8E;
	s25 =	sld [smem:$0x3FFE];
	[sflag:s24] =	ssyncadd.s32 $0xFFFFFFFF  }
0x1d: {  	s27 =	simm.s32 $execute0_lowered;
	[smem:$0x3FD2] =	sst s26  }
0x1e: {  	s5 =	sshll.u32 s27, $0x1;
	_ =	strace $0x80000049;
	[dreg:$0x1] =	wrdreg $0xFFFFFFFF  }
0x1f: {  	s28 =	simm.s32 $_size_execute0_lowered;
	s3 =	sadd.s32 s3, s5;
	[dreg:$0x0] =	wrdreg $0x0  }
0x20: {  	s5 =	sshll.u32 s28, $0x1;
	[dreg:$0x2] =	wrdreg s3  }
0x21: {  	[dreg:$0x3] =	wrdreg s5  }
0x22: {  	[dreg:$0x4] =	wrdreg $0xC0  }
0x23: {  	_ =	task [dreg:s7], $0x5FFFF  }
0x24: {  	[dreg:$0x1] =	wrdreg $0xFFFFFFFF  }
0x25: {  	[dreg:$0x0] =	wrdreg $0x60  }
0x26: {  	[dreg:$0x2] =	wrdreg s25  }
0x27: {  	[dreg:$0x3] =	wrdreg s2  }
0x28: {  	[dreg:$0x4] =	wrdreg $0x9  }
0x29: {  	_ =	task.clear_ibuf [dreg:s7], $0x5FFFF;
	_ =	strace $0x90000049  }
0x2a: {  	s29 =	simm.s32 $0x9;
	_ =	strace $0x8000004B  }
0x2b: {  	_ =	swait.ge [sflag:s29], $0x1  }
0x2c: {  	[sflag:s29] =	ssyncadd.s32 $0xFFFFFFFF  }
0x2d: {  	_ =	strace $0x9000004B  }
0x2e: {  	_ =	sfence  }
0x2f: {  	s30 =	sld [smem:$0x0];
	_ =	sdelay $0x2  }
0x30: {  	s31 =	sshll.u32 s1, $0xD;
	s1 =	sshrl.u32 s1, $0x2  }
0x31: {  	s3 =	sand.u32 $0x4000, s31;
	s1 =	sadd.s32 s1, s30  }
0x32: {  	s0 =	sor.u32 s3, s0;
	s1 =	sshll.u32 s1, $0x11  }
0x33: {  	s0 =	sor.u32 s1, s0  }
0x34: {  	s0 =	sadd.s32 $0x8F2B, s0  }
0x35: {  	[sflag:s0] =	ssyncadd.remote.s32 $0x1  }
0x36: {  	_ =	sfence.sel $0xFFFF  }
0x37: {  	[dreg:$0x0] =	wrdreg $0xFFFFFFFF;
	(pc) =	sbr.abs _section_cstart, $3  }
0x38: {  	[dreg:$0x1] =	wrdreg $0xFFFFFFFF  }
0x39: {  	_ =	task.clear_ibuf [dreg:s7], $0x2FFFF;
	_ =	strace $0x9FFFFFFF  }
0x3a: {  	(tm) =	ssettm $0x7FFFFFFF  }
0x3b: {  	_ =	shalt  }
tec
execute0_lowered:
.L_overlay_start_1:
0x0: {  	(tag) =	ssettag $0x1  }
0x1: {  	s0 =	stileid.u32  }
0x2: {  	s1 =	srdreg.scid;
	s10 =	rddreg [dreg:$0x0];
	s31 =	simm.s32 $0x2  }
0x3: {  	s17 =	simm.s32 $0x0;
	s12 =	simm.s32 $0x8000;
	s18 =	simm.s32 $0x0  }
0x4: {  	s19 =	simm.s32 $0x0;
	s2 =	sshll.u32 s0, $0x1;
	s1 =	sshll.u32 s1, $0x5  }
0x5: {  	s13 =	simm.s32 $0x0;
	s16 =	simm.s32 $0x0;
	s1 =	sor.u32 s2, s1  }
0x6: {  	s4 =	sand.u32 $0x1, s0;
	s2 =	rddreg [dreg:$0x1];
	s3 =	sand.u32 $0x3C, s1  }
0x7: {  	s6 =	ssub.s32 $0x2, s4;
	s1 =	rddreg [dreg:$0x2];
	s5 =	ssub.s32 $0x80, s3  }
0x8: {  	_ =	strace $0x8000004A;
	s8 =	sshrl.u32 s6, $0x1;
	s7 =	sand.u32 $0x3C, s5  }
0x9: {  	s6 =	sand.u32 $0x1, s6;
	p0 =	sne.s32 s7, $0x0;
	s7 =	simm.s32 $0x1  }
0xa: {  	s6 =	sadd.s32 s6, s8;
	s9 =	sshrl.u32 s5, $0x6;
	s7 =	simm.s32 @!p0 $0x0  }
.Ltmp0:
0xb: {  	s5 =	simm.s32 $0x1;
	s7 =	sadd.s32 s7, s9;
	(pc) =	sbr.rel .LBB1_1-.Ltmp0, $4  }
0xc: {  	s15 =	smov.u32 s4;
	[sflag:s5] =	ssyncpa.u1 $0x0;
	s7 =	smul.u32 s7, s6  }
0xd: {  	s8 =	sadd.s32 $0x10800, s10;
	s14 =	smov.u32 s3;
	[sflag:s31] =	ssyncpa.u1 $0x0  }
0xe: {  	p0 =	por $0x0, $0x0;
	s9 =	sadd.s32 $0x20800, s10;
	s7 =	sshll.u32 s7, $0x5  }
0xf: {  	s6 =	sadd.s32 $0x800, s10;
	s10 =	sadd.s32 $0x30800, s10;
	s11 =	sor.u32 $0x1, s7  }
.LBB1_7:
0x10: {  	s20 =	sadd.s32 $0x80, s13  }
0x11: {  	s17 =	sadd.s32 $0x40, s14;
	s21 =	smov.u32 s14;
	p2 =	sgt.s32 s20, $0xFFF  }
0x12: {  	s21 =	smov.u32 @p2 s17  }
0x13: {  	s23 =	smov.u32 s15;
	s17 =	sadd.s32 $0x2, s15;
	p3 =	sgt.s32 s21, $0x7F  }
0x14: {  	s23 =	smov.u32 @p3 s17  }
0x15: {  	s20 =	simm.s32 @p2 $0x0;
	p2 =	sgt.s32 s23, $0x1  }
0x16: {  	p1 =	slt.u32 s16, $0x2;
	s23 =	smov.u32 @p2 s4;
	p2 =	sne.s32 s16, s11  }
.Ltmp1:
0x17: {  	s22 =	simm.s32 @!p1 $0x2;
	(pc) =	sbr.rel @!p2 .LBB1_8-.Ltmp1, $4  }
0x18: {  	s18 =	smov.u32 s14;
	s19 =	smov.u32 s15;
	_ =	swait.ge @!p1 [sflag:s22], $0x4000  }
0x19: {  	p0 =	por !p0, !p0;
	[sflag:s22] =	ssyncset.done @!p1 $0x0;
	s21 =	smov.u32 @p3 s3  }
0x1a: {  	s17 =	smov.u32 s13;
	[sflag:s22] =	ssyncadd.s32 @!p1 $0xFFFFC000;
	s13 =	smov.u32 s20  }
0x1b: {  	s14 =	smov.u32 s21;
	s16 =	sadd.s32 $0x1, s16;
	s15 =	smov.u32 s23  }
.LBB1_1:
0x1c: {  	p1 =	sge.u32 s16, s7  }
0x1d: {  	s20 =	sxor.u32 @!p1 $0xFFFFFFFF, s16;
	s21 =	sshll.u32 @!p1 s15, $0x17;
	s22 =	sshll.u32 @!p1 s14, $0x10  }
0x1e: {  	s24 =	sshll.u32 @!p1 s13, $0x4;
	s25 =	simm.s32 @!p1 $0x20;
	s23 =	sadd.s32 @!p1 s21, s22  }
0x1f: {  	s20 =	sshll.u32 @!p1 s20, $0xE;
	s24 =	sand.u32 @!p1 $0xFFF0, s24;
	s23 =	sadd.s32 @!p1 s6, s23  }
0x20: {  	s26 =	simm.s32 @!p1 $0x80;
	s20 =	sand.u32 @!p1 $0x4000, s20;
	s23 =	sadd.s32 @!p1 s24, s23  }
0x21: {  	[tilespmem:s20], [sflag:$0x1] =	stream.strided.gather @!p1 [hbm4b:s23+s25], $0x1000, s26, s25, $0x38;
	[tilespmem:$0x10100] =	vst v63  }
0x22: {  	s23 =	sadd.s32 @!p1 s21, s8  }
0x23: {  	s23 =	sadd.s32 @!p1 s22, s23  }
0x24: {  	s27 =	sor.u32 @!p1 $0x1000, s20;
	s23 =	sadd.s32 @!p1 s24, s23  }
0x25: {  	[tilespmem:s27], [sflag:$0x1] =	stream.strided.gather @!p1 [hbm4b:s23+s25], $0x1000, s26, s25, $0x38;
	[tilespmem:$0x10100] =	vst v63  }
0x26: {  	s23 =	sadd.s32 @!p1 s21, s9  }
0x27: {  	s21 =	sadd.s32 @!p1 s21, s10;
	s23 =	sadd.s32 @!p1 s22, s23  }
0x28: {  	s27 =	sor.u32 @!p1 $0x2000, s20;
	s21 =	sadd.s32 @!p1 s22, s21;
	s23 =	sadd.s32 @!p1 s24, s23  }
0x29: {  	[tilespmem:s27], [sflag:$0x1] =	stream.strided.gather @!p1 [hbm4b:s23+s25], $0x1000, s26, s25, $0x38;
	[tilespmem:$0x10100] =	vst v63  }
0x2a: {  	s31 =	sadd.s32 $0xFFFFFFFF, s16;
	s20 =	sor.u32 @!p1 $0x3000, s20;
	s21 =	sadd.s32 @!p1 s24, s21  }
0x2b: {  	[tilespmem:s20], [sflag:$0x1] =	stream.strided.gather @!p1 [hbm4b:s21+s25], $0x1000, s26, s25, $0x38;
	[tilespmem:$0x10100] =	vst v63  }
0x2c: {  	p1 =	sge.u32 s31, s7  }
.Ltmp2:
0x2d: {  	_ = 	snop;
	(pc) =	sbr.rel @p1 .LBB1_7-.Ltmp2, $1  }
0x2e: {  	_ =	sdelay $0x3  }
0x2f: {  	s20 =	simm.s32 $0x1;
	s22 =	sand.u32 $0x1, s16  }
0x30: {  	_ =	swait.ge [sflag:s5], $0x4000;
	s20 =	simm.s32 @!p0 $0x0;
	s23 =	smul.u32 $0x10200, s22  }
0x31: {  	[sflag:s5] =	ssyncset.done $0x0;
	s21 =	smul.u32 $0x10200, s20  }
0x32: {  	s20 =	sshll.u32 s20, $0xE;
	[sflag:s5] =	ssyncadd.s32 $0xFFFFC000  }
0x33: {  	s22 =	sor.u32 $0x10, s20;
	s31 =	sshrl.u32 s23, $0x2;
	s21 =	sshrl.u32 s21, $0x2  }
0x34: {  	s23 =	simm.s32 $0x0;
	s20 =	sor.u32 $0x8000, s31;
	s21 =	sor.u32 $0x8000, s21  }
.LBB1_3:
0x35: {  	v1 =	vld [tilespmem:s22+$0x0]  }
0x36: {  	v0 =	vld [tilespmem:s22+$0xFFFFFFF0];
	_ =	sdelay $0x2  }
0x37: {  	s26 =	sadd.s32 $0x0, s21  }
0x38: {  	s24 =	simm.s32 $0x4;
	s25 =	sadd.s32 $0x20, s22;
	[tilespmem:s26+$0x810 ss:$0x81] =	vst.msk $0xffff, v1  }
.LBB1_4:
0x39: {  	v1 =	vld [tilespmem:s25+$0x0];
	p1 =	sne.s32 s24, $0x1FC;
	[tilespmem:s26+$0x0 ss:$0x81] =	vst.msk $0xffff, v0;
	s26 =	smov.u32 s24;
	s24 =	sadd.s32 $0x4, s24  }
.Ltmp3:
0x3a: {  	v0 =	vld [tilespmem:s25+$0xFFFFFFF0];
	(pc) =	sbr.rel @p1 .LBB1_4-.Ltmp3, $4  }
0x3b: {  	_ = 	snop  }
0x3c: {  	s26 =	sshra.s32 s26, $0x2  }
0x3d: {  	s26 =	sadd.s32 s26, s21  }
0x3e: {  	s25 =	sadd.s32 $0x20, s25;
	[tilespmem:s26+$0x810 ss:$0x81] =	vst.msk $0xffff, v1  }
0x3f: {  	s23 =	sadd.s32 $0x1, s23  }
0x40: {  	p1 =	sne.s32 s23, $0x4  }
.Ltmp4:
0x41: {  	_ = 	snop;
	(pc) =	sbr.rel @p1 .LBB1_3-.Ltmp4, $2  }
0x42: {  	_ =	sdelay $0x2  }
0x43: {  	[tilespmem:s26+$0x0 ss:$0x81] =	vst.msk $0xffff, v0;
	s21 =	sadd.s32 $0x1020, s21;
	s22 =	sadd.s32 $0x1000, s22  }
0x44: {  	s21 =	sshll.u32 s17, $0x3;
	s22 =	sand.u32 $0x78, s17  }
0x45: {  	s19 =	sshll.u32 s19, $0x15;
	s18 =	sshll.u32 s18, $0xE;
	s29 =	sand.u32 $0x3E00, s17  }
.Ltmp5:
0x46: {  	s21 =	sand.u32 $0xC00, s21;
	s19 =	sadd.s32 s2, s19;
	(pc) =	sbr.rel .LBB1_7-.Ltmp5, $4  }
0x47: {  	s30 =	sand.u32 $0x7, s17;
	s21 =	sor.u32 s22, s21;
	s18 =	sadd.s32 s18, s19  }
0x48: {  	s17 =	sshll.u32 s30, $0x12;
	s31 =	sshrl.u32 s21, $0x3;
	s18 =	sadd.s32 s29, s18  }
0x49: {  	s17 =	sor.u32 $0x400, s17;
	s18 =	sadd.s32 s31, s18  }
0x4a: {  	[hbm4b:s18+s17] =	stream.strided.scatter [tilespmem:s20], [sflag:$0x2], $0x4000, s12, s17, $0x20;
	[tilespmem:$0x10100] =	vst v63  }
.LBB1_8:
0x4b: {  	_ =	sfence.sel $0x180000  }
0x4c: {  	s2 =	simm.s32 $0x1;
	[bflag:$0x0] =	sbarrier.arrive $0xFFFF  }
0x4d: {  	s31 =	simm.s32 $0x2;
	[sflag:s2] =	ssyncpa.u1 $0x1  }
0x4e: {  	[sflag:s31] =	ssyncpa.u1 $0x1  }
0x4f: {  	p0 =	sne.s32 s0, $0x0;
	_ =	strace $0x9000004A  }
0x50: {  	s0 =	sadd.s32 @!p0 $0x100000, s1;
	[bflag:$0x2] =	sbarrier.arrive $0xFFFF  }
0x51: {  	[sflag:s0] =	ssyncadd.tile.s32 @!p0 $0x1;
	_ =	shalt  }
.Lfunc_end1:
_tile_overlayer_lowered:
.L_overlay_start_2:
0x52: {  	(tag) =	ssettag $0x2  }
0x53: {  	s0 =	rddreg [dreg:$0x0];
	s2 =	stileid.u32  }
0x54: {  	s1 =	rddreg [dreg:$0x1];
	p0 =	sne.s32 s2, $0x0  }
0x55: {  	s3 =	rddreg [dreg:$0x2];
	[bflag:$0x3] =	sbarrier.arrive $0xFFFF;
	s2 =	simm.s32 @!p0 $0x1C01  }
0x56: {  	[timem:s3], [sflag:s2] =	dma.local @!p0 [hbm:s0], s1  }
0x57: {  	s0 =	simm.s32 @!p0 $0x1  }
0x58: {  	_ =	swait.ge @!p0 [sflag:s0], s1  }
0x59: {  	s1 =	ssub.s32 @!p0 $0x0, s1;
	[sflag:s0] =	ssyncset.done @!p0 $0x0  }
0x5a: {  	[sflag:s0] =	ssyncadd.s32 @!p0 s1  }
0x5b: {  	[bflag:$0x3] =	sbarrier.arrive $0xFFFF  }
0x5c: {  	_ =	shalt  }

</sc_bundles>
